<compile_context>
chip_gen: v7x
topology: tpu7x:2x2x1
jax: 0.10.2.dev20260603
libtpu: 0.0.44.dev20260713+nightly
codegen_flags: <defaults>
</compile_context>

<pallas_src>
import functools

import jax
import jax.numpy as jnp
from jax import lax
from jax.experimental import pallas as pl
from jax.experimental.pallas import tpu as pltpu
from jax.experimental.pallas import tpu_sc as plsc

N = 10000
E = 320000
D = 128
D_HID = 256

NC, NS, L = 2, 16, 16
NW = NC * NS
EPW = E // NW
CB = 3200
CBW = 2000
FPT = D // NW

_MESH = plsc.VectorSubcoreMesh(core_axis_name="c", subcore_axis_name="s",
                               num_cores=NC, num_subcores=NS)
_SC_PARAMS = pltpu.CompilerParams(needs_layout_passes=False)


def _wid():
    return lax.axis_index("s") * NC + lax.axis_index("c")


@functools.partial(
    pl.kernel,
    out_type=jax.ShapeDtypeStruct((NW, N), jnp.float32),
    mesh=_MESH,
    compiler_params=_SC_PARAMS,
    scratch_types=[
        pltpu.VMEM((N,), jnp.float32),
        pltpu.VMEM((EPW,), jnp.int32),
        pltpu.VMEM((EPW,), jnp.float32),
        pltpu.SemaphoreType.DMA,
    ],
)
def _deg_partials(col_hbm, ew_hbm, out_hbm, acc, colbuf, ewbuf, sem):
    wid = _wid()
    base = wid * EPW
    pltpu.async_copy(col_hbm.at[pl.ds(base, EPW)], colbuf, sem)
    pltpu.async_copy(ew_hbm.at[pl.ds(base, EPW)], ewbuf, sem)

    @plsc.parallel_loop(0, N // L, unroll=5)
    def zero_body(i):
        acc[pl.ds(i * L, L)] = jnp.zeros((L,), jnp.float32)

    pltpu.make_async_copy(col_hbm.at[pl.ds(0, EPW)], colbuf, sem).wait()
    pltpu.make_async_copy(ew_hbm.at[pl.ds(0, EPW)], ewbuf, sem).wait()

    @plsc.parallel_loop(0, EPW // L, unroll=5)
    def body(i):
        idx = colbuf[pl.ds(i * L, L)]
        w = ewbuf[pl.ds(i * L, L)]
        plsc.addupdate_scatter(acc, [idx], w)

    pltpu.sync_copy(acc, out_hbm.at[wid])


@functools.partial(
    pl.kernel,
    out_type=(jax.ShapeDtypeStruct((E,), jnp.float32),
              jax.ShapeDtypeStruct((E,), jnp.int32)),
    mesh=_MESH,
    compiler_params=_SC_PARAMS,
    scratch_types=[
        pltpu.VMEM((N,), jnp.float32),
        pltpu.VMEM((EPW,), jnp.int32),
        pltpu.VMEM((EPW,), jnp.int32),
        pltpu.VMEM((EPW,), jnp.float32),
        pltpu.VMEM((EPW,), jnp.float32),
        pltpu.VMEM((EPW,), jnp.int32),
        pltpu.SemaphoreType.DMA,
    ],
)
def _edge_norm(row_hbm, col_hbm, ew_hbm, dinv_hbm, out_hbm, pidx_hbm,
               dinvbuf, rowbuf, colbuf, ewbuf, normbuf, pidxbuf, sem):
    wid = _wid()
    base = wid * EPW
    pltpu.async_copy(row_hbm.at[pl.ds(base, EPW)], rowbuf, sem)
    pltpu.async_copy(col_hbm.at[pl.ds(base, EPW)], colbuf, sem)
    pltpu.async_copy(ew_hbm.at[pl.ds(base, EPW)], ewbuf, sem)
    pltpu.sync_copy(dinv_hbm, dinvbuf)
    pltpu.make_async_copy(row_hbm.at[pl.ds(0, EPW)], rowbuf, sem).wait()
    pltpu.make_async_copy(col_hbm.at[pl.ds(0, EPW)], colbuf, sem).wait()
    pltpu.make_async_copy(ew_hbm.at[pl.ds(0, EPW)], ewbuf, sem).wait()

    @plsc.parallel_loop(0, EPW // L, unroll=5)
    def body(i):
        s = pl.ds(i * L, L)
        r = rowbuf[s]
        cc = colbuf[s]
        w = ewbuf[s]
        dr = plsc.load_gather(dinvbuf, [r])
        dc = plsc.load_gather(dinvbuf, [cc])
        normbuf[s] = dr * w * dc
        pidxbuf[s] = jnp.bitwise_or(jnp.left_shift(r, 16), cc)

    pltpu.sync_copy(normbuf, out_hbm.at[pl.ds(base, EPW)])
    pltpu.sync_copy(pidxbuf, pidx_hbm.at[pl.ds(base, EPW)])


@functools.partial(
    pl.kernel,
    out_type=jax.ShapeDtypeStruct((D, N), jnp.float32),
    mesh=_MESH,
    compiler_params=_SC_PARAMS,
    scratch_types=[
        pltpu.VMEM((FPT, N), jnp.float32),
        pltpu.VMEM((FPT, N), jnp.float32),
        pltpu.VMEM((N,), jnp.float32),
        pltpu.VMEM((CB,), jnp.int32),
        pltpu.VMEM((CB,), jnp.int32),
        pltpu.VMEM((CB,), jnp.float32),
        pltpu.VMEM((CB,), jnp.float32),
        pltpu.SemaphoreType.DMA,
        pltpu.SemaphoreType.DMA,
    ],
)
def _agg_t(vt_hbm, pidx_hbm, norm_hbm, d2_hbm, out_hbm,
           vt, acc, d2buf, pidxbuf0, pidxbuf1, normbuf0, normbuf1,
           sem0, sem1):
    wid = _wid()
    f0 = wid * FPT
    NB = E // CB
    sems = (sem0, sem1)
    pidxbufs = (pidxbuf0, pidxbuf1)
    normbufs = (normbuf0, normbuf1)

    def issue(blk, slot):
        off = pl.multiple_of(blk * CB, 8)
        pltpu.async_copy(pidx_hbm.at[pl.ds(off, CB)], pidxbufs[slot], sems[slot])
        pltpu.async_copy(norm_hbm.at[pl.ds(off, CB)], normbufs[slot], sems[slot])

    def drain(slot):
        pltpu.make_async_copy(pidx_hbm.at[pl.ds(0, CB)], pidxbufs[slot],
                              sems[slot]).wait()
        pltpu.make_async_copy(norm_hbm.at[pl.ds(0, CB)], normbufs[slot],
                              sems[slot]).wait()

    issue(0, 0)
    issue(1, 1)

    pltpu.sync_copy(vt_hbm.at[pl.ds(f0, FPT)], vt)
    pltpu.sync_copy(d2_hbm, d2buf)

    for f in range(FPT):
        @plsc.parallel_loop(0, N // L, unroll=5)
        def init_body(i, f=f):
            s = pl.ds(i * L, L)
            acc[f, s] = vt[f, s] * d2buf[s]

    fidx = [jnp.full((L,), f, jnp.int32) for f in range(FPT)]

    def blk_body(k, c):
        for slot in range(2):
            blk = 2 * k + slot
            drain(slot)

            @plsc.parallel_loop(0, CB // L, unroll=8)
            def body(i, slot=slot):
                s = pl.ds(i * L, L)
                pv = pidxbufs[slot][s]
                r = jnp.right_shift(pv, 16)
                cc = jnp.bitwise_and(pv, jnp.int32(0xFFFF))
                nv = normbufs[slot][s]
                for f in range(FPT):
                    g = plsc.load_gather(vt, [fidx[f], r])
                    plsc.addupdate_scatter(acc, [fidx[f], cc], g * nv)

            @pl.when(blk + 2 < NB)
            def _(blk=blk, slot=slot):
                issue(blk + 2, slot)
        return c
    lax.fori_loop(0, NB // 2, blk_body, 0)

    pltpu.sync_copy(acc, out_hbm.at[pl.ds(f0, FPT)])


def _deg_finish_body(part_ref, x_ref, dinv_ref, d2_ref, xt_ref):
    deg = jnp.sum(part_ref[...], axis=0, keepdims=True) + 1.0
    dinv = jnp.where(deg > 0, lax.rsqrt(deg), 0.0)
    dinv_ref[...] = dinv
    d2_ref[...] = dinv * dinv
    xt_ref[...] = x_ref[...].T


def _deg_finish(part, x):
    return pl.pallas_call(
        _deg_finish_body,
        out_shape=(jax.ShapeDtypeStruct((1, N), jnp.float32),
                   jax.ShapeDtypeStruct((1, N), jnp.float32),
                   jax.ShapeDtypeStruct((D, N), jnp.float32)),
    )(part, x)


def _mm1_body(s1t_ref, w1_ref, b1_ref, w2_ref, xemb_ref, gt_ref):
    xe = lax.dot_general(s1t_ref[...], w1_ref[...],
                         (((0,), (0,)), ((), ())),
                         preferred_element_type=jnp.float32) + b1_ref[...]
    xemb_ref[...] = xe
    g = jnp.dot(jnp.maximum(xe, 0.0), w2_ref[...],
                preferred_element_type=jnp.float32)
    gt_ref[...] = g.T


def _mm1(s1t, W1, b1, W2):
    return pl.pallas_call(
        _mm1_body,
        out_shape=(jax.ShapeDtypeStruct((N, D_HID), jnp.float32),
                   jax.ShapeDtypeStruct((D, N), jnp.float32)),
    )(s1t, W1, b1, W2)


def _mm2_body(s2t_ref, b2_ref, wfc_ref, bfc_ref, out_ref, pred_ref):
    o = s2t_ref[...].T + b2_ref[...]
    out_ref[...] = o
    pred_ref[...] = jnp.dot(o, wfc_ref[...],
                            preferred_element_type=jnp.float32) + bfc_ref[...]


def _mm2(s2t, b2, Wfc, bfc):
    return pl.pallas_call(
        _mm2_body,
        out_shape=(jax.ShapeDtypeStruct((N, D), jnp.float32),
                   jax.ShapeDtypeStruct((N, D), jnp.float32)),
    )(s2t, b2, Wfc, bfc)


def kernel(x, edge_index, edge_attr, W1, b1, W2, b2, Wfc, bfc):
    row = edge_index[0]
    col = edge_index[1]

    part = _deg_partials(col, edge_attr)
    dinv2d, d22d, xt = _deg_finish(part, x)
    dinv = dinv2d.reshape(N)
    d2 = d22d.reshape(N)

    norm, pidx = _edge_norm(row, col, edge_attr, dinv)

    s1t = _agg_t(xt, pidx, norm, d2)
    x_emb, gt = _mm1(s1t, W1, b1.reshape(1, D_HID), W2)

    s2t = _agg_t(gt, pidx, norm, d2)
    out, predict = _mm2(s2t, b2.reshape(1, D), Wfc, bfc.reshape(1, D))

    return (out, x_emb, predict)

# --- scband reference (transcript-rebuilt; emitter-appended) ---
"""Pipeline reference for scband-net-962072674897 (READ-ONLY COPY).

The authoritative reference and input builder live on the scoring server;
editing this copy changes nothing except your own understanding.
"""

import jax, jax.numpy as jnp
import numpy as np


def gcn_conv(x, edge_index, edge_weight, W, b):
    # Faithful PyG GCNConv: linear transform, gcn_norm with added self-loops
    # (fill weight 1.0), symmetric normalization, scatter-add aggregation to dst.
    N = x.shape[0]
    row = edge_index[0]
    col = edge_index[1]
    loop = jnp.arange(N, dtype=row.dtype)
    row2 = jnp.concatenate([row, loop])
    col2 = jnp.concatenate([col, loop])
    ew = jnp.concatenate([edge_weight, jnp.ones((N,), dtype=x.dtype)])
    deg = jnp.zeros((N,), dtype=x.dtype).at[col2].add(ew)
    dinv = jnp.where(deg > 0, deg ** -0.5, jnp.zeros_like(deg))
    norm = dinv[row2] * ew * dinv[col2]
    h = x @ W
    msg = h[row2] * norm[:, None]
    out = jnp.zeros((N, W.shape[1]), dtype=x.dtype).at[col2].add(msg)
    return out + b


def setup_inputs(seed: int = 0) -> dict:
    key = jax.random.key(seed)
    ks = jax.random.split(key, 10)
    N, E = 10000, 320000
    D_in, D_hid, D_out = 128, 256, 128
    x = jax.random.normal(ks[0], (N, D_in), dtype=jnp.float32)
    edge_index = jax.random.randint(ks[1], (2, E), 0, N, dtype=jnp.int32)
    edge_attr = jax.random.uniform(ks[2], (E,), dtype=jnp.float32)
    W1 = jax.random.normal(ks[3], (D_in, D_hid), dtype=jnp.float32) * (1.0 / np.sqrt(D_in))
    b1 = jnp.zeros((D_hid,), dtype=jnp.float32)
    W2 = jax.random.normal(ks[4], (D_hid, D_out), dtype=jnp.float32) * (1.0 / np.sqrt(D_hid))
    b2 = jnp.zeros((D_out,), dtype=jnp.float32)
    Wfc = jax.random.normal(ks[5], (D_out, D_out), dtype=jnp.float32) * (1.0 / np.sqrt(D_out))
    bfc = jnp.zeros((D_out,), dtype=jnp.float32)
    return {"x": x, "edge_index": edge_index, "edge_attr": edge_attr,
            "W1": W1, "b1": b1, "W2": W2, "b2": b2, "Wfc": Wfc, "bfc": bfc}


def reference(x, edge_index, edge_attr, W1, b1, W2, b2, Wfc, bfc):
    # Net.forward (eval mode: dropout is identity). LEARNING==clustering branch
    # is materialized so the fc head is exercised; predict returned as 3rd output.
    x_emb = gcn_conv(x, edge_index, edge_attr, W1, b1)
    h = jax.nn.relu(x_emb)
    out = gcn_conv(h, edge_index, edge_attr, W2, b2)
    predict = out @ Wfc + bfc
    return (out, x_emb, predict)

if __name__ == "__main__":
    import jax
    _d = setup_inputs()
    print(jax.jit(kernel)(*tuple(_d.values())))

</pallas_src>

<mosaic_0001>
#map = affine_map<(d0, d1) -> (0)>
#map1 = affine_map<(d0, d1) -> (0, 0)>
module attributes {stable_mosaic.version = 14 : i64} {
  func.func @_deg_partials(%arg0: i32, %arg1: i32, %arg2: memref<320000xi32, #tpu.memory_space<hbm>>, %arg3: memref<320000xf32, #tpu.memory_space<hbm>>, %arg4: memref<32x10000xf32, #tpu.memory_space<hbm>>, %arg5: memref<10000xf32, #tpu.memory_space<vmem>>, %arg6: memref<10000xi32, #tpu.memory_space<vmem>>, %arg7: memref<10000xf32, #tpu.memory_space<vmem>>, %arg8: memref<!tpu.dma_semaphore, #tpu.memory_space<semaphore_mem>>) attributes {dimension_semantics = [#tpu.dimension_semantics<core_parallel>, #tpu.dimension_semantics<subcore_parallel>], iteration_bounds = array<i64: 2, 16>, scalar_prefetch = 0 : i64, scratch_operands = 4 : i64, tpu.core_type = #tpu.core_type<sc_vector_subcore>, window_params = [{transform_indices = #map}, {transform_indices = #map}, {transform_indices = #map1}]} {
    %mul3A = arith.constant 2 : i32
    %mul3A_0 = arith.muli %arg1, %mul3A : i32
    %add3A = arith.addi %mul3A_0, %arg0 : i32
    %mul3A_1 = arith.constant 10000 : i32
    %mul3A_2 = arith.muli %add3A, %mul3A_1 : i32
    %dma_start3A = tpu.memref_slice %arg2[%mul3A_2] : memref<320000xi32, #tpu.memory_space<hbm>> -> memref<10000xi32, #tpu.memory_space<hbm>>
    %dma_start3A_3 = tpu.memref_slice %arg2[%mul3A_2] : memref<320000xi32, #tpu.memory_space<hbm>> -> memref<10000xi32, #tpu.memory_space<hbm>>
    tpu.enqueue_dma source(%dma_start3A_3 : memref<10000xi32, #tpu.memory_space<hbm>>) target(%arg6 : memref<10000xi32, #tpu.memory_space<vmem>>) target_semaphore(%arg8 : memref<!tpu.dma_semaphore, #tpu.memory_space<semaphore_mem>>)
    %dma_start3A_4 = tpu.memref_slice %arg3[%mul3A_2] : memref<320000xf32, #tpu.memory_space<hbm>> -> memref<10000xf32, #tpu.memory_space<hbm>>
    %dma_start3A_5 = tpu.memref_slice %arg3[%mul3A_2] : memref<320000xf32, #tpu.memory_space<hbm>> -> memref<10000xf32, #tpu.memory_space<hbm>>
    tpu.enqueue_dma source(%dma_start3A_5 : memref<10000xf32, #tpu.memory_space<hbm>>) target(%arg7 : memref<10000xf32, #tpu.memory_space<vmem>>) target_semaphore(%arg8 : memref<!tpu.dma_semaphore, #tpu.memory_space<semaphore_mem>>)
    %parallel_loop3A = arith.constant 0 : i32
    %parallel_loop3A_6 = arith.constant 625 : i32
    %parallel_loop3A_7 = arith.constant 1 : i32
    scf.for %parallel_loop3A_18 = %parallel_loop3A to %parallel_loop3A_6 step %parallel_loop3A_7  : i32 {
      %parallel_loop3A_19 = arith.constant 0.000000e+00 : f32
      %parallel_loop3A_20 = vector.broadcast %parallel_loop3A_19 : f32 to vector<16xf32>
      %parallel_loop3A_21 = arith.constant 16 : i32
      %parallel_loop3A_22 = arith.muli %parallel_loop3A_18, %parallel_loop3A_21 : i32
      %parallel_loop3A_23 = arith.index_cast %parallel_loop3A_22 : i32 to index
      %parallel_loop3A_24 = tpu.vector_load %arg5[%parallel_loop3A_23] {strides = array<i32>} : memref<10000xf32, #tpu.memory_space<vmem>>, vector<16xf32>,
      tpu.vector_store %arg5[%parallel_loop3A_23], %parallel_loop3A_20 {strides = array<i32>} : memref<10000xf32, #tpu.memory_space<vmem>>, vector<16xf32>,
    } {sc.loop_unroll_factor = 5 : i64, sc.parallel_access}
    %dma_wait3A = arith.constant 0 : i32
    %dma_wait3A_8 = tpu.memref_slice %arg2[%dma_wait3A] : memref<320000xi32, #tpu.memory_space<hbm>> -> memref<10000xi32, #tpu.memory_space<hbm>>
    %dma_wait3A_9 = arith.constant 0 : i32
    %dma_wait3A_10 = tpu.memref_slice %arg2[%dma_wait3A_9] : memref<320000xi32, #tpu.memory_space<hbm>> -> memref<10000xi32, #tpu.memory_space<hbm>>
    tpu.wait_dma2 semaphore(%arg8 : memref<!tpu.dma_semaphore, #tpu.memory_space<semaphore_mem>>) src(%dma_wait3A_10 : memref<10000xi32, #tpu.memory_space<hbm>>) dst(%arg6 : memref<10000xi32, #tpu.memory_space<vmem>>)
    %dma_wait3A_11 = arith.constant 0 : i32
    %dma_wait3A_12 = tpu.memref_slice %arg3[%dma_wait3A_11] : memref<320000xf32, #tpu.memory_space<hbm>> -> memref<10000xf32, #tpu.memory_space<hbm>>
    %dma_wait3A_13 = arith.constant 0 : i32
    %dma_wait3A_14 = tpu.memref_slice %arg3[%dma_wait3A_13] : memref<320000xf32, #tpu.memory_space<hbm>> -> memref<10000xf32, #tpu.memory_space<hbm>>
    tpu.wait_dma2 semaphore(%arg8 : memref<!tpu.dma_semaphore, #tpu.memory_space<semaphore_mem>>) src(%dma_wait3A_14 : memref<10000xf32, #tpu.memory_space<hbm>>) dst(%arg7 : memref<10000xf32, #tpu.memory_space<vmem>>)
    %parallel_loop3A_15 = arith.constant 0 : i32
    %parallel_loop3A_16 = arith.constant 625 : i32
    %parallel_loop3A_17 = arith.constant 1 : i32
    scf.for %parallel_loop3A_18 = %parallel_loop3A_15 to %parallel_loop3A_16 step %parallel_loop3A_17  : i32 {
      %parallel_loop3A_19 = arith.constant 16 : i32
      %parallel_loop3A_20 = arith.muli %parallel_loop3A_18, %parallel_loop3A_19 : i32
      %parallel_loop3A_21 = arith.index_cast %parallel_loop3A_20 : i32 to index
      %parallel_loop3A_22 = tpu.vector_load %arg6[%parallel_loop3A_21] {strides = array<i32>} : memref<10000xi32, #tpu.memory_space<vmem>>, vector<16xi32>,
      %parallel_loop3A_23 = arith.constant 16 : i32
      %parallel_loop3A_24 = arith.muli %parallel_loop3A_18, %parallel_loop3A_23 : i32
      %parallel_loop3A_25 = arith.index_cast %parallel_loop3A_24 : i32 to index
      %parallel_loop3A_26 = tpu.vector_load %arg7[%parallel_loop3A_25] {strides = array<i32>} : memref<10000xf32, #tpu.memory_space<vmem>>, vector<16xf32>,
      tpu.vector_store_idx %arg5[%parallel_loop3A_22], %parallel_loop3A_26 {add = true} : memref<10000xf32, #tpu.memory_space<vmem>>[vector<16xi32>], vector<16xf32>,
    } {sc.loop_unroll_factor = 5 : i64, sc.parallel_access}
    "tpu.region"() ({
      %run_scoped3A = tpu.sem_alloc : memref<!tpu.dma_semaphore, #tpu.memory_space<semaphore_mem>>
      %dma_start3A_18 = arith.constant 0 : i32
      %dma_start3A_19 = tpu.memref_slice %arg4[%add3A, %dma_start3A_18] : memref<32x10000xf32, #tpu.memory_space<hbm>> -> memref<1x10000xf32, #tpu.memory_space<hbm>>
      %dma_start3A_20 = tpu.memref_squeeze %dma_start3A_19 : memref<1x10000xf32, #tpu.memory_space<hbm>> -> memref<10000xf32, #tpu.memory_space<hbm>>
      %dma_start3A_21 = arith.constant 0 : i32
      %dma_start3A_22 = tpu.memref_slice %arg4[%add3A, %dma_start3A_21] : memref<32x10000xf32, #tpu.memory_space<hbm>> -> memref<1x10000xf32, #tpu.memory_space<hbm>>
      %dma_start3A_23 = tpu.memref_squeeze %dma_start3A_22 : memref<1x10000xf32, #tpu.memory_space<hbm>> -> memref<10000xf32, #tpu.memory_space<hbm>>
      tpu.enqueue_dma source(%arg5 : memref<10000xf32, #tpu.memory_space<vmem>>) target(%dma_start3A_23 : memref<10000xf32, #tpu.memory_space<hbm>>) target_semaphore(%run_scoped3A : memref<!tpu.dma_semaphore, #tpu.memory_space<semaphore_mem>>)
      %dma_wait3A_24 = arith.constant 0 : i32
      %dma_wait3A_25 = tpu.memref_slice %arg4[%add3A, %dma_wait3A_24] : memref<32x10000xf32, #tpu.memory_space<hbm>> -> memref<1x10000xf32, #tpu.memory_space<hbm>>
      %dma_wait3A_26 = tpu.memref_squeeze %dma_wait3A_25 : memref<1x10000xf32, #tpu.memory_space<hbm>> -> memref<10000xf32, #tpu.memory_space<hbm>>
      %dma_wait3A_27 = arith.constant 0 : i32
      %dma_wait3A_28 = tpu.memref_slice %arg4[%add3A, %dma_wait3A_27] : memref<32x10000xf32, #tpu.memory_space<hbm>> -> memref<1x10000xf32, #tpu.memory_space<hbm>>
      %dma_wait3A_29 = tpu.memref_squeeze %dma_wait3A_28 : memref<1x10000xf32, #tpu.memory_space<hbm>> -> memref<10000xf32, #tpu.memory_space<hbm>>
      tpu.wait_dma2 semaphore(%run_scoped3A : memref<!tpu.dma_semaphore, #tpu.memory_space<semaphore_mem>>) src(%arg5 : memref<10000xf32, #tpu.memory_space<vmem>>) dst(%dma_wait3A_29 : memref<10000xf32, #tpu.memory_space<hbm>>)
      tpu.yield
    }) : () -> ()
    return
  }
}

#map = affine_map<(d0, d1) -> (0, 0)>
#map1 = affine_map<(d0, d1) -> (0)>
module attributes {stable_mosaic.version = 14 : i64} {
  func.func @_agg_t(%arg0: i32, %arg1: i32, %arg2: memref<128x10000xf32, #tpu.memory_space<hbm>>, %arg3: memref<320000xi32, #tpu.memory_space<hbm>>, %arg4: memref<320000xf32, #tpu.memory_space<hbm>>, %arg5: memref<10000xf32, #tpu.memory_space<hbm>>, %arg6: memref<128x10000xf32, #tpu.memory_space<hbm>>, %arg7: memref<4x10000xf32, #tpu.memory_space<vmem>>, %arg8: memref<4x10000xf32, #tpu.memory_space<vmem>>, %arg9: memref<10000xf32, #tpu.memory_space<vmem>>, %arg10: memref<3200xi32, #tpu.memory_space<vmem>>, %arg11: memref<3200xi32, #tpu.memory_space<vmem>>, %arg12: memref<3200xf32, #tpu.memory_space<vmem>>, %arg13: memref<3200xf32, #tpu.memory_space<vmem>>, %arg14: memref<!tpu.dma_semaphore, #tpu.memory_space<semaphore_mem>>, %arg15: memref<!tpu.dma_semaphore, #tpu.memory_space<semaphore_mem>>) attributes {dimension_semantics = [#tpu.dimension_semantics<core_parallel>, #tpu.dimension_semantics<subcore_parallel>], iteration_bounds = array<i64: 2, 16>, scalar_prefetch = 0 : i64, scratch_operands = 9 : i64, tpu.core_type = #tpu.core_type<sc_vector_subcore>, window_params = [{transform_indices = #map}, {transform_indices = #map1}, {transform_indices = #map1}, {transform_indices = #map1}, {transform_indices = #map}]} {
    %mul3A = arith.constant 2 : i32
    %mul3A_0 = arith.muli %arg1, %mul3A : i32
    %add3A = arith.addi %mul3A_0, %arg0 : i32
    %mul3A_1 = arith.constant 4 : i32
    %mul3A_2 = arith.muli %add3A, %mul3A_1 : i32
    %multiple_of3A = arith.constant 0 : i32
    %multiple_of3A_3 = tpu.assume_multiple %multiple_of3A, 8 : i32
    %dma_start3A = tpu.memref_slice %arg3[%multiple_of3A_3] : memref<320000xi32, #tpu.memory_space<hbm>> -> memref<3200xi32, #tpu.memory_space<hbm>>
    %dma_start3A_4 = tpu.memref_slice %arg3[%multiple_of3A_3] : memref<320000xi32, #tpu.memory_space<hbm>> -> memref<3200xi32, #tpu.memory_space<hbm>>
    tpu.enqueue_dma source(%dma_start3A_4 : memref<3200xi32, #tpu.memory_space<hbm>>) target(%arg10 : memref<3200xi32, #tpu.memory_space<vmem>>) target_semaphore(%arg14 : memref<!tpu.dma_semaphore, #tpu.memory_space<semaphore_mem>>)
    %dma_start3A_5 = tpu.memref_slice %arg4[%multiple_of3A_3] : memref<320000xf32, #tpu.memory_space<hbm>> -> memref<3200xf32, #tpu.memory_space<hbm>>
    %dma_start3A_6 = tpu.memref_slice %arg4[%multiple_of3A_3] : memref<320000xf32, #tpu.memory_space<hbm>> -> memref<3200xf32, #tpu.memory_space<hbm>>
    tpu.enqueue_dma source(%dma_start3A_6 : memref<3200xf32, #tpu.memory_space<hbm>>) target(%arg12 : memref<3200xf32, #tpu.memory_space<vmem>>) target_semaphore(%arg14 : memref<!tpu.dma_semaphore, #tpu.memory_space<semaphore_mem>>)
    %multiple_of3A_7 = arith.constant 3200 : i32
    %multiple_of3A_8 = tpu.assume_multiple %multiple_of3A_7, 8 : i32
    %dma_start3A_9 = tpu.memref_slice %arg3[%multiple_of3A_8] : memref<320000xi32, #tpu.memory_space<hbm>> -> memref<3200xi32, #tpu.memory_space<hbm>>
    %dma_start3A_10 = tpu.memref_slice %arg3[%multiple_of3A_8] : memref<320000xi32, #tpu.memory_space<hbm>> -> memref<3200xi32, #tpu.memory_space<hbm>>
    tpu.enqueue_dma source(%dma_start3A_10 : memref<3200xi32, #tpu.memory_space<hbm>>) target(%arg11 : memref<3200xi32, #tpu.memory_space<vmem>>) target_semaphore(%arg15 : memref<!tpu.dma_semaphore, #tpu.memory_space<semaphore_mem>>)
    %dma_start3A_11 = tpu.memref_slice %arg4[%multiple_of3A_8] : memref<320000xf32, #tpu.memory_space<hbm>> -> memref<3200xf32, #tpu.memory_space<hbm>>
    %dma_start3A_12 = tpu.memref_slice %arg4[%multiple_of3A_8] : memref<320000xf32, #tpu.memory_space<hbm>> -> memref<3200xf32, #tpu.memory_space<hbm>>
    tpu.enqueue_dma source(%dma_start3A_12 : memref<3200xf32, #tpu.memory_space<hbm>>) target(%arg13 : memref<3200xf32, #tpu.memory_space<vmem>>) target_semaphore(%arg15 : memref<!tpu.dma_semaphore, #tpu.memory_space<semaphore_mem>>)
    "tpu.region"() ({
      %run_scoped3A = tpu.sem_alloc : memref<!tpu.dma_semaphore, #tpu.memory_space<semaphore_mem>>
      %dma_start3A_36 = arith.constant 0 : i32
      %dma_start3A_37 = tpu.memref_slice %arg2[%mul3A_2, %dma_start3A_36] : memref<128x10000xf32, #tpu.memory_space<hbm>> -> memref<4x10000xf32, #tpu.memory_space<hbm>>
      %dma_start3A_38 = arith.constant 0 : i32
      %dma_start3A_39 = tpu.memref_slice %arg2[%mul3A_2, %dma_start3A_38] : memref<128x10000xf32, #tpu.memory_space<hbm>> -> memref<4x10000xf32, #tpu.memory_space<hbm>>
      tpu.enqueue_dma source(%dma_start3A_39 : memref<4x10000xf32, #tpu.memory_space<hbm>>) target(%arg7 : memref<4x10000xf32, #tpu.memory_space<vmem>>) target_semaphore(%run_scoped3A : memref<!tpu.dma_semaphore, #tpu.memory_space<semaphore_mem>>)
      %dma_wait3A = arith.constant 0 : i32
      %dma_wait3A_40 = tpu.memref_slice %arg2[%mul3A_2, %dma_wait3A] : memref<128x10000xf32, #tpu.memory_space<hbm>> -> memref<4x10000xf32, #tpu.memory_space<hbm>>
      %dma_wait3A_41 = arith.constant 0 : i32
      %dma_wait3A_42 = tpu.memref_slice %arg2[%mul3A_2, %dma_wait3A_41] : memref<128x10000xf32, #tpu.memory_space<hbm>> -> memref<4x10000xf32, #tpu.memory_space<hbm>>
      tpu.wait_dma2 semaphore(%run_scoped3A : memref<!tpu.dma_semaphore, #tpu.memory_space<semaphore_mem>>) src(%dma_wait3A_42 : memref<4x10000xf32, #tpu.memory_space<hbm>>) dst(%arg7 : memref<4x10000xf32, #tpu.memory_space<vmem>>)
      tpu.yield
    }) : () -> ()
    "tpu.region"() ({
      %run_scoped3A = tpu.sem_alloc : memref<!tpu.dma_semaphore, #tpu.memory_space<semaphore_mem>>
      tpu.enqueue_dma source(%arg5 : memref<10000xf32, #tpu.memory_space<hbm>>) target(%arg9 : memref<10000xf32, #tpu.memory_space<vmem>>) target_semaphore(%run_scoped3A : memref<!tpu.dma_semaphore, #tpu.memory_space<semaphore_mem>>)
      tpu.wait_dma2 semaphore(%run_scoped3A : memref<!tpu.dma_semaphore, #tpu.memory_space<semaphore_mem>>) src(%arg5 : memref<10000xf32, #tpu.memory_space<hbm>>) dst(%arg9 : memref<10000xf32, #tpu.memory_space<vmem>>)
      tpu.yield
    }) : () -> ()
    %parallel_loop3A = arith.constant 0 : i32
    %parallel_loop3A_13 = arith.constant 625 : i32
    %parallel_loop3A_14 = arith.constant 1 : i32
    scf.for %parallel_loop3A_36 = %parallel_loop3A to %parallel_loop3A_13 step %parallel_loop3A_14  : i32 {
      %parallel_loop3A_37 = arith.constant 16 : i32
      %parallel_loop3A_38 = arith.muli %parallel_loop3A_36, %parallel_loop3A_37 : i32
      %parallel_loop3A_39 = arith.constant 0 : i32
      %parallel_loop3A_40 = arith.index_cast %parallel_loop3A_39 : i32 to index
      %parallel_loop3A_41 = arith.index_cast %parallel_loop3A_38 : i32 to index
      %parallel_loop3A_42 = tpu.vector_load %arg7[%parallel_loop3A_40, %parallel_loop3A_41] {strides = array<i32>} : memref<4x10000xf32, #tpu.memory_space<vmem>>, vector<16xf32>,
      %parallel_loop3A_43 = arith.index_cast %parallel_loop3A_38 : i32 to index
      %parallel_loop3A_44 = tpu.vector_load %arg9[%parallel_loop3A_43] {strides = array<i32>} : memref<10000xf32, #tpu.memory_space<vmem>>, vector<16xf32>,
      %parallel_loop3A_45 = arith.mulf %parallel_loop3A_42, %parallel_loop3A_44 : vector<16xf32>
      %parallel_loop3A_46 = arith.constant 0 : i32
      %parallel_loop3A_47 = arith.index_cast %parallel_loop3A_46 : i32 to index
      %parallel_loop3A_48 = arith.index_cast %parallel_loop3A_38 : i32 to index
      %parallel_loop3A_49 = tpu.vector_load %arg8[%parallel_loop3A_47, %parallel_loop3A_48] {strides = array<i32>} : memref<4x10000xf32, #tpu.memory_space<vmem>>, vector<16xf32>,
      tpu.vector_store %arg8[%parallel_loop3A_47, %parallel_loop3A_48], %parallel_loop3A_45 {strides = array<i32>} : memref<4x10000xf32, #tpu.memory_space<vmem>>, vector<16xf32>,
    } {sc.loop_unroll_factor = 5 : i64, sc.parallel_access}
    %parallel_loop3A_15 = arith.constant 0 : i32
    %parallel_loop3A_16 = arith.constant 625 : i32
    %parallel_loop3A_17 = arith.constant 1 : i32
    scf.for %parallel_loop3A_36 = %parallel_loop3A_15 to %parallel_loop3A_16 step %parallel_loop3A_17  : i32 {
      %parallel_loop3A_37 = arith.constant 16 : i32
      %parallel_loop3A_38 = arith.muli %parallel_loop3A_36, %parallel_loop3A_37 : i32
      %parallel_loop3A_39 = arith.constant 1 : i32
      %parallel_loop3A_40 = arith.index_cast %parallel_loop3A_39 : i32 to index
      %parallel_loop3A_41 = arith.index_cast %parallel_loop3A_38 : i32 to index
      %parallel_loop3A_42 = tpu.vector_load %arg7[%parallel_loop3A_40, %parallel_loop3A_41] {strides = array<i32>} : memref<4x10000xf32, #tpu.memory_space<vmem>>, vector<16xf32>,
      %parallel_loop3A_43 = arith.index_cast %parallel_loop3A_38 : i32 to index
      %parallel_loop3A_44 = tpu.vector_load %arg9[%parallel_loop3A_43] {strides = array<i32>} : memref<10000xf32, #tpu.memory_space<vmem>>, vector<16xf32>,
      %parallel_loop3A_45 = arith.mulf %parallel_loop3A_42, %parallel_loop3A_44 : vector<16xf32>
      %parallel_loop3A_46 = arith.constant 1 : i32
      %parallel_loop3A_47 = arith.index_cast %parallel_loop3A_46 : i32 to index
      %parallel_loop3A_48 = arith.index_cast %parallel_loop3A_38 : i32 to index
      %parallel_loop3A_49 = tpu.vector_load %arg8[%parallel_loop3A_47, %parallel_loop3A_48] {strides = array<i32>} : memref<4x10000xf32, #tpu.memory_space<vmem>>, vector<16xf32>,
      tpu.vector_store %arg8[%parallel_loop3A_47, %parallel_loop3A_48], %parallel_loop3A_45 {strides = array<i32>} : memref<4x10000xf32, #tpu.memory_space<vmem>>, vector<16xf32>,
    } {sc.loop_unroll_factor = 5 : i64, sc.parallel_access}
    %parallel_loop3A_18 = arith.constant 0 : i32
    %parallel_loop3A_19 = arith.constant 625 : i32
    %parallel_loop3A_20 = arith.constant 1 : i32
    scf.for %parallel_loop3A_36 = %parallel_loop3A_18 to %parallel_loop3A_19 step %parallel_loop3A_20  : i32 {
      %parallel_loop3A_37 = arith.constant 16 : i32
      %parallel_loop3A_38 = arith.muli %parallel_loop3A_36, %parallel_loop3A_37 : i32
      %parallel_loop3A_39 = arith.constant 2 : i32
      %parallel_loop3A_40 = arith.index_cast %parallel_loop3A_39 : i32 to index
      %parallel_loop3A_41 = arith.index_cast %parallel_loop3A_38 : i32 to index
      %parallel_loop3A_42 = tpu.vector_load %arg7[%parallel_loop3A_40, %parallel_loop3A_41] {strides = array<i32>} : memref<4x10000xf32, #tpu.memory_space<vmem>>, vector<16xf32>,
      %parallel_loop3A_43 = arith.index_cast %parallel_loop3A_38 : i32 to index
      %parallel_loop3A_44 = tpu.vector_load %arg9[%parallel_loop3A_43] {strides = array<i32>} : memref<10000xf32, #tpu.memory_space<vmem>>, vector<16xf32>,
      %parallel_loop3A_45 = arith.mulf %parallel_loop3A_42, %parallel_loop3A_44 : vector<16xf32>
      %parallel_loop3A_46 = arith.constant 2 : i32
      %parallel_loop3A_47 = arith.index_cast %parallel_loop3A_46 : i32 to index
      %parallel_loop3A_48 = arith.index_cast %parallel_loop3A_38 : i32 to index
      %parallel_loop3A_49 = tpu.vector_load %arg8[%parallel_loop3A_47, %parallel_loop3A_48] {strides = array<i32>} : memref<4x10000xf32, #tpu.memory_space<vmem>>, vector<16xf32>,
      tpu.vector_store %arg8[%parallel_loop3A_47, %parallel_loop3A_48], %parallel_loop3A_45 {strides = array<i32>} : memref<4x10000xf32, #tpu.memory_space<vmem>>, vector<16xf32>,
    } {sc.loop_unroll_factor = 5 : i64, sc.parallel_access}
    %parallel_loop3A_21 = arith.constant 0 : i32
    %parallel_loop3A_22 = arith.constant 625 : i32
    %parallel_loop3A_23 = arith.constant 1 : i32
    scf.for %parallel_loop3A_36 = %parallel_loop3A_21 to %parallel_loop3A_22 step %parallel_loop3A_23  : i32 {
      %parallel_loop3A_37 = arith.constant 16 : i32
      %parallel_loop3A_38 = arith.muli %parallel_loop3A_36, %parallel_loop3A_37 : i32
      %parallel_loop3A_39 = arith.constant 3 : i32
      %parallel_loop3A_40 = arith.index_cast %parallel_loop3A_39 : i32 to index
      %parallel_loop3A_41 = arith.index_cast %parallel_loop3A_38 : i32 to index
      %parallel_loop3A_42 = tpu.vector_load %arg7[%parallel_loop3A_40, %parallel_loop3A_41] {strides = array<i32>} : memref<4x10000xf32, #tpu.memory_space<vmem>>, vector<16xf32>,
      %parallel_loop3A_43 = arith.index_cast %parallel_loop3A_38 : i32 to index
      %parallel_loop3A_44 = tpu.vector_load %arg9[%parallel_loop3A_43] {strides = array<i32>} : memref<10000xf32, #tpu.memory_space<vmem>>, vector<16xf32>,
      %parallel_loop3A_45 = arith.mulf %parallel_loop3A_42, %parallel_loop3A_44 : vector<16xf32>
      %parallel_loop3A_46 = arith.constant 3 : i32
      %parallel_loop3A_47 = arith.index_cast %parallel_loop3A_46 : i32 to index
      %parallel_loop3A_48 = arith.index_cast %parallel_loop3A_38 : i32 to index
      %parallel_loop3A_49 = tpu.vector_load %arg8[%parallel_loop3A_47, %parallel_loop3A_48] {strides = array<i32>} : memref<4x10000xf32, #tpu.memory_space<vmem>>, vector<16xf32>,
      tpu.vector_store %arg8[%parallel_loop3A_47, %parallel_loop3A_48], %parallel_loop3A_45 {strides = array<i32>} : memref<4x10000xf32, #tpu.memory_space<vmem>>, vector<16xf32>,
    } {sc.loop_unroll_factor = 5 : i64, sc.parallel_access}
    %broadcast_in_dim3A = arith.constant 0 : i32
    %broadcast_in_dim3A_24 = vector.broadcast %broadcast_in_dim3A : i32 to vector<16xi32>
    %broadcast_in_dim3A_25 = arith.constant 1 : i32
    %broadcast_in_dim3A_26 = vector.broadcast %broadcast_in_dim3A_25 : i32 to vector<16xi32>
    %broadcast_in_dim3A_27 = arith.constant 2 : i32
    %broadcast_in_dim3A_28 = vector.broadcast %broadcast_in_dim3A_27 : i32 to vector<16xi32>
    %broadcast_in_dim3A_29 = arith.constant 3 : i32
    %broadcast_in_dim3A_30 = vector.broadcast %broadcast_in_dim3A_29 : i32 to vector<16xi32>
    %scan3A = arith.constant 0 : i32
    %scan3A_31 = arith.constant 0 : i32
    %scan3A_32 = arith.constant 50 : i32
    %scan3A_33 = arith.addi %scan3A_31, %scan3A_32 : i32
    %scan3A_34 = arith.constant 1 : i32
    scf.for %scan3A_36 = %scan3A_31 to %scan3A_33 step %scan3A_34  : i32 {
      %mul3A_37 = arith.constant 2 : i32
      %mul3A_38 = arith.muli %mul3A_37, %scan3A_36 : i32
      %add3A_39 = arith.constant 0 : i32
      %add3A_40 = arith.addi %mul3A_38, %add3A_39 : i32
      %dma_wait3A = arith.constant 0 : i32
      %dma_wait3A_41 = tpu.memref_slice %arg3[%dma_wait3A] : memref<320000xi32, #tpu.memory_space<hbm>> -> memref<3200xi32, #tpu.memory_space<hbm>>
      %dma_wait3A_42 = arith.constant 0 : i32
      %dma_wait3A_43 = tpu.memref_slice %arg3[%dma_wait3A_42] : memref<320000xi32, #tpu.memory_space<hbm>> -> memref<3200xi32, #tpu.memory_space<hbm>>
      tpu.wait_dma2 semaphore(%arg14 : memref<!tpu.dma_semaphore, #tpu.memory_space<semaphore_mem>>) src(%dma_wait3A_43 : memref<3200xi32, #tpu.memory_space<hbm>>) dst(%arg10 : memref<3200xi32, #tpu.memory_space<vmem>>)
      %dma_wait3A_44 = arith.constant 0 : i32
      %dma_wait3A_45 = tpu.memref_slice %arg4[%dma_wait3A_44] : memref<320000xf32, #tpu.memory_space<hbm>> -> memref<3200xf32, #tpu.memory_space<hbm>>
      %dma_wait3A_46 = arith.constant 0 : i32
      %dma_wait3A_47 = tpu.memref_slice %arg4[%dma_wait3A_46] : memref<320000xf32, #tpu.memory_space<hbm>> -> memref<3200xf32, #tpu.memory_space<hbm>>
      tpu.wait_dma2 semaphore(%arg14 : memref<!tpu.dma_semaphore, #tpu.memory_space<semaphore_mem>>) src(%dma_wait3A_47 : memref<3200xf32, #tpu.memory_space<hbm>>) dst(%arg12 : memref<3200xf32, #tpu.memory_space<vmem>>)
      %parallel_loop3A_48 = arith.constant 0 : i32
      %parallel_loop3A_49 = arith.constant 200 : i32
      %parallel_loop3A_50 = arith.constant 1 : i32
      scf.for %parallel_loop3A_77 = %parallel_loop3A_48 to %parallel_loop3A_49 step %parallel_loop3A_50  : i32 {
        %parallel_loop3A_78 = arith.constant 16 : i32
        %parallel_loop3A_79 = arith.muli %parallel_loop3A_77, %parallel_loop3A_78 : i32
        %parallel_loop3A_80 = arith.index_cast %parallel_loop3A_79 : i32 to index
        %parallel_loop3A_81 = tpu.vector_load %arg10[%parallel_loop3A_80] {strides = array<i32>} : memref<3200xi32, #tpu.memory_space<vmem>>, vector<16xi32>,
        %parallel_loop3A_82 = arith.constant 16 : i32
        %parallel_loop3A_83 = vector.broadcast %parallel_loop3A_82 : i32 to vector<16xi32>
        %parallel_loop3A_84 = arith.shrsi %parallel_loop3A_81, %parallel_loop3A_83 : vector<16xi32>
        %parallel_loop3A_85 = arith.constant 65535 : i32
        %parallel_loop3A_86 = vector.broadcast %parallel_loop3A_85 : i32 to vector<16xi32>
        %parallel_loop3A_87 = arith.andi %parallel_loop3A_81, %parallel_loop3A_86 : vector<16xi32>
        %parallel_loop3A_88 = arith.index_cast %parallel_loop3A_79 : i32 to index
        %parallel_loop3A_89 = tpu.vector_load %arg12[%parallel_loop3A_88] {strides = array<i32>} : memref<3200xf32, #tpu.memory_space<vmem>>, vector<16xf32>,
        %parallel_loop3A_90 = tpu.vector_load_idx %arg7[%broadcast_in_dim3A_24, %parallel_loop3A_84] : memref<4x10000xf32, #tpu.memory_space<vmem>>[vector<16xi32>, vector<16xi32>], vector<16xf32>,
        %parallel_loop3A_91 = arith.mulf %parallel_loop3A_90, %parallel_loop3A_89 : vector<16xf32>
        tpu.vector_store_idx %arg8[%broadcast_in_dim3A_24, %parallel_loop3A_87], %parallel_loop3A_91 {add = true} : memref<4x10000xf32, #tpu.memory_space<vmem>>[vector<16xi32>, vector<16xi32>], vector<16xf32>,
        %parallel_loop3A_92 = tpu.vector_load_idx %arg7[%broadcast_in_dim3A_26, %parallel_loop3A_84] : memref<4x10000xf32, #tpu.memory_space<vmem>>[vector<16xi32>, vector<16xi32>], vector<16xf32>,
        %parallel_loop3A_93 = arith.mulf %parallel_loop3A_92, %parallel_loop3A_89 : vector<16xf32>
        tpu.vector_store_idx %arg8[%broadcast_in_dim3A_26, %parallel_loop3A_87], %parallel_loop3A_93 {add = true} : memref<4x10000xf32, #tpu.memory_space<vmem>>[vector<16xi32>, vector<16xi32>], vector<16xf32>,
        %parallel_loop3A_94 = tpu.vector_load_idx %arg7[%broadcast_in_dim3A_28, %parallel_loop3A_84] : memref<4x10000xf32, #tpu.memory_space<vmem>>[vector<16xi32>, vector<16xi32>], vector<16xf32>,
        %parallel_loop3A_95 = arith.mulf %parallel_loop3A_94, %parallel_loop3A_89 : vector<16xf32>
        tpu.vector_store_idx %arg8[%broadcast_in_dim3A_28, %parallel_loop3A_87], %parallel_loop3A_95 {add = true} : memref<4x10000xf32, #tpu.memory_space<vmem>>[vector<16xi32>, vector<16xi32>], vector<16xf32>,
        %parallel_loop3A_96 = tpu.vector_load_idx %arg7[%broadcast_in_dim3A_30, %parallel_loop3A_84] : memref<4x10000xf32, #tpu.memory_space<vmem>>[vector<16xi32>, vector<16xi32>], vector<16xf32>,
        %parallel_loop3A_97 = arith.mulf %parallel_loop3A_96, %parallel_loop3A_89 : vector<16xf32>
        tpu.vector_store_idx %arg8[%broadcast_in_dim3A_30, %parallel_loop3A_87], %parallel_loop3A_97 {add = true} : memref<4x10000xf32, #tpu.memory_space<vmem>>[vector<16xi32>, vector<16xi32>], vector<16xf32>,
      } {sc.loop_unroll_factor = 8 : i64, sc.parallel_access}
      %add3A_51 = arith.constant 2 : i32
      %add3A_52 = arith.addi %add3A_40, %add3A_51 : i32
      %lt3A = arith.constant 100 : i32
      %lt3A_53 = arith.cmpi slt, %add3A_52, %lt3A : i32
      %convert_element_type3A = arith.extui %lt3A_53 : i1 to i32
      %cond3A = arith.constant 0 : i32
      %cond3A_54 = arith.cmpi ne, %convert_element_type3A, %cond3A : i32
      scf.if %cond3A_54 {
        %add3A_77 = arith.constant 2 : i32
        %add3A_78 = arith.addi %add3A_40, %add3A_77 : i32
        %mul3A_79 = arith.constant 3200 : i32
        %mul3A_80 = arith.muli %add3A_78, %mul3A_79 : i32
        %multiple_of3A_81 = tpu.assume_multiple %mul3A_80, 8 : i32
        %dma_start3A_82 = tpu.memref_slice %arg3[%multiple_of3A_81] : memref<320000xi32, #tpu.memory_space<hbm>> -> memref<3200xi32, #tpu.memory_space<hbm>>
        %dma_start3A_83 = tpu.memref_slice %arg3[%multiple_of3A_81] : memref<320000xi32, #tpu.memory_space<hbm>> -> memref<3200xi32, #tpu.memory_space<hbm>>
        tpu.enqueue_dma source(%dma_start3A_83 : memref<3200xi32, #tpu.memory_space<hbm>>) target(%arg10 : memref<3200xi32, #tpu.memory_space<vmem>>) target_semaphore(%arg14 : memref<!tpu.dma_semaphore, #tpu.memory_space<semaphore_mem>>)
        %dma_start3A_84 = tpu.memref_slice %arg4[%multiple_of3A_81] : memref<320000xf32, #tpu.memory_space<hbm>> -> memref<3200xf32, #tpu.memory_space<hbm>>
        %dma_start3A_85 = tpu.memref_slice %arg4[%multiple_of3A_81] : memref<320000xf32, #tpu.memory_space<hbm>> -> memref<3200xf32, #tpu.memory_space<hbm>>
        tpu.enqueue_dma source(%dma_start3A_85 : memref<3200xf32, #tpu.memory_space<hbm>>) target(%arg12 : memref<3200xf32, #tpu.memory_space<vmem>>) target_semaphore(%arg14 : memref<!tpu.dma_semaphore, #tpu.memory_space<semaphore_mem>>)
      } else {
      }
      %mul3A_55 = arith.constant 2 : i32
      %mul3A_56 = arith.muli %mul3A_55, %scan3A_36 : i32
      %add3A_57 = arith.constant 1 : i32
      %add3A_58 = arith.addi %mul3A_56, %add3A_57 : i32
      %dma_wait3A_59 = arith.constant 0 : i32
      %dma_wait3A_60 = tpu.memref_slice %arg3[%dma_wait3A_59] : memref<320000xi32, #tpu.memory_space<hbm>> -> memref<3200xi32, #tpu.memory_space<hbm>>
      %dma_wait3A_61 = arith.constant 0 : i32
      %dma_wait3A_62 = tpu.memref_slice %arg3[%dma_wait3A_61] : memref<320000xi32, #tpu.memory_space<hbm>> -> memref<3200xi32, #tpu.memory_space<hbm>>
      tpu.wait_dma2 semaphore(%arg15 : memref<!tpu.dma_semaphore, #tpu.memory_space<semaphore_mem>>) src(%dma_wait3A_62 : memref<3200xi32, #tpu.memory_space<hbm>>) dst(%arg11 : memref<3200xi32, #tpu.memory_space<vmem>>)
      %dma_wait3A_63 = arith.constant 0 : i32
      %dma_wait3A_64 = tpu.memref_slice %arg4[%dma_wait3A_63] : memref<320000xf32, #tpu.memory_space<hbm>> -> memref<3200xf32, #tpu.memory_space<hbm>>
      %dma_wait3A_65 = arith.constant 0 : i32
      %dma_wait3A_66 = tpu.memref_slice %arg4[%dma_wait3A_65] : memref<320000xf32, #tpu.memory_space<hbm>> -> memref<3200xf32, #tpu.memory_space<hbm>>
      tpu.wait_dma2 semaphore(%arg15 : memref<!tpu.dma_semaphore, #tpu.memory_space<semaphore_mem>>) src(%dma_wait3A_66 : memref<3200xf32, #tpu.memory_space<hbm>>) dst(%arg13 : memref<3200xf32, #tpu.memory_space<vmem>>)
      %parallel_loop3A_67 = arith.constant 0 : i32
      %parallel_loop3A_68 = arith.constant 200 : i32
      %parallel_loop3A_69 = arith.constant 1 : i32
      scf.for %parallel_loop3A_77 = %parallel_loop3A_67 to %parallel_loop3A_68 step %parallel_loop3A_69  : i32 {
        %parallel_loop3A_78 = arith.constant 16 : i32
        %parallel_loop3A_79 = arith.muli %parallel_loop3A_77, %parallel_loop3A_78 : i32
        %parallel_loop3A_80 = arith.index_cast %parallel_loop3A_79 : i32 to index
        %parallel_loop3A_81 = tpu.vector_load %arg11[%parallel_loop3A_80] {strides = array<i32>} : memref<3200xi32, #tpu.memory_space<vmem>>, vector<16xi32>,
        %parallel_loop3A_82 = arith.constant 16 : i32
        %parallel_loop3A_83 = vector.broadcast %parallel_loop3A_82 : i32 to vector<16xi32>
        %parallel_loop3A_84 = arith.shrsi %parallel_loop3A_81, %parallel_loop3A_83 : vector<16xi32>
        %parallel_loop3A_85 = arith.constant 65535 : i32
        %parallel_loop3A_86 = vector.broadcast %parallel_loop3A_85 : i32 to vector<16xi32>
        %parallel_loop3A_87 = arith.andi %parallel_loop3A_81, %parallel_loop3A_86 : vector<16xi32>
        %parallel_loop3A_88 = arith.index_cast %parallel_loop3A_79 : i32 to index
        %parallel_loop3A_89 = tpu.vector_load %arg13[%parallel_loop3A_88] {strides = array<i32>} : memref<3200xf32, #tpu.memory_space<vmem>>, vector<16xf32>,
        %parallel_loop3A_90 = tpu.vector_load_idx %arg7[%broadcast_in_dim3A_24, %parallel_loop3A_84] : memref<4x10000xf32, #tpu.memory_space<vmem>>[vector<16xi32>, vector<16xi32>], vector<16xf32>,
        %parallel_loop3A_91 = arith.mulf %parallel_loop3A_90, %parallel_loop3A_89 : vector<16xf32>
        tpu.vector_store_idx %arg8[%broadcast_in_dim3A_24, %parallel_loop3A_87], %parallel_loop3A_91 {add = true} : memref<4x10000xf32, #tpu.memory_space<vmem>>[vector<16xi32>, vector<16xi32>], vector<16xf32>,
        %parallel_loop3A_92 = tpu.vector_load_idx %arg7[%broadcast_in_dim3A_26, %parallel_loop3A_84] : memref<4x10000xf32, #tpu.memory_space<vmem>>[vector<16xi32>, vector<16xi32>], vector<16xf32>,
        %parallel_loop3A_93 = arith.mulf %parallel_loop3A_92, %parallel_loop3A_89 : vector<16xf32>
        tpu.vector_store_idx %arg8[%broadcast_in_dim3A_26, %parallel_loop3A_87], %parallel_loop3A_93 {add = true} : memref<4x10000xf32, #tpu.memory_space<vmem>>[vector<16xi32>, vector<16xi32>], vector<16xf32>,
        %parallel_loop3A_94 = tpu.vector_load_idx %arg7[%broadcast_in_dim3A_28, %parallel_loop3A_84] : memref<4x10000xf32, #tpu.memory_space<vmem>>[vector<16xi32>, vector<16xi32>], vector<16xf32>,
        %parallel_loop3A_95 = arith.mulf %parallel_loop3A_94, %parallel_loop3A_89 : vector<16xf32>
        tpu.vector_store_idx %arg8[%broadcast_in_dim3A_28, %parallel_loop3A_87], %parallel_loop3A_95 {add = true} : memref<4x10000xf32, #tpu.memory_space<vmem>>[vector<16xi32>, vector<16xi32>], vector<16xf32>,
        %parallel_loop3A_96 = tpu.vector_load_idx %arg7[%broadcast_in_dim3A_30, %parallel_loop3A_84] : memref<4x10000xf32, #tpu.memory_space<vmem>>[vector<16xi32>, vector<16xi32>], vector<16xf32>,
        %parallel_loop3A_97 = arith.mulf %parallel_loop3A_96, %parallel_loop3A_89 : vector<16xf32>
        tpu.vector_store_idx %arg8[%broadcast_in_dim3A_30, %parallel_loop3A_87], %parallel_loop3A_97 {add = true} : memref<4x10000xf32, #tpu.memory_space<vmem>>[vector<16xi32>, vector<16xi32>], vector<16xf32>,
      } {sc.loop_unroll_factor = 8 : i64, sc.parallel_access}
      %add3A_70 = arith.constant 2 : i32
      %add3A_71 = arith.addi %add3A_58, %add3A_70 : i32
      %lt3A_72 = arith.constant 100 : i32
      %lt3A_73 = arith.cmpi slt, %add3A_71, %lt3A_72 : i32
      %convert_element_type3A_74 = arith.extui %lt3A_73 : i1 to i32
      %cond3A_75 = arith.constant 0 : i32
      %cond3A_76 = arith.cmpi ne, %convert_element_type3A_74, %cond3A_75 : i32
      scf.if %cond3A_76 {
        %add3A_77 = arith.constant 2 : i32
        %add3A_78 = arith.addi %add3A_58, %add3A_77 : i32
        %mul3A_79 = arith.constant 3200 : i32
        %mul3A_80 = arith.muli %add3A_78, %mul3A_79 : i32
        %multiple_of3A_81 = tpu.assume_multiple %mul3A_80, 8 : i32
        %dma_start3A_82 = tpu.memref_slice %arg3[%multiple_of3A_81] : memref<320000xi32, #tpu.memory_space<hbm>> -> memref<3200xi32, #tpu.memory_space<hbm>>
        %dma_start3A_83 = tpu.memref_slice %arg3[%multiple_of3A_81] : memref<320000xi32, #tpu.memory_space<hbm>> -> memref<3200xi32, #tpu.memory_space<hbm>>
        tpu.enqueue_dma source(%dma_start3A_83 : memref<3200xi32, #tpu.memory_space<hbm>>) target(%arg11 : memref<3200xi32, #tpu.memory_space<vmem>>) target_semaphore(%arg15 : memref<!tpu.dma_semaphore, #tpu.memory_space<semaphore_mem>>)
        %dma_start3A_84 = tpu.memref_slice %arg4[%multiple_of3A_81] : memref<320000xf32, #tpu.memory_space<hbm>> -> memref<3200xf32, #tpu.memory_space<hbm>>
        %dma_start3A_85 = tpu.memref_slice %arg4[%multiple_of3A_81] : memref<320000xf32, #tpu.memory_space<hbm>> -> memref<3200xf32, #tpu.memory_space<hbm>>
        tpu.enqueue_dma source(%dma_start3A_85 : memref<3200xf32, #tpu.memory_space<hbm>>) target(%arg13 : memref<3200xf32, #tpu.memory_space<vmem>>) target_semaphore(%arg15 : memref<!tpu.dma_semaphore, #tpu.memory_space<semaphore_mem>>)
      } else {
      }
    }
    %scan3A_35 = arith.constant 50 : i32
    "tpu.region"() ({
      %run_scoped3A = tpu.sem_alloc : memref<!tpu.dma_semaphore, #tpu.memory_space<semaphore_mem>>
      %dma_start3A_36 = arith.constant 0 : i32
      %dma_start3A_37 = tpu.memref_slice %arg6[%mul3A_2, %dma_start3A_36] : memref<128x10000xf32, #tpu.memory_space<hbm>> -> memref<4x10000xf32, #tpu.memory_space<hbm>>
      %dma_start3A_38 = arith.constant 0 : i32
      %dma_start3A_39 = tpu.memref_slice %arg6[%mul3A_2, %dma_start3A_38] : memref<128x10000xf32, #tpu.memory_space<hbm>> -> memref<4x10000xf32, #tpu.memory_space<hbm>>
      tpu.enqueue_dma source(%arg8 : memref<4x10000xf32, #tpu.memory_space<vmem>>) target(%dma_start3A_39 : memref<4x10000xf32, #tpu.memory_space<hbm>>) target_semaphore(%run_scoped3A : memref<!tpu.dma_semaphore, #tpu.memory_space<semaphore_mem>>)
      %dma_wait3A = arith.constant 0 : i32
      %dma_wait3A_40 = tpu.memref_slice %arg6[%mul3A_2, %dma_wait3A] : memref<128x10000xf32, #tpu.memory_space<hbm>> -> memref<4x10000xf32, #tpu.memory_space<hbm>>
      %dma_wait3A_41 = arith.constant 0 : i32
      %dma_wait3A_42 = tpu.memref_slice %arg6[%mul3A_2, %dma_wait3A_41] : memref<128x10000xf32, #tpu.memory_space<hbm>> -> memref<4x10000xf32, #tpu.memory_space<hbm>>
      tpu.wait_dma2 semaphore(%run_scoped3A : memref<!tpu.dma_semaphore, #tpu.memory_space<semaphore_mem>>) src(%arg8 : memref<4x10000xf32, #tpu.memory_space<vmem>>) dst(%dma_wait3A_42 : memref<4x10000xf32, #tpu.memory_space<hbm>>)
      tpu.yield
    }) : () -> ()
    return
  }
}

#map = affine_map<(d0, d1) -> (0)>
module attributes {stable_mosaic.version = 14 : i64} {
  func.func @_edge_norm(%arg0: i32, %arg1: i32, %arg2: memref<320000xi32, #tpu.memory_space<hbm>>, %arg3: memref<320000xi32, #tpu.memory_space<hbm>>, %arg4: memref<320000xf32, #tpu.memory_space<hbm>>, %arg5: memref<10000xf32, #tpu.memory_space<hbm>>, %arg6: memref<320000xf32, #tpu.memory_space<hbm>>, %arg7: memref<320000xi32, #tpu.memory_space<hbm>>, %arg8: memref<10000xf32, #tpu.memory_space<vmem>>, %arg9: memref<10000xi32, #tpu.memory_space<vmem>>, %arg10: memref<10000xi32, #tpu.memory_space<vmem>>, %arg11: memref<10000xf32, #tpu.memory_space<vmem>>, %arg12: memref<10000xf32, #tpu.memory_space<vmem>>, %arg13: memref<10000xi32, #tpu.memory_space<vmem>>, %arg14: memref<!tpu.dma_semaphore, #tpu.memory_space<semaphore_mem>>) attributes {dimension_semantics = [#tpu.dimension_semantics<core_parallel>, #tpu.dimension_semantics<subcore_parallel>], iteration_bounds = array<i64: 2, 16>, scalar_prefetch = 0 : i64, scratch_operands = 7 : i64, tpu.core_type = #tpu.core_type<sc_vector_subcore>, window_params = [{transform_indices = #map}, {transform_indices = #map}, {transform_indices = #map}, {transform_indices = #map}, {transform_indices = #map}, {transform_indices = #map}]} {
    %mul3A = arith.constant 2 : i32
    %mul3A_0 = arith.muli %arg1, %mul3A : i32
    %add3A = arith.addi %mul3A_0, %arg0 : i32
    %mul3A_1 = arith.constant 10000 : i32
    %mul3A_2 = arith.muli %add3A, %mul3A_1 : i32
    %dma_start3A = tpu.memref_slice %arg2[%mul3A_2] : memref<320000xi32, #tpu.memory_space<hbm>> -> memref<10000xi32, #tpu.memory_space<hbm>>
    %dma_start3A_3 = tpu.memref_slice %arg2[%mul3A_2] : memref<320000xi32, #tpu.memory_space<hbm>> -> memref<10000xi32, #tpu.memory_space<hbm>>
    tpu.enqueue_dma source(%dma_start3A_3 : memref<10000xi32, #tpu.memory_space<hbm>>) target(%arg9 : memref<10000xi32, #tpu.memory_space<vmem>>) target_semaphore(%arg14 : memref<!tpu.dma_semaphore, #tpu.memory_space<semaphore_mem>>)
    %dma_start3A_4 = tpu.memref_slice %arg3[%mul3A_2] : memref<320000xi32, #tpu.memory_space<hbm>> -> memref<10000xi32, #tpu.memory_space<hbm>>
    %dma_start3A_5 = tpu.memref_slice %arg3[%mul3A_2] : memref<320000xi32, #tpu.memory_space<hbm>> -> memref<10000xi32, #tpu.memory_space<hbm>>
    tpu.enqueue_dma source(%dma_start3A_5 : memref<10000xi32, #tpu.memory_space<hbm>>) target(%arg10 : memref<10000xi32, #tpu.memory_space<vmem>>) target_semaphore(%arg14 : memref<!tpu.dma_semaphore, #tpu.memory_space<semaphore_mem>>)
    %dma_start3A_6 = tpu.memref_slice %arg4[%mul3A_2] : memref<320000xf32, #tpu.memory_space<hbm>> -> memref<10000xf32, #tpu.memory_space<hbm>>
    %dma_start3A_7 = tpu.memref_slice %arg4[%mul3A_2] : memref<320000xf32, #tpu.memory_space<hbm>> -> memref<10000xf32, #tpu.memory_space<hbm>>
    tpu.enqueue_dma source(%dma_start3A_7 : memref<10000xf32, #tpu.memory_space<hbm>>) target(%arg11 : memref<10000xf32, #tpu.memory_space<vmem>>) target_semaphore(%arg14 : memref<!tpu.dma_semaphore, #tpu.memory_space<semaphore_mem>>)
    "tpu.region"() ({
      %run_scoped3A = tpu.sem_alloc : memref<!tpu.dma_semaphore, #tpu.memory_space<semaphore_mem>>
      tpu.enqueue_dma source(%arg5 : memref<10000xf32, #tpu.memory_space<hbm>>) target(%arg8 : memref<10000xf32, #tpu.memory_space<vmem>>) target_semaphore(%run_scoped3A : memref<!tpu.dma_semaphore, #tpu.memory_space<semaphore_mem>>)
      tpu.wait_dma2 semaphore(%run_scoped3A : memref<!tpu.dma_semaphore, #tpu.memory_space<semaphore_mem>>) src(%arg5 : memref<10000xf32, #tpu.memory_space<hbm>>) dst(%arg8 : memref<10000xf32, #tpu.memory_space<vmem>>)
      tpu.yield
    }) : () -> ()
    %dma_wait3A = arith.constant 0 : i32
    %dma_wait3A_8 = tpu.memref_slice %arg2[%dma_wait3A] : memref<320000xi32, #tpu.memory_space<hbm>> -> memref<10000xi32, #tpu.memory_space<hbm>>
    %dma_wait3A_9 = arith.constant 0 : i32
    %dma_wait3A_10 = tpu.memref_slice %arg2[%dma_wait3A_9] : memref<320000xi32, #tpu.memory_space<hbm>> -> memref<10000xi32, #tpu.memory_space<hbm>>
    tpu.wait_dma2 semaphore(%arg14 : memref<!tpu.dma_semaphore, #tpu.memory_space<semaphore_mem>>) src(%dma_wait3A_10 : memref<10000xi32, #tpu.memory_space<hbm>>) dst(%arg9 : memref<10000xi32, #tpu.memory_space<vmem>>)
    %dma_wait3A_11 = arith.constant 0 : i32
    %dma_wait3A_12 = tpu.memref_slice %arg3[%dma_wait3A_11] : memref<320000xi32, #tpu.memory_space<hbm>> -> memref<10000xi32, #tpu.memory_space<hbm>>
    %dma_wait3A_13 = arith.constant 0 : i32
    %dma_wait3A_14 = tpu.memref_slice %arg3[%dma_wait3A_13] : memref<320000xi32, #tpu.memory_space<hbm>> -> memref<10000xi32, #tpu.memory_space<hbm>>
    tpu.wait_dma2 semaphore(%arg14 : memref<!tpu.dma_semaphore, #tpu.memory_space<semaphore_mem>>) src(%dma_wait3A_14 : memref<10000xi32, #tpu.memory_space<hbm>>) dst(%arg10 : memref<10000xi32, #tpu.memory_space<vmem>>)
    %dma_wait3A_15 = arith.constant 0 : i32
    %dma_wait3A_16 = tpu.memref_slice %arg4[%dma_wait3A_15] : memref<320000xf32, #tpu.memory_space<hbm>> -> memref<10000xf32, #tpu.memory_space<hbm>>
    %dma_wait3A_17 = arith.constant 0 : i32
    %dma_wait3A_18 = tpu.memref_slice %arg4[%dma_wait3A_17] : memref<320000xf32, #tpu.memory_space<hbm>> -> memref<10000xf32, #tpu.memory_space<hbm>>
    tpu.wait_dma2 semaphore(%arg14 : memref<!tpu.dma_semaphore, #tpu.memory_space<semaphore_mem>>) src(%dma_wait3A_18 : memref<10000xf32, #tpu.memory_space<hbm>>) dst(%arg11 : memref<10000xf32, #tpu.memory_space<vmem>>)
    %parallel_loop3A = arith.constant 0 : i32
    %parallel_loop3A_19 = arith.constant 625 : i32
    %parallel_loop3A_20 = arith.constant 1 : i32
    scf.for %parallel_loop3A_21 = %parallel_loop3A to %parallel_loop3A_19 step %parallel_loop3A_20  : i32 {
      %parallel_loop3A_22 = arith.constant 16 : i32
      %parallel_loop3A_23 = arith.muli %parallel_loop3A_21, %parallel_loop3A_22 : i32
      %parallel_loop3A_24 = arith.index_cast %parallel_loop3A_23 : i32 to index
      %parallel_loop3A_25 = tpu.vector_load %arg9[%parallel_loop3A_24] {strides = array<i32>} : memref<10000xi32, #tpu.memory_space<vmem>>, vector<16xi32>,
      %parallel_loop3A_26 = arith.index_cast %parallel_loop3A_23 : i32 to index
      %parallel_loop3A_27 = tpu.vector_load %arg10[%parallel_loop3A_26] {strides = array<i32>} : memref<10000xi32, #tpu.memory_space<vmem>>, vector<16xi32>,
      %parallel_loop3A_28 = arith.index_cast %parallel_loop3A_23 : i32 to index
      %parallel_loop3A_29 = tpu.vector_load %arg11[%parallel_loop3A_28] {strides = array<i32>} : memref<10000xf32, #tpu.memory_space<vmem>>, vector<16xf32>,
      %parallel_loop3A_30 = tpu.vector_load_idx %arg8[%parallel_loop3A_25] : memref<10000xf32, #tpu.memory_space<vmem>>[vector<16xi32>], vector<16xf32>,
      %parallel_loop3A_31 = tpu.vector_load_idx %arg8[%parallel_loop3A_27] : memref<10000xf32, #tpu.memory_space<vmem>>[vector<16xi32>], vector<16xf32>,
      %parallel_loop3A_32 = arith.mulf %parallel_loop3A_30, %parallel_loop3A_29 : vector<16xf32>
      %parallel_loop3A_33 = arith.mulf %parallel_loop3A_32, %parallel_loop3A_31 : vector<16xf32>
      %parallel_loop3A_34 = arith.index_cast %parallel_loop3A_23 : i32 to index
      %parallel_loop3A_35 = tpu.vector_load %arg12[%parallel_loop3A_34] {strides = array<i32>} : memref<10000xf32, #tpu.memory_space<vmem>>, vector<16xf32>,
      tpu.vector_store %arg12[%parallel_loop3A_34], %parallel_loop3A_33 {strides = array<i32>} : memref<10000xf32, #tpu.memory_space<vmem>>, vector<16xf32>,
      %parallel_loop3A_36 = arith.constant 16 : i32
      %parallel_loop3A_37 = vector.broadcast %parallel_loop3A_36 : i32 to vector<16xi32>
      %parallel_loop3A_38 = arith.shli %parallel_loop3A_25, %parallel_loop3A_37 : vector<16xi32>
      %parallel_loop3A_39 = arith.ori %parallel_loop3A_38, %parallel_loop3A_27 : vector<16xi32>
      %parallel_loop3A_40 = arith.index_cast %parallel_loop3A_23 : i32 to index
      %parallel_loop3A_41 = tpu.vector_load %arg13[%parallel_loop3A_40] {strides = array<i32>} : memref<10000xi32, #tpu.memory_space<vmem>>, vector<16xi32>,
      tpu.vector_store %arg13[%parallel_loop3A_40], %parallel_loop3A_39 {strides = array<i32>} : memref<10000xi32, #tpu.memory_space<vmem>>, vector<16xi32>,
    } {sc.loop_unroll_factor = 5 : i64, sc.parallel_access}
    "tpu.region"() ({
      %run_scoped3A = tpu.sem_alloc : memref<!tpu.dma_semaphore, #tpu.memory_space<semaphore_mem>>
      %dma_start3A_21 = tpu.memref_slice %arg6[%mul3A_2] : memref<320000xf32, #tpu.memory_space<hbm>> -> memref<10000xf32, #tpu.memory_space<hbm>>
      %dma_start3A_22 = tpu.memref_slice %arg6[%mul3A_2] : memref<320000xf32, #tpu.memory_space<hbm>> -> memref<10000xf32, #tpu.memory_space<hbm>>
      tpu.enqueue_dma source(%arg12 : memref<10000xf32, #tpu.memory_space<vmem>>) target(%dma_start3A_22 : memref<10000xf32, #tpu.memory_space<hbm>>) target_semaphore(%run_scoped3A : memref<!tpu.dma_semaphore, #tpu.memory_space<semaphore_mem>>)
      %dma_wait3A_23 = tpu.memref_slice %arg6[%mul3A_2] : memref<320000xf32, #tpu.memory_space<hbm>> -> memref<10000xf32, #tpu.memory_space<hbm>>
      %dma_wait3A_24 = tpu.memref_slice %arg6[%mul3A_2] : memref<320000xf32, #tpu.memory_space<hbm>> -> memref<10000xf32, #tpu.memory_space<hbm>>
      tpu.wait_dma2 semaphore(%run_scoped3A : memref<!tpu.dma_semaphore, #tpu.memory_space<semaphore_mem>>) src(%arg12 : memref<10000xf32, #tpu.memory_space<vmem>>) dst(%dma_wait3A_24 : memref<10000xf32, #tpu.memory_space<hbm>>)
      tpu.yield
    }) : () -> ()
    "tpu.region"() ({
      %run_scoped3A = tpu.sem_alloc : memref<!tpu.dma_semaphore, #tpu.memory_space<semaphore_mem>>
      %dma_start3A_21 = tpu.memref_slice %arg7[%mul3A_2] : memref<320000xi32, #tpu.memory_space<hbm>> -> memref<10000xi32, #tpu.memory_space<hbm>>
      %dma_start3A_22 = tpu.memref_slice %arg7[%mul3A_2] : memref<320000xi32, #tpu.memory_space<hbm>> -> memref<10000xi32, #tpu.memory_space<hbm>>
      tpu.enqueue_dma source(%arg13 : memref<10000xi32, #tpu.memory_space<vmem>>) target(%dma_start3A_22 : memref<10000xi32, #tpu.memory_space<hbm>>) target_semaphore(%run_scoped3A : memref<!tpu.dma_semaphore, #tpu.memory_space<semaphore_mem>>)
      %dma_wait3A_23 = tpu.memref_slice %arg7[%mul3A_2] : memref<320000xi32, #tpu.memory_space<hbm>> -> memref<10000xi32, #tpu.memory_space<hbm>>
      %dma_wait3A_24 = tpu.memref_slice %arg7[%mul3A_2] : memref<320000xi32, #tpu.memory_space<hbm>> -> memref<10000xi32, #tpu.memory_space<hbm>>
      tpu.wait_dma2 semaphore(%run_scoped3A : memref<!tpu.dma_semaphore, #tpu.memory_space<semaphore_mem>>) src(%arg13 : memref<10000xi32, #tpu.memory_space<vmem>>) dst(%dma_wait3A_24 : memref<10000xi32, #tpu.memory_space<hbm>>)
      tpu.yield
    }) : () -> ()
    return
  }
}

#map = affine_map<(d0, d1) -> (0, 0)>
#map1 = affine_map<(d0, d1) -> (0)>
module attributes {stable_mosaic.version = 14 : i64} {
  func.func @_agg_t(%arg0: i32, %arg1: i32, %arg2: memref<128x10000xf32, #tpu.memory_space<hbm>>, %arg3: memref<320000xi32, #tpu.memory_space<hbm>>, %arg4: memref<320000xf32, #tpu.memory_space<hbm>>, %arg5: memref<10000xf32, #tpu.memory_space<hbm>>, %arg6: memref<128x10000xf32, #tpu.memory_space<hbm>>, %arg7: memref<4x10000xf32, #tpu.memory_space<vmem>>, %arg8: memref<4x10000xf32, #tpu.memory_space<vmem>>, %arg9: memref<10000xf32, #tpu.memory_space<vmem>>, %arg10: memref<3200xi32, #tpu.memory_space<vmem>>, %arg11: memref<3200xi32, #tpu.memory_space<vmem>>, %arg12: memref<3200xf32, #tpu.memory_space<vmem>>, %arg13: memref<3200xf32, #tpu.memory_space<vmem>>, %arg14: memref<!tpu.dma_semaphore, #tpu.memory_space<semaphore_mem>>, %arg15: memref<!tpu.dma_semaphore, #tpu.memory_space<semaphore_mem>>) attributes {dimension_semantics = [#tpu.dimension_semantics<core_parallel>, #tpu.dimension_semantics<subcore_parallel>], iteration_bounds = array<i64: 2, 16>, scalar_prefetch = 0 : i64, scratch_operands = 9 : i64, tpu.core_type = #tpu.core_type<sc_vector_subcore>, window_params = [{transform_indices = #map}, {transform_indices = #map1}, {transform_indices = #map1}, {transform_indices = #map1}, {transform_indices = #map}]} {
    %mul3A = arith.constant 2 : i32
    %mul3A_0 = arith.muli %arg1, %mul3A : i32
    %add3A = arith.addi %mul3A_0, %arg0 : i32
    %mul3A_1 = arith.constant 4 : i32
    %mul3A_2 = arith.muli %add3A, %mul3A_1 : i32
    %multiple_of3A = arith.constant 0 : i32
    %multiple_of3A_3 = tpu.assume_multiple %multiple_of3A, 8 : i32
    %dma_start3A = tpu.memref_slice %arg3[%multiple_of3A_3] : memref<320000xi32, #tpu.memory_space<hbm>> -> memref<3200xi32, #tpu.memory_space<hbm>>
    %dma_start3A_4 = tpu.memref_slice %arg3[%multiple_of3A_3] : memref<320000xi32, #tpu.memory_space<hbm>> -> memref<3200xi32, #tpu.memory_space<hbm>>
    tpu.enqueue_dma source(%dma_start3A_4 : memref<3200xi32, #tpu.memory_space<hbm>>) target(%arg10 : memref<3200xi32, #tpu.memory_space<vmem>>) target_semaphore(%arg14 : memref<!tpu.dma_semaphore, #tpu.memory_space<semaphore_mem>>)
    %dma_start3A_5 = tpu.memref_slice %arg4[%multiple_of3A_3] : memref<320000xf32, #tpu.memory_space<hbm>> -> memref<3200xf32, #tpu.memory_space<hbm>>
    %dma_start3A_6 = tpu.memref_slice %arg4[%multiple_of3A_3] : memref<320000xf32, #tpu.memory_space<hbm>> -> memref<3200xf32, #tpu.memory_space<hbm>>
    tpu.enqueue_dma source(%dma_start3A_6 : memref<3200xf32, #tpu.memory_space<hbm>>) target(%arg12 : memref<3200xf32, #tpu.memory_space<vmem>>) target_semaphore(%arg14 : memref<!tpu.dma_semaphore, #tpu.memory_space<semaphore_mem>>)
    %multiple_of3A_7 = arith.constant 3200 : i32
    %multiple_of3A_8 = tpu.assume_multiple %multiple_of3A_7, 8 : i32
    %dma_start3A_9 = tpu.memref_slice %arg3[%multiple_of3A_8] : memref<320000xi32, #tpu.memory_space<hbm>> -> memref<3200xi32, #tpu.memory_space<hbm>>
    %dma_start3A_10 = tpu.memref_slice %arg3[%multiple_of3A_8] : memref<320000xi32, #tpu.memory_space<hbm>> -> memref<3200xi32, #tpu.memory_space<hbm>>
    tpu.enqueue_dma source(%dma_start3A_10 : memref<3200xi32, #tpu.memory_space<hbm>>) target(%arg11 : memref<3200xi32, #tpu.memory_space<vmem>>) target_semaphore(%arg15 : memref<!tpu.dma_semaphore, #tpu.memory_space<semaphore_mem>>)
    %dma_start3A_11 = tpu.memref_slice %arg4[%multiple_of3A_8] : memref<320000xf32, #tpu.memory_space<hbm>> -> memref<3200xf32, #tpu.memory_space<hbm>>
    %dma_start3A_12 = tpu.memref_slice %arg4[%multiple_of3A_8] : memref<320000xf32, #tpu.memory_space<hbm>> -> memref<3200xf32, #tpu.memory_space<hbm>>
    tpu.enqueue_dma source(%dma_start3A_12 : memref<3200xf32, #tpu.memory_space<hbm>>) target(%arg13 : memref<3200xf32, #tpu.memory_space<vmem>>) target_semaphore(%arg15 : memref<!tpu.dma_semaphore, #tpu.memory_space<semaphore_mem>>)
    "tpu.region"() ({
      %run_scoped3A = tpu.sem_alloc : memref<!tpu.dma_semaphore, #tpu.memory_space<semaphore_mem>>
      %dma_start3A_36 = arith.constant 0 : i32
      %dma_start3A_37 = tpu.memref_slice %arg2[%mul3A_2, %dma_start3A_36] : memref<128x10000xf32, #tpu.memory_space<hbm>> -> memref<4x10000xf32, #tpu.memory_space<hbm>>
      %dma_start3A_38 = arith.constant 0 : i32
      %dma_start3A_39 = tpu.memref_slice %arg2[%mul3A_2, %dma_start3A_38] : memref<128x10000xf32, #tpu.memory_space<hbm>> -> memref<4x10000xf32, #tpu.memory_space<hbm>>
      tpu.enqueue_dma source(%dma_start3A_39 : memref<4x10000xf32, #tpu.memory_space<hbm>>) target(%arg7 : memref<4x10000xf32, #tpu.memory_space<vmem>>) target_semaphore(%run_scoped3A : memref<!tpu.dma_semaphore, #tpu.memory_space<semaphore_mem>>)
      %dma_wait3A = arith.constant 0 : i32
      %dma_wait3A_40 = tpu.memref_slice %arg2[%mul3A_2, %dma_wait3A] : memref<128x10000xf32, #tpu.memory_space<hbm>> -> memref<4x10000xf32, #tpu.memory_space<hbm>>
      %dma_wait3A_41 = arith.constant 0 : i32
      %dma_wait3A_42 = tpu.memref_slice %arg2[%mul3A_2, %dma_wait3A_41] : memref<128x10000xf32, #tpu.memory_space<hbm>> -> memref<4x10000xf32, #tpu.memory_space<hbm>>
      tpu.wait_dma2 semaphore(%run_scoped3A : memref<!tpu.dma_semaphore, #tpu.memory_space<semaphore_mem>>) src(%dma_wait3A_42 : memref<4x10000xf32, #tpu.memory_space<hbm>>) dst(%arg7 : memref<4x10000xf32, #tpu.memory_space<vmem>>)
      tpu.yield
    }) : () -> ()
    "tpu.region"() ({
      %run_scoped3A = tpu.sem_alloc : memref<!tpu.dma_semaphore, #tpu.memory_space<semaphore_mem>>
      tpu.enqueue_dma source(%arg5 : memref<10000xf32, #tpu.memory_space<hbm>>) target(%arg9 : memref<10000xf32, #tpu.memory_space<vmem>>) target_semaphore(%run_scoped3A : memref<!tpu.dma_semaphore, #tpu.memory_space<semaphore_mem>>)
      tpu.wait_dma2 semaphore(%run_scoped3A : memref<!tpu.dma_semaphore, #tpu.memory_space<semaphore_mem>>) src(%arg5 : memref<10000xf32, #tpu.memory_space<hbm>>) dst(%arg9 : memref<10000xf32, #tpu.memory_space<vmem>>)
      tpu.yield
    }) : () -> ()
    %parallel_loop3A = arith.constant 0 : i32
    %parallel_loop3A_13 = arith.constant 625 : i32
    %parallel_loop3A_14 = arith.constant 1 : i32
    scf.for %parallel_loop3A_36 = %parallel_loop3A to %parallel_loop3A_13 step %parallel_loop3A_14  : i32 {
      %parallel_loop3A_37 = arith.constant 16 : i32
      %parallel_loop3A_38 = arith.muli %parallel_loop3A_36, %parallel_loop3A_37 : i32
      %parallel_loop3A_39 = arith.constant 0 : i32
      %parallel_loop3A_40 = arith.index_cast %parallel_loop3A_39 : i32 to index
      %parallel_loop3A_41 = arith.index_cast %parallel_loop3A_38 : i32 to index
      %parallel_loop3A_42 = tpu.vector_load %arg7[%parallel_loop3A_40, %parallel_loop3A_41] {strides = array<i32>} : memref<4x10000xf32, #tpu.memory_space<vmem>>, vector<16xf32>,
      %parallel_loop3A_43 = arith.index_cast %parallel_loop3A_38 : i32 to index
      %parallel_loop3A_44 = tpu.vector_load %arg9[%parallel_loop3A_43] {strides = array<i32>} : memref<10000xf32, #tpu.memory_space<vmem>>, vector<16xf32>,
      %parallel_loop3A_45 = arith.mulf %parallel_loop3A_42, %parallel_loop3A_44 : vector<16xf32>
      %parallel_loop3A_46 = arith.constant 0 : i32
      %parallel_loop3A_47 = arith.index_cast %parallel_loop3A_46 : i32 to index
      %parallel_loop3A_48 = arith.index_cast %parallel_loop3A_38 : i32 to index
      %parallel_loop3A_49 = tpu.vector_load %arg8[%parallel_loop3A_47, %parallel_loop3A_48] {strides = array<i32>} : memref<4x10000xf32, #tpu.memory_space<vmem>>, vector<16xf32>,
      tpu.vector_store %arg8[%parallel_loop3A_47, %parallel_loop3A_48], %parallel_loop3A_45 {strides = array<i32>} : memref<4x10000xf32, #tpu.memory_space<vmem>>, vector<16xf32>,
    } {sc.loop_unroll_factor = 5 : i64, sc.parallel_access}
    %parallel_loop3A_15 = arith.constant 0 : i32
    %parallel_loop3A_16 = arith.constant 625 : i32
    %parallel_loop3A_17 = arith.constant 1 : i32
    scf.for %parallel_loop3A_36 = %parallel_loop3A_15 to %parallel_loop3A_16 step %parallel_loop3A_17  : i32 {
      %parallel_loop3A_37 = arith.constant 16 : i32
      %parallel_loop3A_38 = arith.muli %parallel_loop3A_36, %parallel_loop3A_37 : i32
      %parallel_loop3A_39 = arith.constant 1 : i32
      %parallel_loop3A_40 = arith.index_cast %parallel_loop3A_39 : i32 to index
      %parallel_loop3A_41 = arith.index_cast %parallel_loop3A_38 : i32 to index
      %parallel_loop3A_42 = tpu.vector_load %arg7[%parallel_loop3A_40, %parallel_loop3A_41] {strides = array<i32>} : memref<4x10000xf32, #tpu.memory_space<vmem>>, vector<16xf32>,
      %parallel_loop3A_43 = arith.index_cast %parallel_loop3A_38 : i32 to index
      %parallel_loop3A_44 = tpu.vector_load %arg9[%parallel_loop3A_43] {strides = array<i32>} : memref<10000xf32, #tpu.memory_space<vmem>>, vector<16xf32>,
      %parallel_loop3A_45 = arith.mulf %parallel_loop3A_42, %parallel_loop3A_44 : vector<16xf32>
      %parallel_loop3A_46 = arith.constant 1 : i32
      %parallel_loop3A_47 = arith.index_cast %parallel_loop3A_46 : i32 to index
      %parallel_loop3A_48 = arith.index_cast %parallel_loop3A_38 : i32 to index
      %parallel_loop3A_49 = tpu.vector_load %arg8[%parallel_loop3A_47, %parallel_loop3A_48] {strides = array<i32>} : memref<4x10000xf32, #tpu.memory_space<vmem>>, vector<16xf32>,
      tpu.vector_store %arg8[%parallel_loop3A_47, %parallel_loop3A_48], %parallel_loop3A_45 {strides = array<i32>} : memref<4x10000xf32, #tpu.memory_space<vmem>>, vector<16xf32>,
    } {sc.loop_unroll_factor = 5 : i64, sc.parallel_access}
    %parallel_loop3A_18 = arith.constant 0 : i32
    %parallel_loop3A_19 = arith.constant 625 : i32
    %parallel_loop3A_20 = arith.constant 1 : i32
    scf.for %parallel_loop3A_36 = %parallel_loop3A_18 to %parallel_loop3A_19 step %parallel_loop3A_20  : i32 {
      %parallel_loop3A_37 = arith.constant 16 : i32
      %parallel_loop3A_38 = arith.muli %parallel_loop3A_36, %parallel_loop3A_37 : i32
      %parallel_loop3A_39 = arith.constant 2 : i32
      %parallel_loop3A_40 = arith.index_cast %parallel_loop3A_39 : i32 to index
      %parallel_loop3A_41 = arith.index_cast %parallel_loop3A_38 : i32 to index
      %parallel_loop3A_42 = tpu.vector_load %arg7[%parallel_loop3A_40, %parallel_loop3A_41] {strides = array<i32>} : memref<4x10000xf32, #tpu.memory_space<vmem>>, vector<16xf32>,
      %parallel_loop3A_43 = arith.index_cast %parallel_loop3A_38 : i32 to index
      %parallel_loop3A_44 = tpu.vector_load %arg9[%parallel_loop3A_43] {strides = array<i32>} : memref<10000xf32, #tpu.memory_space<vmem>>, vector<16xf32>,
      %parallel_loop3A_45 = arith.mulf %parallel_loop3A_42, %parallel_loop3A_44 : vector<16xf32>
      %parallel_loop3A_46 = arith.constant 2 : i32
      %parallel_loop3A_47 = arith.index_cast %parallel_loop3A_46 : i32 to index
      %parallel_loop3A_48 = arith.index_cast %parallel_loop3A_38 : i32 to index
      %parallel_loop3A_49 = tpu.vector_load %arg8[%parallel_loop3A_47, %parallel_loop3A_48] {strides = array<i32>} : memref<4x10000xf32, #tpu.memory_space<vmem>>, vector<16xf32>,
      tpu.vector_store %arg8[%parallel_loop3A_47, %parallel_loop3A_48], %parallel_loop3A_45 {strides = array<i32>} : memref<4x10000xf32, #tpu.memory_space<vmem>>, vector<16xf32>,
    } {sc.loop_unroll_factor = 5 : i64, sc.parallel_access}
    %parallel_loop3A_21 = arith.constant 0 : i32
    %parallel_loop3A_22 = arith.constant 625 : i32
    %parallel_loop3A_23 = arith.constant 1 : i32
    scf.for %parallel_loop3A_36 = %parallel_loop3A_21 to %parallel_loop3A_22 step %parallel_loop3A_23  : i32 {
      %parallel_loop3A_37 = arith.constant 16 : i32
      %parallel_loop3A_38 = arith.muli %parallel_loop3A_36, %parallel_loop3A_37 : i32
      %parallel_loop3A_39 = arith.constant 3 : i32
      %parallel_loop3A_40 = arith.index_cast %parallel_loop3A_39 : i32 to index
      %parallel_loop3A_41 = arith.index_cast %parallel_loop3A_38 : i32 to index
      %parallel_loop3A_42 = tpu.vector_load %arg7[%parallel_loop3A_40, %parallel_loop3A_41] {strides = array<i32>} : memref<4x10000xf32, #tpu.memory_space<vmem>>, vector<16xf32>,
      %parallel_loop3A_43 = arith.index_cast %parallel_loop3A_38 : i32 to index
      %parallel_loop3A_44 = tpu.vector_load %arg9[%parallel_loop3A_43] {strides = array<i32>} : memref<10000xf32, #tpu.memory_space<vmem>>, vector<16xf32>,
      %parallel_loop3A_45 = arith.mulf %parallel_loop3A_42, %parallel_loop3A_44 : vector<16xf32>
      %parallel_loop3A_46 = arith.constant 3 : i32
      %parallel_loop3A_47 = arith.index_cast %parallel_loop3A_46 : i32 to index
      %parallel_loop3A_48 = arith.index_cast %parallel_loop3A_38 : i32 to index
      %parallel_loop3A_49 = tpu.vector_load %arg8[%parallel_loop3A_47, %parallel_loop3A_48] {strides = array<i32>} : memref<4x10000xf32, #tpu.memory_space<vmem>>, vector<16xf32>,
      tpu.vector_store %arg8[%parallel_loop3A_47, %parallel_loop3A_48], %parallel_loop3A_45 {strides = array<i32>} : memref<4x10000xf32, #tpu.memory_space<vmem>>, vector<16xf32>,
    } {sc.loop_unroll_factor = 5 : i64, sc.parallel_access}
    %broadcast_in_dim3A = arith.constant 0 : i32
    %broadcast_in_dim3A_24 = vector.broadcast %broadcast_in_dim3A : i32 to vector<16xi32>
    %broadcast_in_dim3A_25 = arith.constant 1 : i32
    %broadcast_in_dim3A_26 = vector.broadcast %broadcast_in_dim3A_25 : i32 to vector<16xi32>
    %broadcast_in_dim3A_27 = arith.constant 2 : i32
    %broadcast_in_dim3A_28 = vector.broadcast %broadcast_in_dim3A_27 : i32 to vector<16xi32>
    %broadcast_in_dim3A_29 = arith.constant 3 : i32
    %broadcast_in_dim3A_30 = vector.broadcast %broadcast_in_dim3A_29 : i32 to vector<16xi32>
    %scan3A = arith.constant 0 : i32
    %scan3A_31 = arith.constant 0 : i32
    %scan3A_32 = arith.constant 50 : i32
    %scan3A_33 = arith.addi %scan3A_31, %scan3A_32 : i32
    %scan3A_34 = arith.constant 1 : i32
    scf.for %scan3A_36 = %scan3A_31 to %scan3A_33 step %scan3A_34  : i32 {
      %mul3A_37 = arith.constant 2 : i32
      %mul3A_38 = arith.muli %mul3A_37, %scan3A_36 : i32
      %add3A_39 = arith.constant 0 : i32
      %add3A_40 = arith.addi %mul3A_38, %add3A_39 : i32
      %dma_wait3A = arith.constant 0 : i32
      %dma_wait3A_41 = tpu.memref_slice %arg3[%dma_wait3A] : memref<320000xi32, #tpu.memory_space<hbm>> -> memref<3200xi32, #tpu.memory_space<hbm>>
      %dma_wait3A_42 = arith.constant 0 : i32
      %dma_wait3A_43 = tpu.memref_slice %arg3[%dma_wait3A_42] : memref<320000xi32, #tpu.memory_space<hbm>> -> memref<3200xi32, #tpu.memory_space<hbm>>
      tpu.wait_dma2 semaphore(%arg14 : memref<!tpu.dma_semaphore, #tpu.memory_space<semaphore_mem>>) src(%dma_wait3A_43 : memref<3200xi32, #tpu.memory_space<hbm>>) dst(%arg10 : memref<3200xi32, #tpu.memory_space<vmem>>)
      %dma_wait3A_44 = arith.constant 0 : i32
      %dma_wait3A_45 = tpu.memref_slice %arg4[%dma_wait3A_44] : memref<320000xf32, #tpu.memory_space<hbm>> -> memref<3200xf32, #tpu.memory_space<hbm>>
      %dma_wait3A_46 = arith.constant 0 : i32
      %dma_wait3A_47 = tpu.memref_slice %arg4[%dma_wait3A_46] : memref<320000xf32, #tpu.memory_space<hbm>> -> memref<3200xf32, #tpu.memory_space<hbm>>
      tpu.wait_dma2 semaphore(%arg14 : memref<!tpu.dma_semaphore, #tpu.memory_space<semaphore_mem>>) src(%dma_wait3A_47 : memref<3200xf32, #tpu.memory_space<hbm>>) dst(%arg12 : memref<3200xf32, #tpu.memory_space<vmem>>)
      %parallel_loop3A_48 = arith.constant 0 : i32
      %parallel_loop3A_49 = arith.constant 200 : i32
      %parallel_loop3A_50 = arith.constant 1 : i32
      scf.for %parallel_loop3A_77 = %parallel_loop3A_48 to %parallel_loop3A_49 step %parallel_loop3A_50  : i32 {
        %parallel_loop3A_78 = arith.constant 16 : i32
        %parallel_loop3A_79 = arith.muli %parallel_loop3A_77, %parallel_loop3A_78 : i32
        %parallel_loop3A_80 = arith.index_cast %parallel_loop3A_79 : i32 to index
        %parallel_loop3A_81 = tpu.vector_load %arg10[%parallel_loop3A_80] {strides = array<i32>} : memref<3200xi32, #tpu.memory_space<vmem>>, vector<16xi32>,
        %parallel_loop3A_82 = arith.constant 16 : i32
        %parallel_loop3A_83 = vector.broadcast %parallel_loop3A_82 : i32 to vector<16xi32>
        %parallel_loop3A_84 = arith.shrsi %parallel_loop3A_81, %parallel_loop3A_83 : vector<16xi32>
        %parallel_loop3A_85 = arith.constant 65535 : i32
        %parallel_loop3A_86 = vector.broadcast %parallel_loop3A_85 : i32 to vector<16xi32>
        %parallel_loop3A_87 = arith.andi %parallel_loop3A_81, %parallel_loop3A_86 : vector<16xi32>
        %parallel_loop3A_88 = arith.index_cast %parallel_loop3A_79 : i32 to index
        %parallel_loop3A_89 = tpu.vector_load %arg12[%parallel_loop3A_88] {strides = array<i32>} : memref<3200xf32, #tpu.memory_space<vmem>>, vector<16xf32>,
        %parallel_loop3A_90 = tpu.vector_load_idx %arg7[%broadcast_in_dim3A_24, %parallel_loop3A_84] : memref<4x10000xf32, #tpu.memory_space<vmem>>[vector<16xi32>, vector<16xi32>], vector<16xf32>,
        %parallel_loop3A_91 = arith.mulf %parallel_loop3A_90, %parallel_loop3A_89 : vector<16xf32>
        tpu.vector_store_idx %arg8[%broadcast_in_dim3A_24, %parallel_loop3A_87], %parallel_loop3A_91 {add = true} : memref<4x10000xf32, #tpu.memory_space<vmem>>[vector<16xi32>, vector<16xi32>], vector<16xf32>,
        %parallel_loop3A_92 = tpu.vector_load_idx %arg7[%broadcast_in_dim3A_26, %parallel_loop3A_84] : memref<4x10000xf32, #tpu.memory_space<vmem>>[vector<16xi32>, vector<16xi32>], vector<16xf32>,
        %parallel_loop3A_93 = arith.mulf %parallel_loop3A_92, %parallel_loop3A_89 : vector<16xf32>
        tpu.vector_store_idx %arg8[%broadcast_in_dim3A_26, %parallel_loop3A_87], %parallel_loop3A_93 {add = true} : memref<4x10000xf32, #tpu.memory_space<vmem>>[vector<16xi32>, vector<16xi32>], vector<16xf32>,
        %parallel_loop3A_94 = tpu.vector_load_idx %arg7[%broadcast_in_dim3A_28, %parallel_loop3A_84] : memref<4x10000xf32, #tpu.memory_space<vmem>>[vector<16xi32>, vector<16xi32>], vector<16xf32>,
        %parallel_loop3A_95 = arith.mulf %parallel_loop3A_94, %parallel_loop3A_89 : vector<16xf32>
        tpu.vector_store_idx %arg8[%broadcast_in_dim3A_28, %parallel_loop3A_87], %parallel_loop3A_95 {add = true} : memref<4x10000xf32, #tpu.memory_space<vmem>>[vector<16xi32>, vector<16xi32>], vector<16xf32>,
        %parallel_loop3A_96 = tpu.vector_load_idx %arg7[%broadcast_in_dim3A_30, %parallel_loop3A_84] : memref<4x10000xf32, #tpu.memory_space<vmem>>[vector<16xi32>, vector<16xi32>], vector<16xf32>,
        %parallel_loop3A_97 = arith.mulf %parallel_loop3A_96, %parallel_loop3A_89 : vector<16xf32>
        tpu.vector_store_idx %arg8[%broadcast_in_dim3A_30, %parallel_loop3A_87], %parallel_loop3A_97 {add = true} : memref<4x10000xf32, #tpu.memory_space<vmem>>[vector<16xi32>, vector<16xi32>], vector<16xf32>,
      } {sc.loop_unroll_factor = 8 : i64, sc.parallel_access}
      %add3A_51 = arith.constant 2 : i32
      %add3A_52 = arith.addi %add3A_40, %add3A_51 : i32
      %lt3A = arith.constant 100 : i32
      %lt3A_53 = arith.cmpi slt, %add3A_52, %lt3A : i32
      %convert_element_type3A = arith.extui %lt3A_53 : i1 to i32
      %cond3A = arith.constant 0 : i32
      %cond3A_54 = arith.cmpi ne, %convert_element_type3A, %cond3A : i32
      scf.if %cond3A_54 {
        %add3A_77 = arith.constant 2 : i32
        %add3A_78 = arith.addi %add3A_40, %add3A_77 : i32
        %mul3A_79 = arith.constant 3200 : i32
        %mul3A_80 = arith.muli %add3A_78, %mul3A_79 : i32
        %multiple_of3A_81 = tpu.assume_multiple %mul3A_80, 8 : i32
        %dma_start3A_82 = tpu.memref_slice %arg3[%multiple_of3A_81] : memref<320000xi32, #tpu.memory_space<hbm>> -> memref<3200xi32, #tpu.memory_space<hbm>>
        %dma_start3A_83 = tpu.memref_slice %arg3[%multiple_of3A_81] : memref<320000xi32, #tpu.memory_space<hbm>> -> memref<3200xi32, #tpu.memory_space<hbm>>
        tpu.enqueue_dma source(%dma_start3A_83 : memref<3200xi32, #tpu.memory_space<hbm>>) target(%arg10 : memref<3200xi32, #tpu.memory_space<vmem>>) target_semaphore(%arg14 : memref<!tpu.dma_semaphore, #tpu.memory_space<semaphore_mem>>)
        %dma_start3A_84 = tpu.memref_slice %arg4[%multiple_of3A_81] : memref<320000xf32, #tpu.memory_space<hbm>> -> memref<3200xf32, #tpu.memory_space<hbm>>
        %dma_start3A_85 = tpu.memref_slice %arg4[%multiple_of3A_81] : memref<320000xf32, #tpu.memory_space<hbm>> -> memref<3200xf32, #tpu.memory_space<hbm>>
        tpu.enqueue_dma source(%dma_start3A_85 : memref<3200xf32, #tpu.memory_space<hbm>>) target(%arg12 : memref<3200xf32, #tpu.memory_space<vmem>>) target_semaphore(%arg14 : memref<!tpu.dma_semaphore, #tpu.memory_space<semaphore_mem>>)
      } else {
      }
      %mul3A_55 = arith.constant 2 : i32
      %mul3A_56 = arith.muli %mul3A_55, %scan3A_36 : i32
      %add3A_57 = arith.constant 1 : i32
      %add3A_58 = arith.addi %mul3A_56, %add3A_57 : i32
      %dma_wait3A_59 = arith.constant 0 : i32
      %dma_wait3A_60 = tpu.memref_slice %arg3[%dma_wait3A_59] : memref<320000xi32, #tpu.memory_space<hbm>> -> memref<3200xi32, #tpu.memory_space<hbm>>
      %dma_wait3A_61 = arith.constant 0 : i32
      %dma_wait3A_62 = tpu.memref_slice %arg3[%dma_wait3A_61] : memref<320000xi32, #tpu.memory_space<hbm>> -> memref<3200xi32, #tpu.memory_space<hbm>>
      tpu.wait_dma2 semaphore(%arg15 : memref<!tpu.dma_semaphore, #tpu.memory_space<semaphore_mem>>) src(%dma_wait3A_62 : memref<3200xi32, #tpu.memory_space<hbm>>) dst(%arg11 : memref<3200xi32, #tpu.memory_space<vmem>>)
      %dma_wait3A_63 = arith.constant 0 : i32
      %dma_wait3A_64 = tpu.memref_slice %arg4[%dma_wait3A_63] : memref<320000xf32, #tpu.memory_space<hbm>> -> memref<3200xf32, #tpu.memory_space<hbm>>
      %dma_wait3A_65 = arith.constant 0 : i32
      %dma_wait3A_66 = tpu.memref_slice %arg4[%dma_wait3A_65] : memref<320000xf32, #tpu.memory_space<hbm>> -> memref<3200xf32, #tpu.memory_space<hbm>>
      tpu.wait_dma2 semaphore(%arg15 : memref<!tpu.dma_semaphore, #tpu.memory_space<semaphore_mem>>) src(%dma_wait3A_66 : memref<3200xf32, #tpu.memory_space<hbm>>) dst(%arg13 : memref<3200xf32, #tpu.memory_space<vmem>>)
      %parallel_loop3A_67 = arith.constant 0 : i32
      %parallel_loop3A_68 = arith.constant 200 : i32
      %parallel_loop3A_69 = arith.constant 1 : i32
      scf.for %parallel_loop3A_77 = %parallel_loop3A_67 to %parallel_loop3A_68 step %parallel_loop3A_69  : i32 {
        %parallel_loop3A_78 = arith.constant 16 : i32
        %parallel_loop3A_79 = arith.muli %parallel_loop3A_77, %parallel_loop3A_78 : i32
        %parallel_loop3A_80 = arith.index_cast %parallel_loop3A_79 : i32 to index
        %parallel_loop3A_81 = tpu.vector_load %arg11[%parallel_loop3A_80] {strides = array<i32>} : memref<3200xi32, #tpu.memory_space<vmem>>, vector<16xi32>,
        %parallel_loop3A_82 = arith.constant 16 : i32
        %parallel_loop3A_83 = vector.broadcast %parallel_loop3A_82 : i32 to vector<16xi32>
        %parallel_loop3A_84 = arith.shrsi %parallel_loop3A_81, %parallel_loop3A_83 : vector<16xi32>
        %parallel_loop3A_85 = arith.constant 65535 : i32
        %parallel_loop3A_86 = vector.broadcast %parallel_loop3A_85 : i32 to vector<16xi32>
        %parallel_loop3A_87 = arith.andi %parallel_loop3A_81, %parallel_loop3A_86 : vector<16xi32>
        %parallel_loop3A_88 = arith.index_cast %parallel_loop3A_79 : i32 to index
        %parallel_loop3A_89 = tpu.vector_load %arg13[%parallel_loop3A_88] {strides = array<i32>} : memref<3200xf32, #tpu.memory_space<vmem>>, vector<16xf32>,
        %parallel_loop3A_90 = tpu.vector_load_idx %arg7[%broadcast_in_dim3A_24, %parallel_loop3A_84] : memref<4x10000xf32, #tpu.memory_space<vmem>>[vector<16xi32>, vector<16xi32>], vector<16xf32>,
        %parallel_loop3A_91 = arith.mulf %parallel_loop3A_90, %parallel_loop3A_89 : vector<16xf32>
        tpu.vector_store_idx %arg8[%broadcast_in_dim3A_24, %parallel_loop3A_87], %parallel_loop3A_91 {add = true} : memref<4x10000xf32, #tpu.memory_space<vmem>>[vector<16xi32>, vector<16xi32>], vector<16xf32>,
        %parallel_loop3A_92 = tpu.vector_load_idx %arg7[%broadcast_in_dim3A_26, %parallel_loop3A_84] : memref<4x10000xf32, #tpu.memory_space<vmem>>[vector<16xi32>, vector<16xi32>], vector<16xf32>,
        %parallel_loop3A_93 = arith.mulf %parallel_loop3A_92, %parallel_loop3A_89 : vector<16xf32>
        tpu.vector_store_idx %arg8[%broadcast_in_dim3A_26, %parallel_loop3A_87], %parallel_loop3A_93 {add = true} : memref<4x10000xf32, #tpu.memory_space<vmem>>[vector<16xi32>, vector<16xi32>], vector<16xf32>,
        %parallel_loop3A_94 = tpu.vector_load_idx %arg7[%broadcast_in_dim3A_28, %parallel_loop3A_84] : memref<4x10000xf32, #tpu.memory_space<vmem>>[vector<16xi32>, vector<16xi32>], vector<16xf32>,
        %parallel_loop3A_95 = arith.mulf %parallel_loop3A_94, %parallel_loop3A_89 : vector<16xf32>
        tpu.vector_store_idx %arg8[%broadcast_in_dim3A_28, %parallel_loop3A_87], %parallel_loop3A_95 {add = true} : memref<4x10000xf32, #tpu.memory_space<vmem>>[vector<16xi32>, vector<16xi32>], vector<16xf32>,
        %parallel_loop3A_96 = tpu.vector_load_idx %arg7[%broadcast_in_dim3A_30, %parallel_loop3A_84] : memref<4x10000xf32, #tpu.memory_space<vmem>>[vector<16xi32>, vector<16xi32>], vector<16xf32>,
        %parallel_loop3A_97 = arith.mulf %parallel_loop3A_96, %parallel_loop3A_89 : vector<16xf32>
        tpu.vector_store_idx %arg8[%broadcast_in_dim3A_30, %parallel_loop3A_87], %parallel_loop3A_97 {add = true} : memref<4x10000xf32, #tpu.memory_space<vmem>>[vector<16xi32>, vector<16xi32>], vector<16xf32>,
      } {sc.loop_unroll_factor = 8 : i64, sc.parallel_access}
      %add3A_70 = arith.constant 2 : i32
      %add3A_71 = arith.addi %add3A_58, %add3A_70 : i32
      %lt3A_72 = arith.constant 100 : i32
      %lt3A_73 = arith.cmpi slt, %add3A_71, %lt3A_72 : i32
      %convert_element_type3A_74 = arith.extui %lt3A_73 : i1 to i32
      %cond3A_75 = arith.constant 0 : i32
      %cond3A_76 = arith.cmpi ne, %convert_element_type3A_74, %cond3A_75 : i32
      scf.if %cond3A_76 {
        %add3A_77 = arith.constant 2 : i32
        %add3A_78 = arith.addi %add3A_58, %add3A_77 : i32
        %mul3A_79 = arith.constant 3200 : i32
        %mul3A_80 = arith.muli %add3A_78, %mul3A_79 : i32
        %multiple_of3A_81 = tpu.assume_multiple %mul3A_80, 8 : i32
        %dma_start3A_82 = tpu.memref_slice %arg3[%multiple_of3A_81] : memref<320000xi32, #tpu.memory_space<hbm>> -> memref<3200xi32, #tpu.memory_space<hbm>>
        %dma_start3A_83 = tpu.memref_slice %arg3[%multiple_of3A_81] : memref<320000xi32, #tpu.memory_space<hbm>> -> memref<3200xi32, #tpu.memory_space<hbm>>
        tpu.enqueue_dma source(%dma_start3A_83 : memref<3200xi32, #tpu.memory_space<hbm>>) target(%arg11 : memref<3200xi32, #tpu.memory_space<vmem>>) target_semaphore(%arg15 : memref<!tpu.dma_semaphore, #tpu.memory_space<semaphore_mem>>)
        %dma_start3A_84 = tpu.memref_slice %arg4[%multiple_of3A_81] : memref<320000xf32, #tpu.memory_space<hbm>> -> memref<3200xf32, #tpu.memory_space<hbm>>
        %dma_start3A_85 = tpu.memref_slice %arg4[%multiple_of3A_81] : memref<320000xf32, #tpu.memory_space<hbm>> -> memref<3200xf32, #tpu.memory_space<hbm>>
        tpu.enqueue_dma source(%dma_start3A_85 : memref<3200xf32, #tpu.memory_space<hbm>>) target(%arg13 : memref<3200xf32, #tpu.memory_space<vmem>>) target_semaphore(%arg15 : memref<!tpu.dma_semaphore, #tpu.memory_space<semaphore_mem>>)
      } else {
      }
    }
    %scan3A_35 = arith.constant 50 : i32
    "tpu.region"() ({
      %run_scoped3A = tpu.sem_alloc : memref<!tpu.dma_semaphore, #tpu.memory_space<semaphore_mem>>
      %dma_start3A_36 = arith.constant 0 : i32
      %dma_start3A_37 = tpu.memref_slice %arg6[%mul3A_2, %dma_start3A_36] : memref<128x10000xf32, #tpu.memory_space<hbm>> -> memref<4x10000xf32, #tpu.memory_space<hbm>>
      %dma_start3A_38 = arith.constant 0 : i32
      %dma_start3A_39 = tpu.memref_slice %arg6[%mul3A_2, %dma_start3A_38] : memref<128x10000xf32, #tpu.memory_space<hbm>> -> memref<4x10000xf32, #tpu.memory_space<hbm>>
      tpu.enqueue_dma source(%arg8 : memref<4x10000xf32, #tpu.memory_space<vmem>>) target(%dma_start3A_39 : memref<4x10000xf32, #tpu.memory_space<hbm>>) target_semaphore(%run_scoped3A : memref<!tpu.dma_semaphore, #tpu.memory_space<semaphore_mem>>)
      %dma_wait3A = arith.constant 0 : i32
      %dma_wait3A_40 = tpu.memref_slice %arg6[%mul3A_2, %dma_wait3A] : memref<128x10000xf32, #tpu.memory_space<hbm>> -> memref<4x10000xf32, #tpu.memory_space<hbm>>
      %dma_wait3A_41 = arith.constant 0 : i32
      %dma_wait3A_42 = tpu.memref_slice %arg6[%mul3A_2, %dma_wait3A_41] : memref<128x10000xf32, #tpu.memory_space<hbm>> -> memref<4x10000xf32, #tpu.memory_space<hbm>>
      tpu.wait_dma2 semaphore(%run_scoped3A : memref<!tpu.dma_semaphore, #tpu.memory_space<semaphore_mem>>) src(%arg8 : memref<4x10000xf32, #tpu.memory_space<vmem>>) dst(%dma_wait3A_42 : memref<4x10000xf32, #tpu.memory_space<hbm>>)
      tpu.yield
    }) : () -> ()
    return
  }
}

module attributes {stable_mosaic.version = 14 : i64} {
  func.func @_mm1_body(%arg0: memref<128x10000xf32, #tpu.memory_space<vmem>>, %arg1: memref<128x256xf32, #tpu.memory_space<vmem>>, %arg2: memref<1x256xf32, #tpu.memory_space<vmem>>, %arg3: memref<256x128xf32, #tpu.memory_space<vmem>>, %arg4: memref<10000x256xf32, #tpu.memory_space<vmem>>, %arg5: memref<128x10000xf32, #tpu.memory_space<vmem>>) attributes {dimension_semantics = [], scalar_prefetch = 0 : i64, scratch_operands = 0 : i64, tpu.core_type = #tpu.core_type<tc>} {
    %get3A = arith.constant 0 : index
    %get3A_0 = arith.constant 0 : index
    %get3A_1 = vector.load %arg0[%get3A, %get3A_0] : memref<128x10000xf32, #tpu.memory_space<vmem>>, vector<128x10000xf32>
    %get3A_2 = arith.constant 0 : index
    %get3A_3 = arith.constant 0 : index
    %get3A_4 = vector.load %arg1[%get3A_2, %get3A_3] : memref<128x256xf32, #tpu.memory_space<vmem>>, vector<128x256xf32>
    %dot_general3A = arith.constant dense<0.000000e+00> : vector<10000x256xf32>
    %dot_general3A_5 = tpu.matmul %get3A_1, %get3A_4, %dot_general3A {dimension_numbers = #tpu.dot_dimension_numbers<[0], [0], [1], [1], [0, 1, 1, 1], [], []>, transpose_lhs_hint = false} : vector<128x10000xf32>, vector<128x256xf32>, vector<10000x256xf32> -> vector<10000x256xf32>
    %get3A_6 = arith.constant 0 : index
    %get3A_7 = arith.constant 0 : index
    %get3A_8 = vector.load %arg2[%get3A_6, %get3A_7] : memref<1x256xf32, #tpu.memory_space<vmem>>, vector<1x256xf32>
    %add3A = vector.broadcast %get3A_8 : vector<1x256xf32> to vector<10000x256xf32>
    %add3A_9 = arith.addf %dot_general3A_5, %add3A : vector<10000x256xf32>
    %swap3A = arith.constant 0 : index
    %swap3A_10 = arith.constant 0 : index
    %swap3A_11 = vector.load %arg4[%swap3A, %swap3A_10] : memref<10000x256xf32, #tpu.memory_space<vmem>>, vector<10000x256xf32>
    tpu.vector_store %arg4[%swap3A, %swap3A_10], %add3A_9 {strides = array<i32>} : memref<10000x256xf32, #tpu.memory_space<vmem>>, vector<10000x256xf32>,
    %max3A = arith.constant 0.000000e+00 : f32
    %max3A_12 = vector.broadcast %max3A : f32 to vector<10000x256xf32>
    %max3A_13 = arith.maximumf %add3A_9, %max3A_12 : vector<10000x256xf32>
    %get3A_14 = arith.constant 0 : index
    %get3A_15 = arith.constant 0 : index
    %get3A_16 = vector.load %arg3[%get3A_14, %get3A_15] : memref<256x128xf32, #tpu.memory_space<vmem>>, vector<256x128xf32>
    %dot_general3A_17 = arith.constant dense<0.000000e+00> : vector<10000x128xf32>
    %dot_general3A_18 = tpu.matmul %max3A_13, %get3A_16, %dot_general3A_17 {dimension_numbers = #tpu.dot_dimension_numbers<[1], [0], [0], [1], [0, 0, 1, 1], [], []>, transpose_lhs_hint = false} : vector<10000x256xf32>, vector<256x128xf32>, vector<10000x128xf32> -> vector<10000x128xf32>
    %transpose3A = tpu.transpose %dot_general3A_18, [1, 0] : vector<10000x128xf32> -> vector<128x10000xf32>
    %swap3A_19 = arith.constant 0 : index
    %swap3A_20 = arith.constant 0 : index
    %swap3A_21 = vector.load %arg5[%swap3A_19, %swap3A_20] : memref<128x10000xf32, #tpu.memory_space<vmem>>, vector<128x10000xf32>
    tpu.vector_store %arg5[%swap3A_19, %swap3A_20], %transpose3A {strides = array<i32>} : memref<128x10000xf32, #tpu.memory_space<vmem>>, vector<128x10000xf32>,
    return
  }
}

module attributes {stable_mosaic.version = 14 : i64} {
  func.func @_deg_finish_body(%arg0: memref<32x10000xf32, #tpu.memory_space<vmem>>, %arg1: memref<10000x128xf32, #tpu.memory_space<vmem>>, %arg2: memref<1x10000xf32, #tpu.memory_space<vmem>>, %arg3: memref<1x10000xf32, #tpu.memory_space<vmem>>, %arg4: memref<128x10000xf32, #tpu.memory_space<vmem>>) attributes {dimension_semantics = [], scalar_prefetch = 0 : i64, scratch_operands = 0 : i64, tpu.core_type = #tpu.core_type<tc>} {
    %get3A = arith.constant 0 : index
    %get3A_0 = arith.constant 0 : index
    %get3A_1 = vector.load %arg0[%get3A, %get3A_0] : memref<32x10000xf32, #tpu.memory_space<vmem>>, vector<32x10000xf32>
    %reduce_sum3A = arith.constant dense<0.000000e+00> : vector<10000xf32>
    %reduce_sum3A_2 = vector.multi_reduction <add>, %get3A_1, %reduce_sum3A [0] : vector<32x10000xf32> to vector<10000xf32>
    %broadcast_in_dim3A = vector.shape_cast %reduce_sum3A_2 : vector<10000xf32> to vector<1x10000xf32>
    %add3A = arith.constant 1.000000e+00 : f32
    %add3A_3 = vector.broadcast %add3A : f32 to vector<1x10000xf32>
    %add3A_4 = arith.addf %broadcast_in_dim3A, %add3A_3 : vector<1x10000xf32>
    %gt3A = arith.constant 0.000000e+00 : f32
    %gt3A_5 = vector.broadcast %gt3A : f32 to vector<1x10000xf32>
    %gt3A_6 = arith.cmpf ogt, %add3A_4, %gt3A_5 : vector<1x10000xf32>
    %rsqrt3A = math.rsqrt %add3A_4 : vector<1x10000xf32>
    %jit3A = arith.constant 0.000000e+00 : f32
    %broadcast_in_dim3A_7 = vector.broadcast %jit3A : f32 to vector<1x10000xf32>
    %select_n3A = arith.select %gt3A_6, %rsqrt3A, %broadcast_in_dim3A_7 : vector<1x10000xi1>, vector<1x10000xf32>
    %swap3A = arith.constant 0 : index
    %swap3A_8 = arith.constant 0 : index
    %swap3A_9 = vector.load %arg2[%swap3A, %swap3A_8] : memref<1x10000xf32, #tpu.memory_space<vmem>>, vector<1x10000xf32>
    tpu.vector_store %arg2[%swap3A, %swap3A_8], %select_n3A {strides = array<i32>} : memref<1x10000xf32, #tpu.memory_space<vmem>>, vector<1x10000xf32>,
    %mul3A = arith.mulf %select_n3A, %select_n3A : vector<1x10000xf32>
    %swap3A_10 = arith.constant 0 : index
    %swap3A_11 = arith.constant 0 : index
    %swap3A_12 = vector.load %arg3[%swap3A_10, %swap3A_11] : memref<1x10000xf32, #tpu.memory_space<vmem>>, vector<1x10000xf32>
    tpu.vector_store %arg3[%swap3A_10, %swap3A_11], %mul3A {strides = array<i32>} : memref<1x10000xf32, #tpu.memory_space<vmem>>, vector<1x10000xf32>,
    %get3A_13 = arith.constant 0 : index
    %get3A_14 = arith.constant 0 : index
    %get3A_15 = vector.load %arg1[%get3A_13, %get3A_14] : memref<10000x128xf32, #tpu.memory_space<vmem>>, vector<10000x128xf32>
    %transpose3A = tpu.transpose %get3A_15, [1, 0] : vector<10000x128xf32> -> vector<128x10000xf32>
    %swap3A_16 = arith.constant 0 : index
    %swap3A_17 = arith.constant 0 : index
    %swap3A_18 = vector.load %arg4[%swap3A_16, %swap3A_17] : memref<128x10000xf32, #tpu.memory_space<vmem>>, vector<128x10000xf32>
    tpu.vector_store %arg4[%swap3A_16, %swap3A_17], %transpose3A {strides = array<i32>} : memref<128x10000xf32, #tpu.memory_space<vmem>>, vector<128x10000xf32>,
    return
  }
}

module attributes {stable_mosaic.version = 14 : i64} {
  func.func @_mm2_body(%arg0: memref<128x10000xf32, #tpu.memory_space<vmem>>, %arg1: memref<1x128xf32, #tpu.memory_space<vmem>>, %arg2: memref<128x128xf32, #tpu.memory_space<vmem>>, %arg3: memref<1x128xf32, #tpu.memory_space<vmem>>, %arg4: memref<10000x128xf32, #tpu.memory_space<vmem>>, %arg5: memref<10000x128xf32, #tpu.memory_space<vmem>>) attributes {dimension_semantics = [], scalar_prefetch = 0 : i64, scratch_operands = 0 : i64, tpu.core_type = #tpu.core_type<tc>} {
    %get3A = arith.constant 0 : index
    %get3A_0 = arith.constant 0 : index
    %get3A_1 = vector.load %arg0[%get3A, %get3A_0] : memref<128x10000xf32, #tpu.memory_space<vmem>>, vector<128x10000xf32>
    %transpose3A = tpu.transpose %get3A_1, [1, 0] : vector<128x10000xf32> -> vector<10000x128xf32>
    %get3A_2 = arith.constant 0 : index
    %get3A_3 = arith.constant 0 : index
    %get3A_4 = vector.load %arg1[%get3A_2, %get3A_3] : memref<1x128xf32, #tpu.memory_space<vmem>>, vector<1x128xf32>
    %add3A = vector.broadcast %get3A_4 : vector<1x128xf32> to vector<10000x128xf32>
    %add3A_5 = arith.addf %transpose3A, %add3A : vector<10000x128xf32>
    %swap3A = arith.constant 0 : index
    %swap3A_6 = arith.constant 0 : index
    %swap3A_7 = vector.load %arg4[%swap3A, %swap3A_6] : memref<10000x128xf32, #tpu.memory_space<vmem>>, vector<10000x128xf32>
    tpu.vector_store %arg4[%swap3A, %swap3A_6], %add3A_5 {strides = array<i32>} : memref<10000x128xf32, #tpu.memory_space<vmem>>, vector<10000x128xf32>,
    %get3A_8 = arith.constant 0 : index
    %get3A_9 = arith.constant 0 : index
    %get3A_10 = vector.load %arg2[%get3A_8, %get3A_9] : memref<128x128xf32, #tpu.memory_space<vmem>>, vector<128x128xf32>
    %dot_general3A = arith.constant dense<0.000000e+00> : vector<10000x128xf32>
    %dot_general3A_11 = tpu.matmul %add3A_5, %get3A_10, %dot_general3A {dimension_numbers = #tpu.dot_dimension_numbers<[1], [0], [0], [1], [0, 0, 1, 1], [], []>, transpose_lhs_hint = false} : vector<10000x128xf32>, vector<128x128xf32>, vector<10000x128xf32> -> vector<10000x128xf32>
    %get3A_12 = arith.constant 0 : index
    %get3A_13 = arith.constant 0 : index
    %get3A_14 = vector.load %arg3[%get3A_12, %get3A_13] : memref<1x128xf32, #tpu.memory_space<vmem>>, vector<1x128xf32>
    %add3A_15 = vector.broadcast %get3A_14 : vector<1x128xf32> to vector<10000x128xf32>
    %add3A_16 = arith.addf %dot_general3A_11, %add3A_15 : vector<10000x128xf32>
    %swap3A_17 = arith.constant 0 : index
    %swap3A_18 = arith.constant 0 : index
    %swap3A_19 = vector.load %arg5[%swap3A_17, %swap3A_18] : memref<10000x128xf32, #tpu.memory_space<vmem>>, vector<10000x128xf32>
    tpu.vector_store %arg5[%swap3A_17, %swap3A_18], %add3A_16 {strides = array<i32>} : memref<10000x128xf32, #tpu.memory_space<vmem>>, vector<10000x128xf32>,
    return
  }
}

</mosaic_0001>

<sc_bundles>
// kernel: kernel.12.cloned.1.call-start
scs
__scs_entry_jumppad:
0x0: {  	(pc) =	sbr.rel $0x88, $3  }
0x1: {  	(tag) =	ssettag $0x0;
	lr =	simm.s32 $0x1  }
0x2: {  	[smem:$0x3F98] =	sst lr;
	_ =	strace $0xD0000000  }
0x3: {  	_ = 	snop  }
0x4: {  	_ = 	snop  }
0x5: {  	_ = 	snop  }
0x6: {  	_ = 	snop  }
0x7: {  	_ = 	snop  }
__scs_overlays_trampoline_lowered:
0x8: {  	[smem:$0x3FA7] =	sst s0  }
0x9: {  	[smem:$0x3FA8] =	sst s1  }
0xa: {  	[smem:$0x3FA9] =	sst s2  }
0xb: {  	[smem:$0x3FAA] =	sst s3  }
0xc: {  	[smem:$0x3FAB] =	sst s4  }
0xd: {  	[smem:$0x3FAC] =	sst s5  }
0xe: {  	[smem:$0x3FAD] =	sst s6  }
0xf: {  	[smem:$0x3FAE] =	sst s7  }
0x10: {  	[smem:$0x3FAF] =	sst s8  }
0x11: {  	[smem:$0x3FB0] =	sst s9;
	s0 =	simm.s32 @!p0 $0x0  }
0x12: {  	s1 =	sld [smem:$0x3F96];
	s0 =	simm.s32 @p0 $0x1  }
0x13: {  	[smem:$0x3FB1] =	sst s0;
	s0 =	simm.s32 @!p1 $0x0  }
0x14: {  	s2 =	sld [smem:$0x3F95];
	s0 =	simm.s32 @p1 $0x1  }
0x15: {  	[smem:$0x3FB2] =	sst s0;
	s0 =	simm.s32 @!p2 $0x0  }
0x16: {  	s3 =	sld [smem:$0x3FDB];
	s0 =	simm.s32 @p2 $0x1  }
0x17: {  	s4 =	simm.s32 $0x1BF5;
	[smem:$0x3FB4] =	sst s0  }
0x18: {  	s0 =	sld [smem:$0x3F97];
	_ =	swait.ge [sflag:s4], $0x0  }
0x19: {  	s7 =	sld [smem:$0x3F98]  }
0x1a: {  	s8 =	sadd.s32 $0xFFFFE003, lr  }
0x1b: {  	s9 =	sadd.s32 $0xFFFFFEF7, lr;
	s5 =	simm.s32 $0xFFFFFFFF;
	p2 =	slt.u32 s8, $0xFFFFF086  }
0x1c: {  	p1 =	slt.u32 s9, $0xF7A;
	s5 =	simm.s32 @!p2 $0x0  }
0x1d: {  	s5 =	simm.s32 @p1 $0x1;
	p0 =	seq.s32 s7, s2  }
0x1e: {  	s7 =	smul.u32 @!p0 $0xF7A, s2;
	p2 =	seq.s32 @!p0 s5, $0x0  }
0x1f: {  	s9 =	smul.u32 $0xF7A, s1;
	s8 =	simm.s32 @!p0 $0x1BF5;
	p2 =	por !p2, p0  }
0x20: {  	[sflag:s8] =	ssyncset.s32 @!p0 $0xFFFFF086;
	s6 =	sadd.s32 @!p0 s3, s7;
	s7 =	simm.s32 @!p0 $0x108  }
0x21: {  	s3 =	sadd.s32 s3, s9;
	s6 =	sadd.s32 @!p0 $0x88, s6;
	s7 =	simm.s32 @p2 $0x1082  }
0x22: {  	[simem:s7], [sflag:s8] =	dma.local @!p0 [hbm:s6], $0xF7A  }
0x23: {  	s9 =	sor.u32 $0xD0000000, s2;
	s6 =	simm.s32 $0x108;
	_ =	swait.ge @!p0 [sflag:s8], $0x0  }
0x24: {  	s3 =	sadd.s32 $0x88, s3;
	s6 =	simm.s32 @!p1 $0x1082;
	[sflag:s4] =	ssyncset.s32 $0xFFFFF086  }
0x25: {  	[simem:s6], [sflag:s4] =	dma.local [hbm:s3], $0xF7A  }
0x26: {  	[smem:$0x3F98] =	sst s1;
	(tag) =	ssettag s2;
	_ =	strace s9  }
0x27: {  	s1 =	sld [smem:$0x3FA8]  }
0x28: {  	s2 =	sld [smem:$0x3FA9]  }
0x29: {  	s4 =	sld [smem:$0x3FAB]  }
0x2a: {  	p0 =	seq.s32 s5, $0x0;
	s5 =	sld [smem:$0x3FAC]  }
0x2b: {  	s6 =	sld [smem:$0x3FAD]  }
0x2c: {  	s7 =	sld [smem:$0x3FAE]  }
0x2d: {  	s3 =	simm.s32 $0x108;
	s8 =	sld [smem:$0x3FAF]  }
0x2e: {  	s3 =	simm.s32 @!p0 $0x1082;
	s9 =	sld [smem:$0x3FB0]  }
0x2f: {  	lr =	sadd.s32 s0, s3;
	s0 =	sld [smem:$0x3FA7]  }
0x30: {  	s3 =	sld [smem:$0x3FAA]  }
0x31: {  	[smem:$0x3FB3] =	sst s10  }
0x32: {  	s10 =	sld [smem:$0x3FB1];
	_ =	sdelay $0x3  }
0x33: {  	p0 =	seq.s32 s10, $0x1;
	s10 =	sld [smem:$0x3FB3];
	_ =	sdelay $0x3  }
0x34: {  	[smem:$0x3FB3] =	sst s10  }
0x35: {  	s10 =	sld [smem:$0x3FB2];
	_ =	sdelay $0x3  }
0x36: {  	p1 =	seq.s32 s10, $0x1;
	s10 =	sld [smem:$0x3FB3];
	_ =	sdelay $0x3  }
0x37: {  	[smem:$0x3FB3] =	sst s10  }
0x38: {  	s10 =	sld [smem:$0x3FB4]  }
0x39: {  	_ = 	snop;
	(pc) =	sbr.ind lr, $3  }
0x3a: {  	_ = 	snop  }
0x3b: {  	_ = 	snop  }
0x3c: {  	p2 =	seq.s32 s10, $0x1;
	s10 =	sld [smem:$0x3FB3]  }
0x3d: {  	_ =	shalt  }
0x3e: {  	_ =	shalt  }
0x3f: {  	_ =	shalt  }
0x40: {  	_ =	shalt  }
0x41: {  	_ =	shalt  }
0x42: {  	_ =	shalt  }
0x43: {  	_ =	shalt  }
0x44: {  	_ =	shalt  }
0x45: {  	_ =	shalt  }
0x46: {  	_ =	shalt  }
0x47: {  	_ =	shalt  }
0x48: {  	_ =	shalt  }
0x49: {  	_ =	shalt  }
0x4a: {  	_ =	shalt  }
0x4b: {  	_ =	shalt  }
0x4c: {  	_ =	shalt  }
0x4d: {  	_ =	shalt  }
0x4e: {  	_ =	shalt  }
0x4f: {  	_ =	shalt  }
0x50: {  	_ =	shalt  }
0x51: {  	_ =	shalt  }
0x52: {  	_ =	shalt  }
0x53: {  	_ =	shalt  }
0x54: {  	_ =	shalt  }
0x55: {  	_ =	shalt  }
0x56: {  	_ =	shalt  }
0x57: {  	_ =	shalt  }
0x58: {  	_ =	shalt  }
0x59: {  	_ =	shalt  }
0x5a: {  	_ =	shalt  }
0x5b: {  	_ =	shalt  }
0x5c: {  	_ =	shalt  }
0x5d: {  	_ =	shalt  }
0x5e: {  	_ =	shalt  }
0x5f: {  	_ =	shalt  }
0x60: {  	_ =	shalt  }
0x61: {  	_ =	shalt  }
0x62: {  	_ =	shalt  }
0x63: {  	_ =	shalt  }
0x64: {  	_ =	shalt  }
0x65: {  	_ =	shalt  }
0x66: {  	_ =	shalt  }
0x67: {  	_ =	shalt  }
0x68: {  	_ =	shalt  }
0x69: {  	_ =	shalt  }
0x6a: {  	_ =	shalt  }
0x6b: {  	_ =	shalt  }
0x6c: {  	_ =	shalt  }
0x6d: {  	_ =	shalt  }
0x6e: {  	_ =	shalt  }
0x6f: {  	_ =	shalt  }
0x70: {  	_ =	shalt  }
0x71: {  	_ =	shalt  }
0x72: {  	_ =	shalt  }
0x73: {  	_ =	shalt  }
0x74: {  	_ =	shalt  }
0x75: {  	_ =	shalt  }
0x76: {  	_ =	shalt  }
0x77: {  	_ =	shalt  }
0x78: {  	_ =	shalt  }
0x79: {  	_ =	shalt  }
0x7a: {  	_ =	shalt  }
0x7b: {  	_ =	shalt  }
0x7c: {  	_ =	shalt  }
0x7d: {  	_ =	shalt  }
0x7e: {  	_ =	shalt  }
0x7f: {  	_ =	shalt  }
0x80: {  	_ =	shalt  }
0x81: {  	_ =	shalt  }
0x82: {  	_ =	shalt  }
0x83: {  	_ =	shalt  }
0x84: {  	_ =	shalt  }
0x85: {  	_ =	shalt  }
0x86: {  	_ =	shalt  }
0x87: {  	_ =	shalt  }
.Lfunc_end0:
.L_simem_size_0:
called_computation.1_lowered:
.L_overlay_start_0:
0x88: {  	s2 =	sld [smem:$0x3FD9]  }
0x89: {  	s3 =	sld [smem:$0x3FFE];
	_ =	sdelay $0x1  }
0x8a: {  	s1 =	srdreg.scid  }
0x8b: {  	s0 =	sand.u32 $0x1, s1  }
0x8c: {  	s14 =	sshll.u32 s0, $0xA;
	s2 =	sadd.s32 s3, s2  }
0x8d: {  	s2 =	sadd.s32 s2, s14  }
0x8e: {  	[smem:$0x3FBF] =	sst s2  }
0x8f: {  	_ = 	snop  }
0x90: {  	s2 =	sld [smem:$0x3FD0];
	_ =	sdelay $0x2  }
0x91: {  	s4 =	simm.s32 $0xA;
	s5 =	simm.s32 $0x10;
	s15 =	sld [smem:$0x3FC7]  }
0x92: {  	[smem:s5], [sflag:s4] =	dma.local [hbm:s2], $0x1  }
0x93: {  	_ =	swait.eq [sflag:s4], $0x1  }
0x94: {  	[sflag:s4] =	ssyncset.done $0x0  }
0x95: {  	s16 =	sld [smem:$0x10];
	[sflag:s4] =	ssyncadd.s32 $0xFFFFFFFF  }
0x96: {  	s17 =	sld [smem:$0x12];
	(tm) =	ssettm $0x1  }
0x97: {  	s18 =	sld [smem:$0x3FFB];
	_ =	sdelay $0x3  }
0x98: {  	_ =	strace s18  }
0x99: {  	s5 =	sld [smem:$0x3FFC];
	_ =	sdelay $0x3  }
0x9a: {  	_ =	strace s5  }
0x9b: {  	s5 =	sld [smem:$0x3FFD];
	_ =	sdelay $0x3  }
0x9c: {  	_ =	strace s5  }
0x9d: {  	_ =	strace $0x8FFFFFFF  }
0x9e: {  	s19 =	sld [smem:$0x3FDB];
	_ =	sdelay $0x1  }
0x9f: {  	s6 =	simm.s32 $_scs_section_size  }
0xa0: {  	s7 =	simm.s32 $_size__tile_overlayer_lowered;
	s8 =	simm.s32 $_tile_overlayer_lowered  }
0xa1: {  	s22 =	simm.s32 $0x1BFF;
	s21 =	sshll.u32 s8, $0x1;
	s5 =	sadd.s32 s6, s19  }
0xa2: {  	s9 =	simm.s32 $0x0;
	s20 =	sshll.u32 s7, $0x1;
	s7 =	sadd.s32 s21, s5  }
0xa3: {  	[timem:s9], [sflag:s22] =	dma.local [hbm:s7], s20  }
0xa4: {  	_ =	swait.ge [sflag:s22], s20  }
0xa5: {  	s6 =	ssub.s32 $0x0, s20;
	[sflag:s22] =	ssyncset.done $0x0  }
0xa6: {  	[sflag:s22] =	ssyncadd.s32 s6;
	_ =	sdelay $0x1  }
0xa7: {  	s23 =	simm.s32 $0x1B8B  }
0xa8: {  	_ =	swait.ge [sflag:s23], $0x1  }
0xa9: {  	[sflag:s23] =	ssyncset.done $0x0  }
0xaa: {  	s25 =	simm.s32 $0x1B8E;
	s24 =	sld [smem:$0x3FFE];
	[sflag:s23] =	ssyncadd.s32 $0xFFFFFFFF  }
0xab: {  	s26 =	simm.s32 $execute0_lowered;
	[smem:$0x3FD2] =	sst s25  }
0xac: {  	s7 =	sshll.u32 s26, $0x1;
	_ =	strace $0x80000049;
	[dreg:$0x1] =	wrdreg $0xFFFFFFFF  }
0xad: {  	s28 =	simm.s32 $_size_execute0_lowered;
	s5 =	sadd.s32 s5, s7;
	[dreg:$0x0] =	wrdreg $0x0  }
0xae: {  	s7 =	sshll.u32 s28, $0x1;
	[dreg:$0x2] =	wrdreg s5  }
0xaf: {  	[dreg:$0x3] =	wrdreg s7  }
0xb0: {  	[dreg:$0x4] =	wrdreg $0xC0  }
0xb1: {  	_ =	task [dreg:s9], $0x5FFFF  }
0xb2: {  	[dreg:$0x1] =	wrdreg $0xFFFFFFFF  }
0xb3: {  	[dreg:$0x0] =	wrdreg $0x60  }
0xb4: {  	[dreg:$0x2] =	wrdreg s16  }
0xb5: {  	[dreg:$0x3] =	wrdreg s24  }
0xb6: {  	[dreg:$0x4] =	wrdreg s15  }
0xb7: {  	[dreg:$0x5] =	wrdreg s17  }
0xb8: {  	[dreg:$0x6] =	wrdreg $0x9  }
0xb9: {  	_ =	task.clear_ibuf [dreg:s9], $0x7FFFF;
	_ =	strace $0x90000049  }
0xba: {  	s29 =	simm.s32 $0x9;
	_ =	strace $0x8000004B  }
0xbb: {  	_ =	swait.ge [sflag:s29], $0x1  }
0xbc: {  	[sflag:s29] =	ssyncadd.s32 $0xFFFFFFFF  }
0xbd: {  	_ =	strace $0x9000004B  }
0xbe: {  	_ =	sfence  }
0xbf: {  	s30 =	sld [smem:$0x0];
	_ =	sdelay $0x2  }
0xc0: {  	s31 =	sshll.u32 s1, $0xD;
	s1 =	sshrl.u32 s1, $0x2  }
0xc1: {  	s3 =	sand.u32 $0x4000, s31;
	s1 =	sadd.s32 s1, s30  }
0xc2: {  	s0 =	sor.u32 s3, s0;
	s1 =	sshll.u32 s1, $0x11  }
0xc3: {  	s0 =	sor.u32 s1, s0  }
0xc4: {  	s0 =	sadd.s32 $0x8F2B, s0  }
0xc5: {  	[sflag:s0] =	ssyncadd.remote.s32 $0x1  }
0xc6: {  	_ =	sfence.sel $0xFFFF  }
0xc7: {  	[dreg:$0x0] =	wrdreg $0xFFFFFFFF;
	(pc) =	sbr.abs _section_cstart, $3  }
0xc8: {  	[dreg:$0x1] =	wrdreg $0xFFFFFFFF  }
0xc9: {  	_ =	task.clear_ibuf [dreg:s9], $0x2FFFF;
	_ =	strace $0x9FFFFFFF  }
0xca: {  	(tm) =	ssettm $0x7FFFFFFF  }
0xcb: {  	_ =	shalt  }
tec
execute0_lowered:
.L_overlay_start_1:
0x0: {  	(tag) =	ssettag $0x1  }
0x1: {  	s4 =	rddreg [dreg:$0x0]  }
0x2: {  	s5 =	rddreg [dreg:$0x1]  }
0x3: {  	s6 =	rddreg [dreg:$0x2];
	s1 =	srdreg.scid  }
0x4: {  	s0 =	stileid.u32;
	s7 =	rddreg [dreg:$0x3]  }
0x5: {  	s2 =	simm.s32 $0x0;
	s11 =	simm.s32 $0x4F00;
	s12 =	simm.s32 $0x7680  }
0x6: {  	s13 =	simm.s32 $0x2;
	s14 =	simm.s32 $0x1;
	s15 =	simm.s32 $0x9E00  }
0x7: {  	s16 =	simm.s32 $0xC580;
	s3 =	sand.u32 $0x1, s1;
	s8 =	sshll.u32 s0, $0x1  }
0x8: {  	s17 =	simm.s32 $0x0;
	s1 =	rddreg [dreg:$0x4];
	s8 =	sor.u32 s3, s8  }
0x9: {  	[smem:$0x7FF] =	sst s2;
	s9 =	ssub.s32 $0x2, s3;
	s8 =	smul.u32 $0x4E2, s8  }
0xa: {  	_ =	strace $0x8000004A;
	s3 =	sadd.s32 $0xC200, s5;
	s31 =	sshrl.u32 s9, $0x1  }
0xb: {  	s9 =	ssub.s32 s9, s31;
	s10 =	sadd.s32 s8, s5;
	s4 =	sadd.s32 s4, s8  }
0xc: {  	s6 =	sadd.s32 s6, s8;
	s7 =	sadd.s32 s7, s8;
	s9 =	smax.u32 s9, $0x1  }
0xd: {  	s5 =	sadd.s32 $0x2400, s10;
	s8 =	sadd.s32 $0xC800, s10;
	s10 =	simm.s32 $0x2780  }
.LBB2_1:
0xe: {  	[tilespmem:s10], [sflag:$0x1] =	stream.linear.gather [hbm4b:s4+s2], $0x2710, $0x38;
	[tilespmem:$0xED00] =	vst v63  }
0xf: {  	_ = 	snop  }
0x10: {  	[tilespmem:s11], [sflag:$0x1] =	stream.linear.gather [hbm4b:s5+s2], $0x2710, $0x38;
	[tilespmem:$0xED00] =	vst v63  }
0x11: {  	_ = 	snop  }
0x12: {  	[tilespmem:s12], [sflag:$0x1] =	stream.linear.gather [hbm4b:s6+s2], $0x2710, $0x38;
	[tilespmem:$0xED00] =	vst v63  }
0x13: {  	_ = 	snop  }
0x14: {  	[tilespmem:s2], [sflag:$0x2] =	stream.linear.gather [hbm4b:s3+s2], $0x2780, $0x38;
	[tilespmem:$0xED00] =	vst v63  }
0x15: {  	_ =	swait.ge [sflag:s13], $0x2780  }
0x16: {  	[sflag:s13] =	ssyncset.done $0x0  }
0x17: {  	[sflag:s13] =	ssyncadd.s32 $0xFFFFD880  }
0x18: {  	_ =	swait.ge [sflag:s14], $0x2710  }
0x19: {  	[sflag:s14] =	ssyncset.done $0x0  }
0x1a: {  	[sflag:s14] =	ssyncadd.s32 $0xFFFFD8F0  }
0x1b: {  	_ =	swait.ge [sflag:s14], $0x2710  }
0x1c: {  	[sflag:s14] =	ssyncset.done $0x0  }
0x1d: {  	[sflag:s14] =	ssyncadd.s32 $0xFFFFD8F0  }
0x1e: {  	_ =	swait.ge [sflag:s14], $0x2710  }
0x1f: {  	[sflag:s14] =	ssyncset.done $0x0  }
0x20: {  	s19 =	simm.s32 $0x27A0;
	[sflag:s14] =	ssyncadd.s32 $0xFFFFD8F0  }
0x21: {  	v0 =	vld [tilespmem:s19+$0x20]  }
0x22: {  	s18 =	simm.s32 $0x4F20;
	v1 =	vld [tilespmem:s19+$0xFFFFFFF0]  }
0x23: {  	v2 =	vld [tilespmem:s18+$0x20]  }
0x24: {  	v7 =	vld [tilespmem:s19+$0x0]  }
0x25: {  	v8 =	vld [tilespmem:s19+$0x10]  }
0x26: {  	v3 =	vld [tilespmem:s19+$0xFFFFFFE0]  }
0x27: {  	v6 =	vld [tilespmem:s18+$0xFFFFFFE0]  }
0x28: {  	v9 =	vld [tilespmem:s18+$0xFFFFFFF0]  }
0x29: {  	v12 =	vld [tilespmem:s18+$0x0]  }
0x2a: {  	s19 =	simm.s32 $0x76A0;
	v13 =	vld [tilespmem:s18+$0x10]  }
0x2b: {  	v10 =	vld [tilespmem:s19+$0x20]  }
0x2c: {  	v17 =	vld [tilespmem:s19+$0xFFFFFFE0]  }
0x2d: {  	v18 =	vld [tilespmem:s19+$0x0]  }
0x2e: {  	v5 =	vld.idx.msk [tilespmem:v0+s2+$0x0], $0xffff  }
0x2f: {  	v11 =	vld.idx.msk [tilespmem:v2+s2+$0x0], $0xffff  }
0x30: {  	v14 =	vld.idx.msk [tilespmem:v3+s2+$0x0], $0xffff  }
0x31: {  	v15 =	vld.idx.msk [tilespmem:v1+s2+$0x0], $0xffff  }
0x32: {  	v16 =	vld.idx.msk [tilespmem:v7+s2+$0x0], $0xffff  }
0x33: {  	v4 =	vld.idx.msk [tilespmem:v8+s2+$0x0], $0xffff;
	v5 =	vmul.f32 v5, v10  }
0x34: {  	v0 =	vshll.u32 v0, $0x10;
	v10 =	vld [tilespmem:s19+$0xFFFFFFF0]  }
0x35: {  	v3 =	vshll.u32 v3, $0x10;
	v19 =	vor.u32 v2, v0;
	v11 =	vmul.f32 v11, v5;
	v5 =	vld [tilespmem:s19+$0x10]  }
0x36: {  	v0 =	vshll.u32 v1, $0x10;
	v3 =	vor.u32 v6, v3;
	v6 =	vld.idx.msk [tilespmem:v6+s2+$0x0], $0xffff;
	v2 =	vshll.u32 v7, $0x10  }
0x37: {  	s20 =	simm.s32 $0x9E20;
	v8 =	vshll.u32 v8, $0x10;
	v7 =	vld.idx.msk [tilespmem:v9+s2+$0x0], $0xffff;
	v1 =	vor.u32 v9, v0;
	v2 =	vor.u32 v12, v2  }
0x38: {  	s21 =	simm.s32 $0xC5A0;
	v0 =	vor.u32 v13, v8;
	v8 =	vld.idx.msk [tilespmem:v12+s2+$0x0], $0xffff;
	[tilespmem:s20+$0x20] =	vst v11;
	v11 =	vmul.f32 v14, v17  }
0x39: {  	s22 =	simm.s32 $0x0;
	s23 =	simm.s32 $0x27F0;
	v9 =	vld.idx.msk [tilespmem:v13+s2+$0x0], $0xffff;
	[tilespmem:s21+$0x20] =	vst v19;
	v12 =	vmul.f32 v15, v10;
	v10 =	vmul.f32 v16, v18  }
.LBB2_2:
0x3a: {  	v13 =	vld [tilespmem:s23+$0x20];
	v4 =	vmul.f32 v4, v5  }
0x3b: {  	s22 =	sadd.s32 $0x5, s22;
	s18 =	sadd.s32 $0x50, s18;
	v5 =	vld [tilespmem:s23+$0xFFFFFFF0]  }
0x3c: {  	p0 =	slt.u32 s22, $0x26C;
	v6 =	vmul.f32 v6, v11;
	v14 =	vld [tilespmem:s18+$0x20]  }
0x3d: {  	v7 =	vmul.f32 v7, v12;
	v11 =	vld [tilespmem:s23+$0x0]  }
0x3e: {  	v12 =	vld [tilespmem:s23+$0x10];
	[tilespmem:s20+$0xFFFFFFE0] =	vst v6;
	v6 =	vmul.f32 v8, v10  }
0x3f: {  	v8 =	vld [tilespmem:s23+$0xFFFFFFE0];
	[tilespmem:s21+$0xFFFFFFE0] =	vst v3;
	v3 =	vmul.f32 v9, v4  }
0x40: {  	v9 =	vld [tilespmem:s18+$0xFFFFFFE0];
	v4 =	vshll.u32 v5, $0x10;
	[tilespmem:s20+$0xFFFFFFF0] =	vst v7  }
0x41: {  	v7 =	vld [tilespmem:s18+$0xFFFFFFF0];
	[tilespmem:s21+$0xFFFFFFF0] =	vst v1  }
0x42: {  	s19 =	sadd.s32 $0x50, s19;
	v10 =	vshll.u32 v11, $0x10;
	v15 =	vld.idx.msk [tilespmem:v13+s2+$0x0], $0xffff;
	[tilespmem:s20+$0x0] =	vst v6  }
0x43: {  	v6 =	vshll.u32 v12, $0x10;
	v16 =	vld [tilespmem:s19+$0x20];
	[tilespmem:s21+$0x0] =	vst v2  }
0x44: {  	v1 =	vshll.u32 v8, $0x10;
	v17 =	vld.idx.msk [tilespmem:v14+s2+$0x0], $0xffff;
	[tilespmem:s20+$0x10] =	vst v3  }
0x45: {  	v3 =	vor.u32 v9, v1;
	v18 =	vld [tilespmem:s18+$0x0];
	[tilespmem:s21+$0x10] =	vst v0  }
0x46: {  	v1 =	vor.u32 v7, v4;
	v19 =	vld [tilespmem:s18+$0x10]  }
0x47: {  	v8 =	vld.idx.msk [tilespmem:v8+s2+$0x0], $0xffff  }
0x48: {  	v20 =	vld.idx.msk [tilespmem:v5+s2+$0x0], $0xffff;
	v0 =	vmul.f32 v15, v16  }
0x49: {  	v15 =	vld.idx.msk [tilespmem:v11+s2+$0x0], $0xffff  }
0x4a: {  	v2 =	vor.u32 v18, v10;
	v4 =	vld.idx.msk [tilespmem:v12+s2+$0x0], $0xffff;
	v5 =	vmul.f32 v17, v0  }
0x4b: {  	s20 =	sadd.s32 $0x50, s20;
	v10 =	vld [tilespmem:s19+$0xFFFFFFE0];
	v0 =	vor.u32 v19, v6;
	v6 =	vshll.u32 v13, $0x10  }
0x4c: {  	s21 =	sadd.s32 $0x50, s21;
	v12 =	vld [tilespmem:s19+$0xFFFFFFF0];
	[tilespmem:s20+$0x20] =	vst v5;
	v5 =	vor.u32 v14, v6  }
0x4d: {  	v13 =	vld [tilespmem:s19+$0x0];
	[tilespmem:s21+$0x20] =	vst v5  }
.Ltmp0:
0x4e: {  	v5 =	vld [tilespmem:s19+$0x10];
	(pc) =	sbr.rel @p0 .LBB2_2-.Ltmp0, $4  }
0x4f: {  	v6 =	vld.idx.msk [tilespmem:v9+s2+$0x0], $0xffff  }
0x50: {  	v11 =	vmul.f32 v8, v10;
	v7 =	vld.idx.msk [tilespmem:v7+s2+$0x0], $0xffff  }
0x51: {  	v12 =	vmul.f32 v20, v12;
	v8 =	vld.idx.msk [tilespmem:v18+s2+$0x0], $0xffff  }
0x52: {  	s23 =	sadd.s32 $0x50, s23;
	v10 =	vmul.f32 v15, v13;
	v9 =	vld.idx.msk [tilespmem:v19+s2+$0x0], $0xffff  }
0x53: {  	_ = 	snop  }
0x54: {  	v6 =	vmul.f32 v6, v11;
	_ =	sdelay $0x1  }
0x55: {  	v7 =	vmul.f32 v7, v12;
	[tilespmem:s20+$0xFFFFFFE0] =	vst v6  }
0x56: {  	[tilespmem:s21+$0xFFFFFFE0] =	vst v3  }
0x57: {  	v61 =	vmul.f32 v4, v5;
	v62 =	vmul.f32 v8, v10;
	[tilespmem:s20+$0xFFFFFFF0] =	vst v7  }
0x58: {  	[tilespmem:s21+$0xFFFFFFF0] =	vst v1  }
0x59: {  	v63 =	vmul.f32 v9, v61;
	[tilespmem:s20+$0x0] =	vst v62  }
0x5a: {  	[tilespmem:s21+$0x0] =	vst v2  }
0x5b: {  	[tilespmem:s20+$0x10] =	vst v63  }
0x5c: {  	[tilespmem:s21+$0x10] =	vst v0  }
0x5d: {  	[hbm4b:s7+s2] =	stream.linear.scatter [tilespmem:s15], [sflag:$0x2], $0x2710, $0x38;
	[tilespmem:$0xED00] =	vst v63  }
0x5e: {  	s17 =	sadd.s32 $0x1, s17;
	_ =	swait.ge [sflag:s13], $0x2710  }
0x5f: {  	p0 =	sne.s32 s17, s9;
	[sflag:s13] =	ssyncset.done $0x0  }
.Ltmp1:
0x60: {  	[sflag:s13] =	ssyncadd.s32 $0xFFFFD8F0;
	(pc) =	sbr.rel @p0 .LBB2_1-.Ltmp1, $4  }
0x61: {  	[hbm4b:s8+s2] =	stream.linear.scatter [tilespmem:s16], [sflag:$0x2], $0x2710, $0x38;
	[tilespmem:$0xED00] =	vst v63  }
0x62: {  	_ =	swait.ge [sflag:s13], $0x2710  }
0x63: {  	[sflag:s13] =	ssyncset.done $0x0  }
0x64: {  	[sflag:s13] =	ssyncadd.s32 $0xFFFFD8F0  }
0x65: {  	_ =	sfence.sel $0x180000  }
0x66: {  	[bflag:$0x0] =	sbarrier.arrive $0xFFFF  }
0x67: {  	p0 =	sne.s32 s0, $0x0;
	_ =	strace $0x9000004A  }
0x68: {  	s0 =	sadd.s32 @!p0 $0x100000, s1;
	[bflag:$0x2] =	sbarrier.arrive $0xFFFF  }
0x69: {  	[sflag:s0] =	ssyncadd.tile.s32 @!p0 $0x1;
	_ =	shalt  }
.Lfunc_end2:
_tile_overlayer_lowered:
.L_overlay_start_2:
0x6a: {  	(tag) =	ssettag $0x2  }
0x6b: {  	s0 =	rddreg [dreg:$0x0];
	s2 =	stileid.u32  }
0x6c: {  	s1 =	rddreg [dreg:$0x1];
	p0 =	sne.s32 s2, $0x0  }
0x6d: {  	s3 =	rddreg [dreg:$0x2];
	[bflag:$0x3] =	sbarrier.arrive $0xFFFF;
	s2 =	simm.s32 @!p0 $0x1C02  }
0x6e: {  	[timem:s3], [sflag:s2] =	dma.local @!p0 [hbm:s0], s1  }
0x6f: {  	s0 =	simm.s32 @!p0 $0x2  }
0x70: {  	_ =	swait.ge @!p0 [sflag:s0], s1  }
0x71: {  	s1 =	ssub.s32 @!p0 $0x0, s1;
	[sflag:s0] =	ssyncset.done @!p0 $0x0  }
0x72: {  	[sflag:s0] =	ssyncadd.s32 @!p0 s1  }
0x73: {  	[bflag:$0x3] =	sbarrier.arrive $0xFFFF  }
0x74: {  	_ =	shalt  }

// kernel: kernel.15.cloned.1.call-start
scs
__scs_entry_jumppad:
0x0: {  	(pc) =	sbr.rel $0x88, $3  }
0x1: {  	(tag) =	ssettag $0x0;
	lr =	simm.s32 $0x1  }
0x2: {  	[smem:$0x3F98] =	sst lr;
	_ =	strace $0xD0000000  }
0x3: {  	_ = 	snop  }
0x4: {  	_ = 	snop  }
0x5: {  	_ = 	snop  }
0x6: {  	_ = 	snop  }
0x7: {  	_ = 	snop  }
__scs_overlays_trampoline_lowered:
0x8: {  	[smem:$0x3FA7] =	sst s0  }
0x9: {  	[smem:$0x3FA8] =	sst s1  }
0xa: {  	[smem:$0x3FA9] =	sst s2  }
0xb: {  	[smem:$0x3FAA] =	sst s3  }
0xc: {  	[smem:$0x3FAB] =	sst s4  }
0xd: {  	[smem:$0x3FAC] =	sst s5  }
0xe: {  	[smem:$0x3FAD] =	sst s6  }
0xf: {  	[smem:$0x3FAE] =	sst s7  }
0x10: {  	[smem:$0x3FAF] =	sst s8  }
0x11: {  	[smem:$0x3FB0] =	sst s9;
	s0 =	simm.s32 @!p0 $0x0  }
0x12: {  	s1 =	sld [smem:$0x3F96];
	s0 =	simm.s32 @p0 $0x1  }
0x13: {  	[smem:$0x3FB1] =	sst s0;
	s0 =	simm.s32 @!p1 $0x0  }
0x14: {  	s2 =	sld [smem:$0x3F95];
	s0 =	simm.s32 @p1 $0x1  }
0x15: {  	[smem:$0x3FB2] =	sst s0;
	s0 =	simm.s32 @!p2 $0x0  }
0x16: {  	s3 =	sld [smem:$0x3FDB];
	s0 =	simm.s32 @p2 $0x1  }
0x17: {  	s4 =	simm.s32 $0x1BF5;
	[smem:$0x3FB4] =	sst s0  }
0x18: {  	s0 =	sld [smem:$0x3F97];
	_ =	swait.ge [sflag:s4], $0x0  }
0x19: {  	s7 =	sld [smem:$0x3F98]  }
0x1a: {  	s8 =	sadd.s32 $0xFFFFE003, lr  }
0x1b: {  	s9 =	sadd.s32 $0xFFFFFEF7, lr;
	s5 =	simm.s32 $0xFFFFFFFF;
	p2 =	slt.u32 s8, $0xFFFFF086  }
0x1c: {  	p1 =	slt.u32 s9, $0xF7A;
	s5 =	simm.s32 @!p2 $0x0  }
0x1d: {  	s5 =	simm.s32 @p1 $0x1;
	p0 =	seq.s32 s7, s2  }
0x1e: {  	s7 =	smul.u32 @!p0 $0xF7A, s2;
	p2 =	seq.s32 @!p0 s5, $0x0  }
0x1f: {  	s9 =	smul.u32 $0xF7A, s1;
	s8 =	simm.s32 @!p0 $0x1BF5;
	p2 =	por !p2, p0  }
0x20: {  	[sflag:s8] =	ssyncset.s32 @!p0 $0xFFFFF086;
	s6 =	sadd.s32 @!p0 s3, s7;
	s7 =	simm.s32 @!p0 $0x108  }
0x21: {  	s3 =	sadd.s32 s3, s9;
	s6 =	sadd.s32 @!p0 $0x88, s6;
	s7 =	simm.s32 @p2 $0x1082  }
0x22: {  	[simem:s7], [sflag:s8] =	dma.local @!p0 [hbm:s6], $0xF7A  }
0x23: {  	s9 =	sor.u32 $0xD0000000, s2;
	s6 =	simm.s32 $0x108;
	_ =	swait.ge @!p0 [sflag:s8], $0x0  }
0x24: {  	s3 =	sadd.s32 $0x88, s3;
	s6 =	simm.s32 @!p1 $0x1082;
	[sflag:s4] =	ssyncset.s32 $0xFFFFF086  }
0x25: {  	[simem:s6], [sflag:s4] =	dma.local [hbm:s3], $0xF7A  }
0x26: {  	[smem:$0x3F98] =	sst s1;
	(tag) =	ssettag s2;
	_ =	strace s9  }
0x27: {  	s1 =	sld [smem:$0x3FA8]  }
0x28: {  	s2 =	sld [smem:$0x3FA9]  }
0x29: {  	s4 =	sld [smem:$0x3FAB]  }
0x2a: {  	p0 =	seq.s32 s5, $0x0;
	s5 =	sld [smem:$0x3FAC]  }
0x2b: {  	s6 =	sld [smem:$0x3FAD]  }
0x2c: {  	s7 =	sld [smem:$0x3FAE]  }
0x2d: {  	s3 =	simm.s32 $0x108;
	s8 =	sld [smem:$0x3FAF]  }
0x2e: {  	s3 =	simm.s32 @!p0 $0x1082;
	s9 =	sld [smem:$0x3FB0]  }
0x2f: {  	lr =	sadd.s32 s0, s3;
	s0 =	sld [smem:$0x3FA7]  }
0x30: {  	s3 =	sld [smem:$0x3FAA]  }
0x31: {  	[smem:$0x3FB3] =	sst s10  }
0x32: {  	s10 =	sld [smem:$0x3FB1];
	_ =	sdelay $0x3  }
0x33: {  	p0 =	seq.s32 s10, $0x1;
	s10 =	sld [smem:$0x3FB3];
	_ =	sdelay $0x3  }
0x34: {  	[smem:$0x3FB3] =	sst s10  }
0x35: {  	s10 =	sld [smem:$0x3FB2];
	_ =	sdelay $0x3  }
0x36: {  	p1 =	seq.s32 s10, $0x1;
	s10 =	sld [smem:$0x3FB3];
	_ =	sdelay $0x3  }
0x37: {  	[smem:$0x3FB3] =	sst s10  }
0x38: {  	s10 =	sld [smem:$0x3FB4]  }
0x39: {  	_ = 	snop;
	(pc) =	sbr.ind lr, $3  }
0x3a: {  	_ = 	snop  }
0x3b: {  	_ = 	snop  }
0x3c: {  	p2 =	seq.s32 s10, $0x1;
	s10 =	sld [smem:$0x3FB3]  }
0x3d: {  	_ =	shalt  }
0x3e: {  	_ =	shalt  }
0x3f: {  	_ =	shalt  }
0x40: {  	_ =	shalt  }
0x41: {  	_ =	shalt  }
0x42: {  	_ =	shalt  }
0x43: {  	_ =	shalt  }
0x44: {  	_ =	shalt  }
0x45: {  	_ =	shalt  }
0x46: {  	_ =	shalt  }
0x47: {  	_ =	shalt  }
0x48: {  	_ =	shalt  }
0x49: {  	_ =	shalt  }
0x4a: {  	_ =	shalt  }
0x4b: {  	_ =	shalt  }
0x4c: {  	_ =	shalt  }
0x4d: {  	_ =	shalt  }
0x4e: {  	_ =	shalt  }
0x4f: {  	_ =	shalt  }
0x50: {  	_ =	shalt  }
0x51: {  	_ =	shalt  }
0x52: {  	_ =	shalt  }
0x53: {  	_ =	shalt  }
0x54: {  	_ =	shalt  }
0x55: {  	_ =	shalt  }
0x56: {  	_ =	shalt  }
0x57: {  	_ =	shalt  }
0x58: {  	_ =	shalt  }
0x59: {  	_ =	shalt  }
0x5a: {  	_ =	shalt  }
0x5b: {  	_ =	shalt  }
0x5c: {  	_ =	shalt  }
0x5d: {  	_ =	shalt  }
0x5e: {  	_ =	shalt  }
0x5f: {  	_ =	shalt  }
0x60: {  	_ =	shalt  }
0x61: {  	_ =	shalt  }
0x62: {  	_ =	shalt  }
0x63: {  	_ =	shalt  }
0x64: {  	_ =	shalt  }
0x65: {  	_ =	shalt  }
0x66: {  	_ =	shalt  }
0x67: {  	_ =	shalt  }
0x68: {  	_ =	shalt  }
0x69: {  	_ =	shalt  }
0x6a: {  	_ =	shalt  }
0x6b: {  	_ =	shalt  }
0x6c: {  	_ =	shalt  }
0x6d: {  	_ =	shalt  }
0x6e: {  	_ =	shalt  }
0x6f: {  	_ =	shalt  }
0x70: {  	_ =	shalt  }
0x71: {  	_ =	shalt  }
0x72: {  	_ =	shalt  }
0x73: {  	_ =	shalt  }
0x74: {  	_ =	shalt  }
0x75: {  	_ =	shalt  }
0x76: {  	_ =	shalt  }
0x77: {  	_ =	shalt  }
0x78: {  	_ =	shalt  }
0x79: {  	_ =	shalt  }
0x7a: {  	_ =	shalt  }
0x7b: {  	_ =	shalt  }
0x7c: {  	_ =	shalt  }
0x7d: {  	_ =	shalt  }
0x7e: {  	_ =	shalt  }
0x7f: {  	_ =	shalt  }
0x80: {  	_ =	shalt  }
0x81: {  	_ =	shalt  }
0x82: {  	_ =	shalt  }
0x83: {  	_ =	shalt  }
0x84: {  	_ =	shalt  }
0x85: {  	_ =	shalt  }
0x86: {  	_ =	shalt  }
0x87: {  	_ =	shalt  }
.Lfunc_end0:
.L_simem_size_0:
called_computation.2_lowered:
.L_overlay_start_0:
0x88: {  	s2 =	sld [smem:$0x3FD9]  }
0x89: {  	s3 =	sld [smem:$0x3FFE];
	_ =	sdelay $0x1  }
0x8a: {  	s1 =	srdreg.scid  }
0x8b: {  	s0 =	sand.u32 $0x1, s1  }
0x8c: {  	s14 =	sshll.u32 s0, $0xA;
	s2 =	sadd.s32 s3, s2  }
0x8d: {  	s2 =	sadd.s32 s2, s14  }
0x8e: {  	[smem:$0x3FBF] =	sst s2  }
0x8f: {  	_ = 	snop  }
0x90: {  	s2 =	sld [smem:$0x3FD0];
	_ =	sdelay $0x2  }
0x91: {  	s15 =	simm.s32 $0xA;
	s4 =	simm.s32 $0x10  }
0x92: {  	[smem:s4], [sflag:s15] =	dma.local [hbm:s2], $0x1  }
0x93: {  	_ =	swait.eq [sflag:s15], $0x1  }
0x94: {  	[sflag:s15] =	ssyncset.done $0x0  }
0x95: {  	s16 =	sld [smem:$0x11];
	[sflag:s15] =	ssyncadd.s32 $0xFFFFFFFF  }
0x96: {  	s17 =	sld [smem:$0x12];
	(tm) =	ssettm $0x1  }
0x97: {  	s18 =	sld [smem:$0x3FFB];
	_ =	sdelay $0x3  }
0x98: {  	_ =	strace s18  }
0x99: {  	s4 =	sld [smem:$0x3FFC];
	_ =	sdelay $0x3  }
0x9a: {  	_ =	strace s4  }
0x9b: {  	s4 =	sld [smem:$0x3FFD];
	_ =	sdelay $0x3  }
0x9c: {  	_ =	strace s4  }
0x9d: {  	_ =	strace $0x8FFFFFFF  }
0x9e: {  	s19 =	sld [smem:$0x3FDB];
	_ =	sdelay $0x1  }
0x9f: {  	s5 =	simm.s32 $_scs_section_size  }
0xa0: {  	s6 =	simm.s32 $_size__tile_overlayer_lowered;
	s7 =	simm.s32 $_tile_overlayer_lowered  }
0xa1: {  	s22 =	simm.s32 $0x1BFF;
	s21 =	sshll.u32 s7, $0x1;
	s4 =	sadd.s32 s5, s19  }
0xa2: {  	s8 =	simm.s32 $0x0;
	s20 =	sshll.u32 s6, $0x1;
	s6 =	sadd.s32 s21, s4  }
0xa3: {  	[timem:s8], [sflag:s22] =	dma.local [hbm:s6], s20  }
0xa4: {  	_ =	swait.ge [sflag:s22], s20  }
0xa5: {  	s5 =	ssub.s32 $0x0, s20;
	[sflag:s22] =	ssyncset.done $0x0  }
0xa6: {  	[sflag:s22] =	ssyncadd.s32 s5;
	_ =	sdelay $0x1  }
0xa7: {  	s23 =	simm.s32 $0x1B8B  }
0xa8: {  	_ =	swait.ge [sflag:s23], $0x1  }
0xa9: {  	[sflag:s23] =	ssyncset.done $0x0  }
0xaa: {  	s25 =	simm.s32 $0x1B8E;
	s24 =	sld [smem:$0x3FFE];
	[sflag:s23] =	ssyncadd.s32 $0xFFFFFFFF  }
0xab: {  	s26 =	simm.s32 $execute0_lowered;
	[smem:$0x3FD2] =	sst s25  }
0xac: {  	s6 =	sshll.u32 s26, $0x1;
	_ =	strace $0x8000004C;
	[dreg:$0x1] =	wrdreg $0xFFFFFFFF  }
0xad: {  	s28 =	simm.s32 $_size_execute0_lowered;
	s4 =	sadd.s32 s4, s6;
	[dreg:$0x0] =	wrdreg $0x0  }
0xae: {  	s6 =	sshll.u32 s28, $0x1;
	[dreg:$0x2] =	wrdreg s4  }
0xaf: {  	[dreg:$0x3] =	wrdreg s6  }
0xb0: {  	[dreg:$0x4] =	wrdreg $0xC0  }
0xb1: {  	_ =	task [dreg:s8], $0x5FFFF  }
0xb2: {  	[dreg:$0x1] =	wrdreg $0xFFFFFFFF  }
0xb3: {  	[dreg:$0x0] =	wrdreg $0x60  }
0xb4: {  	[dreg:$0x2] =	wrdreg s16  }
0xb5: {  	[dreg:$0x3] =	wrdreg s24  }
0xb6: {  	[dreg:$0x4] =	wrdreg s17  }
0xb7: {  	[dreg:$0x5] =	wrdreg $0x9  }
0xb8: {  	_ =	task.clear_ibuf [dreg:s8], $0x6FFFF;
	_ =	strace $0x9000004C  }
0xb9: {  	s29 =	simm.s32 $0x9;
	_ =	strace $0x8000004E  }
0xba: {  	_ =	swait.ge [sflag:s29], $0x1  }
0xbb: {  	[sflag:s29] =	ssyncadd.s32 $0xFFFFFFFF  }
0xbc: {  	_ =	strace $0x9000004E  }
0xbd: {  	_ =	sfence  }
0xbe: {  	s30 =	sld [smem:$0x0];
	_ =	sdelay $0x2  }
0xbf: {  	s31 =	sshll.u32 s1, $0xD;
	s1 =	sshrl.u32 s1, $0x2  }
0xc0: {  	s3 =	sand.u32 $0x4000, s31;
	s1 =	sadd.s32 s1, s30  }
0xc1: {  	s0 =	sor.u32 s3, s0;
	s1 =	sshll.u32 s1, $0x11  }
0xc2: {  	s0 =	sor.u32 s1, s0  }
0xc3: {  	s0 =	sadd.s32 $0x8F2B, s0  }
0xc4: {  	[sflag:s0] =	ssyncadd.remote.s32 $0x1  }
0xc5: {  	_ =	sfence.sel $0xFFFF  }
0xc6: {  	[dreg:$0x0] =	wrdreg $0xFFFFFFFF;
	(pc) =	sbr.abs _section_cstart, $3  }
0xc7: {  	[dreg:$0x1] =	wrdreg $0xFFFFFFFF  }
0xc8: {  	_ =	task.clear_ibuf [dreg:s8], $0x2FFFF;
	_ =	strace $0x9FFFFFFF  }
0xc9: {  	(tm) =	ssettm $0x7FFFFFFF  }
tec
execute0_lowered:
.L_overlay_start_1:
0x0: {  	(tag) =	ssettag $0x1  }
0x1: {  	s0 =	rddreg [dreg:$0x0]  }
0x2: {  	s1 =	rddreg [dreg:$0x1]  }
0x3: {  	s9 =	rddreg [dreg:$0x2];
	s4 =	srdreg.scid  }
0x4: {  	s2 =	stileid.u32;
	s3 =	simm.s32 $0x0;
	s10 =	simm.s32 $0x3  }
0x5: {  	s19 =	simm.s32 $0x1;
	s20 =	simm.s32 $0x9E00;
	s21 =	simm.s32 $0x2  }
0x6: {  	s11 =	simm.s32 $0x0;
	s5 =	sand.u32 $0x1, s4;
	s26 =	smul.u32 $0x13C00, s2  }
0x7: {  	[smem:$0x7FF] =	sst s3;
	s4 =	sadd.s32 $0xC800, s1;
	s28 =	sadd.s32 $0x16600, s1  }
0x8: {  	s29 =	sadd.s32 $0x190, s9;
	s6 =	sshll.u32 s5, $0x9;
	_ =	strace $0x8000004D  }
0x9: {  	s5 =	ssub.s32 $0x2, s5;
	[dreg:$0x4] =	wrdreg s28;
	s6 =	sor.u32 s6, s26  }
0xa: {  	[dreg:$0x6] =	wrdreg s29;
	s8 =	sshrl.u32 s5, $0x1;
	s6 =	sshrl.u32 s6, $0x3  }
.Ltmp0:
0xb: {  	s7 =	sadd.s32 s6, s1;
	s1 =	sadd.s32 $0xC990, s1;
	(pc) =	sbr.rel .LBB2_1-.Ltmp0, $4  }
0xc: {  	s5 =	ssub.s32 s5, s8;
	s0 =	sadd.s32 s0, s6;
	[dreg:$0x5] =	wrdreg s1  }
0xd: {  	s8 =	simm.s32 $0x400;
	s31 =	smax.u32 s5, $0x1;
	[dreg:$0x7] =	wrdreg s0  }
0xe: {  	s6 =	simm.s32 $0x17000;
	s30 =	sadd.s32 $0x16C00, s7;
	[dreg:$0x9] =	wrdreg s31  }
0xf: {  	s7 =	simm.s32 $0x18900;
	s1 =	simm.s32 $0x200;
	[dreg:$0x8] =	wrdreg s30  }
.LBB2_16:
0x10: {  	s0 =	rddreg [dreg:$0x8];
	s1 =	simm.s32 $0x200  }
0x11: {  	[hbm4b:s0+s1] =	stream.strided.scatter [tilespmem:s20], [sflag:$0x3], $0x9E00, s8, s1, $0x38;
	[tilespmem:$0x19580] =	vst v63  }
0x12: {  	_ =	swait.ge [sflag:s10], $0x9E00  }
0x13: {  	s11 =	sadd.s32 $0x1, s11;
	s31 =	rddreg [dreg:$0x9]  }
0x14: {  	p0 =	sne.s32 s11, s31  }
.Ltmp1:
0x15: {  	_ = 	snop;
	(pc) =	sbr.rel @!p0 .LBB2_17-.Ltmp1, $3  }
0x16: {  	_ =	sdelay $0x1  }
0x17: {  	[sflag:s10] =	ssyncset.done $0x0  }
0x18: {  	[sflag:s10] =	ssyncadd.s32 $0xFFFF6200  }
.LBB2_1:
0x19: {  	s0 =	simm.s32 $0x16380  }
0x1a: {  	[tilespmem:s0], [sflag:$0x1] =	stream.linear.gather [hbm4b:s4+s3], $0xC80, $0x38;
	[tilespmem:$0x19580] =	vst v63  }
0x1b: {  	[dreg:$0xa] =	wrdreg s11;
	s12 =	simm.s32 $0x17C80  }
0x1c: {  	[tilespmem:s12], [sflag:$0x1] =	stream.linear.gather [hbm4b:s9+s3], $0xC80, $0x38;
	[tilespmem:$0x19580] =	vst v63  }
0x1d: {  	s13 =	rddreg [dreg:$0x5]  }
0x1e: {  	[tilespmem:s6], [sflag:$0x2] =	stream.linear.gather [hbm4b:s13+s3], $0xC80, $0x38;
	[tilespmem:$0x19580] =	vst v63  }
0x1f: {  	s14 =	rddreg [dreg:$0x6]  }
0x20: {  	[tilespmem:s7], [sflag:$0x2] =	stream.linear.gather [hbm4b:s14+s3], $0xC80, $0x38;
	[tilespmem:$0x19580] =	vst v63  }
0x21: {  	s15 =	rddreg [dreg:$0x7]  }
0x22: {  	[tilespmem:s3], [sflag:$0x3] =	stream.strided.gather [hbm4b:s15+s1], $0x9E00, s8, s1, $0x38;
	[tilespmem:$0x19580] =	vst v63  }
0x23: {  	_ =	swait.ge [sflag:s10], $0x9E00  }
0x24: {  	[sflag:s10] =	ssyncset.done $0x0  }
0x25: {  	s17 =	simm.s32 $0x13C00;
	s16 =	rddreg [dreg:$0x4];
	[sflag:s10] =	ssyncadd.s32 $0xFFFF6200  }
0x26: {  	[tilespmem:s17], [sflag:$0x3] =	stream.linear.gather [hbm4b:s16+s3], $0x2780, $0x38;
	[tilespmem:$0x19580] =	vst v63  }
0x27: {  	_ =	swait.ge [sflag:s10], $0x2780  }
0x28: {  	s18 =	simm.s32 $0x0;
	[sflag:s10] =	ssyncset.done $0x0  }
0x29: {  	s5 =	simm.s32 $0x40;
	s22 =	simm.s32 $0x100;
	[sflag:s10] =	ssyncadd.s32 $0xFFFFD880  }
0x2a: {  	s23 =	sand.u32 $0x70, s5;
	s24 =	sand.u32 $0x1FE00, s22;
	v0 =	vld [tilespmem:s18+$0x13C00]  }
0x2b: {  	s25 =	simm.s32 $0x10;
	s26 =	simm.s32 $0x20;
	s1 =	sor.u32 s23, s24;
	v6 =	vld [tilespmem:s18+$0x13C40]  }
0x2c: {  	s28 =	simm.s32 $0x80;
	s29 =	simm.s32 $0x30;
	s30 =	sand.u32 $0x70, s3;
	v7 =	vld [tilespmem:s1+$0x0]  }
0x2d: {  	s0 =	simm.s32 $0x0;
	s5 =	sand.u32 $0x1FE00, s5;
	s12 =	simm.s32 $0xC0;
	v1 =	vld [tilespmem:s18+$0x13C10]  }
0x2e: {  	s9 =	sand.u32 $0x1FE00, s28;
	s31 =	sand.u32 $0x1FE00, s12;
	s8 =	sand.u32 $0x70, s25;
	v2 =	vld [tilespmem:s18+$0x13C20]  }
0x2f: {  	s7 =	sand.u32 $0x70, s26;
	s15 =	sand.u32 $0xFE00, s3;
	s5 =	sor.u32 s8, s5;
	v3 =	vld [tilespmem:s18+$0x13C30]  }
0x30: {  	s11 =	sor.u32 s30, s15;
	s15 =	sor.u32 s7, s9;
	s16 =	sand.u32 $0x70, s29;
	v4 =	vld [tilespmem:s5+$0x0]  }
0x31: {  	s6 =	simm.s32 $0x140;
	s7 =	simm.s32 $0x0;
	s12 =	sor.u32 s16, s31;
	v5 =	vld [tilespmem:s15+$0x0];
	v6 =	vmul.f32 v6, v7  }
.LBB2_2:
0x32: {  	s8 =	sshra.s32 s6, $0x2  }
0x33: {  	s9 =	sadd.s32 $0x40, s6;
	v7 =	vld [tilespmem:s12+$0x0];
	s7 =	sadd.s32 $0x50, s7;
	s18 =	sadd.s32 $0x100, s6  }
0x34: {  	s0 =	sadd.s32 $0x5, s0;
	s25 =	sadd.s32 $0xC0, s6;
	s16 =	sadd.s32 $0x40, s7;
	v8 =	vld [tilespmem:s11+$0x0];
	[tilespmem:s1+$0x9E00] =	vst v6  }
0x35: {  	p0 =	slt.u32 s0, $0x26C;
	v6 =	vld [tilespmem:s8+$0x13C00];
	s1 =	sand.u32 $0x70, s16;
	s16 =	sand.u32 $0x1FE00, s18  }
0x36: {  	s23 =	sadd.s32 $0x20, s7;
	s18 =	sadd.s32 $0x10, s7;
	s1 =	sor.u32 s1, s16;
	v9 =	vld [tilespmem:s8+$0x13C40];
	v4 =	vmul.f32 v1, v4  }
0x37: {  	s24 =	sadd.s32 $0x30, s7;
	s9 =	sand.u32 $0x1FE00, s9;
	s16 =	sadd.s32 $0x80, s6;
	v10 =	vld [tilespmem:s1+$0x0];
	v5 =	vmul.f32 v2, v5  }
.Ltmp2:
0x38: {  	s23 =	sand.u32 $0x70, s23;
	s18 =	sand.u32 $0x70, s18;
	v1 =	vld [tilespmem:s8+$0x13C10];
	[tilespmem:s5+$0x9E00] =	vst v4;
	v4 =	vmul.f32 v3, v7;
	(pc) =	sbr.rel @p0 .LBB2_2-.Ltmp2, $4  }
0x39: {  	s25 =	sand.u32 $0x1FE00, s25;
	s24 =	sand.u32 $0x70, s24;
	s16 =	sand.u32 $0x1FE00, s16;
	v2 =	vld [tilespmem:s8+$0x13C20];
	v7 =	vmul.f32 v0, v8;
	[tilespmem:s15+$0x9E00] =	vst v5  }
0x3a: {  	s28 =	sand.u32 $0xFE00, s6;
	s26 =	sand.u32 $0x70, s7;
	s5 =	sor.u32 s18, s9;
	v3 =	vld [tilespmem:s8+$0x13C30];
	[tilespmem:s12+$0x9E00] =	vst v4;
	v0 =	vmov v6  }
0x3b: {  	s15 =	sor.u32 s23, s16;
	s12 =	sor.u32 s24, s25;
	v4 =	vld [tilespmem:s5+$0x0];
	[tilespmem:s11+$0x9E00] =	vst v7;
	s11 =	sor.u32 s26, s28  }
0x3c: {  	s6 =	sadd.s32 $0x140, s6;
	s24 =	simm.s32 $0x0;
	v5 =	vld [tilespmem:s15+$0x0];
	v6 =	vmul.f32 v9, v10  }
0x3d: {  	v7 =	vld [tilespmem:s12+$0x0]  }
0x3e: {  	v8 =	vld [tilespmem:s11+$0x0];
	_ =	sdelay $0x1  }
0x3f: {  	v1 =	vmul.f32 v1, v4  }
0x40: {  	[tilespmem:s1+$0x9E00] =	vst v6;
	v2 =	vmul.f32 v2, v5  }
0x41: {  	[tilespmem:s5+$0x9E00] =	vst v1;
	v1 =	vmul.f32 v3, v7  }
0x42: {  	v0 =	vmul.f32 v0, v8;
	[tilespmem:s15+$0x9E00] =	vst v2  }
0x43: {  	s0 =	simm.s32 $0x40;
	[tilespmem:s12+$0x9E00] =	vst v1  }
0x44: {  	s23 =	simm.s32 $0x0;
	s18 =	simm.s32 $0x100;
	s2 =	sand.u32 $0x70, s0;
	[tilespmem:s11+$0x9E00] =	vst v0  }
0x45: {  	s22 =	sand.u32 $0x1FE00, s18;
	v0 =	vld [tilespmem:s23+$0x13C00];
	[dreg:$0xb] =	wrdreg s2  }
0x46: {  	s25 =	simm.s32 $0x10;
	[dreg:$0xc] =	wrdreg s22  }
0x47: {  	s26 =	simm.s32 $0x20;
	s6 =	simm.s32 $0x80;
	s15 =	sor.u32 s22, s2;
	v6 =	vld [tilespmem:s23+$0x13C40]  }
0x48: {  	s7 =	simm.s32 $0x30;
	s8 =	simm.s32 $0xC0;
	s9 =	simm.s32 $0x0;
	v7 =	vld [tilespmem:s15+$0x80]  }
0x49: {  	s18 =	simm.s32 $0x0;
	s29 =	sand.u32 $0x70, s25;
	s0 =	sand.u32 $0x1FE00, s0;
	v1 =	vld [tilespmem:s23+$0x13C10]  }
0x4a: {  	s28 =	sand.u32 $0x70, s26;
	s30 =	sand.u32 $0x1FE00, s6;
	s31 =	sand.u32 $0x70, s7;
	v2 =	vld [tilespmem:s23+$0x13C20]  }
0x4b: {  	s1 =	sand.u32 $0x70, s24;
	s6 =	sor.u32 s0, s29;
	s7 =	sor.u32 s30, s28;
	v3 =	vld [tilespmem:s23+$0x13C30]  }
0x4c: {  	s11 =	sand.u32 $0xFE00, s24;
	s12 =	sand.u32 $0x1FE00, s8;
	v4 =	vld [tilespmem:s6+$0x80];
	[dreg:$0xd] =	wrdreg s28  }
0x4d: {  	s8 =	simm.s32 $0x140;
	s16 =	sor.u32 s11, s1;
	s5 =	sor.u32 s12, s31;
	v5 =	vld [tilespmem:s7+$0x80];
	v6 =	vmul.f32 v6, v7  }
.LBB2_4:
0x4e: {  	s10 =	sshra.s32 s8, $0x2  }
0x4f: {  	s17 =	sadd.s32 $0x40, s8;
	v7 =	vld [tilespmem:s5+$0x80];
	s9 =	sadd.s32 $0x50, s9;
	s13 =	sadd.s32 $0x100, s8  }
0x50: {  	s18 =	sadd.s32 $0x5, s18;
	s25 =	sadd.s32 $0xC0, s8;
	s22 =	sadd.s32 $0x40, s9;
	v8 =	vld [tilespmem:s16+$0x80];
	[tilespmem:s15+$0x9E80] =	vst v6  }
0x51: {  	s13 =	sand.u32 $0x1FE00, s13;
	p0 =	slt.u32 s18, $0x26C;
	v6 =	vld [tilespmem:s10+$0x13C00];
	s15 =	sand.u32 $0x70, s22  }
0x52: {  	s14 =	sadd.s32 $0x20, s9;
	s22 =	sadd.s32 $0x10, s9;
	s15 =	sor.u32 s13, s15;
	v9 =	vld [tilespmem:s10+$0x13C40];
	v4 =	vmul.f32 v1, v4  }
0x53: {  	s2 =	sadd.s32 $0x30, s9;
	s17 =	sand.u32 $0x1FE00, s17;
	s13 =	sadd.s32 $0x80, s8;
	v10 =	vld [tilespmem:s15+$0x80];
	v5 =	vmul.f32 v2, v5  }
.Ltmp3:
0x54: {  	s14 =	sand.u32 $0x70, s14;
	s22 =	sand.u32 $0x70, s22;
	v1 =	vld [tilespmem:s10+$0x13C10];
	[tilespmem:s6+$0x9E80] =	vst v4;
	v4 =	vmul.f32 v3, v7;
	(pc) =	sbr.rel @p0 .LBB2_4-.Ltmp3, $4  }
0x55: {  	s25 =	sand.u32 $0x1FE00, s25;
	s2 =	sand.u32 $0x70, s2;
	s13 =	sand.u32 $0x1FE00, s13;
	v2 =	vld [tilespmem:s10+$0x13C20];
	v7 =	vmul.f32 v0, v8;
	[tilespmem:s7+$0x9E80] =	vst v5  }
0x56: {  	s28 =	sand.u32 $0xFE00, s8;
	s26 =	sand.u32 $0x70, s9;
	s6 =	sor.u32 s17, s22;
	v3 =	vld [tilespmem:s10+$0x13C30];
	[tilespmem:s5+$0x9E80] =	vst v4;
	v0 =	vmov v6  }
0x57: {  	s7 =	sor.u32 s13, s14;
	s5 =	sor.u32 s25, s2;
	v4 =	vld [tilespmem:s6+$0x80];
	[tilespmem:s16+$0x9E80] =	vst v7;
	s16 =	sor.u32 s28, s26  }
0x58: {  	s8 =	sadd.s32 $0x140, s8;
	v5 =	vld [tilespmem:s7+$0x80];
	v6 =	vmul.f32 v9, v10  }
0x59: {  	v7 =	vld [tilespmem:s5+$0x80]  }
0x5a: {  	v8 =	vld [tilespmem:s16+$0x80];
	_ =	sdelay $0x1  }
0x5b: {  	v1 =	vmul.f32 v1, v4  }
0x5c: {  	[tilespmem:s15+$0x9E80] =	vst v6;
	v2 =	vmul.f32 v2, v5  }
0x5d: {  	[tilespmem:s6+$0x9E80] =	vst v1;
	v1 =	vmul.f32 v3, v7  }
0x5e: {  	v0 =	vmul.f32 v0, v8;
	[tilespmem:s7+$0x9E80] =	vst v2  }
0x5f: {  	[tilespmem:s5+$0x9E80] =	vst v1  }
0x60: {  	[tilespmem:s16+$0x9E80] =	vst v0  }
0x61: {  	s2 =	rddreg [dreg:$0xb]  }
0x62: {  	v0 =	vld [tilespmem:s23+$0x13C00];
	s5 =	rddreg [dreg:$0xc]  }
0x63: {  	v6 =	vld [tilespmem:s23+$0x13C40];
	s15 =	sor.u32 s5, s2  }
0x64: {  	v7 =	vld [tilespmem:s15+$0x100]  }
0x65: {  	v2 =	vld [tilespmem:s23+$0x13C10]  }
0x66: {  	v1 =	vld [tilespmem:s23+$0x13C20]  }
0x67: {  	s6 =	sor.u32 s0, s29;
	v3 =	vld [tilespmem:s23+$0x13C30];
	s29 =	rddreg [dreg:$0xd]  }
0x68: {  	s0 =	sor.u32 s11, s1;
	v4 =	vld [tilespmem:s6+$0x100];
	s16 =	sor.u32 s30, s29  }
0x69: {  	s1 =	sor.u32 s12, s31;
	s7 =	simm.s32 $0x140;
	s5 =	simm.s32 $0x0;
	v5 =	vld [tilespmem:s16+$0x100];
	v6 =	vmul.f32 v6, v7  }
.LBB2_6:
0x6a: {  	s2 =	sshra.s32 s7, $0x2  }
0x6b: {  	s8 =	sadd.s32 $0x40, s7;
	v7 =	vld [tilespmem:s1+$0x100];
	s24 =	sadd.s32 $0x50, s24;
	s10 =	sadd.s32 $0x100, s7  }
0x6c: {  	s5 =	sadd.s32 $0x5, s5;
	s13 =	sadd.s32 $0xC0, s7;
	s9 =	sadd.s32 $0x40, s24;
	v8 =	vld [tilespmem:s0+$0x100];
	[tilespmem:s15+$0x9F00] =	vst v6  }
0x6d: {  	s10 =	sand.u32 $0x1FE00, s10;
	p0 =	slt.u32 s5, $0x26C;
	v6 =	vld [tilespmem:s2+$0x13C00];
	s9 =	sand.u32 $0x70, s9  }
0x6e: {  	s11 =	sadd.s32 $0x10, s24;
	s12 =	sadd.s32 $0x20, s24;
	s15 =	sor.u32 s10, s9;
	v9 =	vld [tilespmem:s2+$0x13C40];
	v4 =	vmul.f32 v2, v4  }
0x6f: {  	s8 =	sand.u32 $0x1FE00, s8;
	s9 =	sadd.s32 $0x80, s7;
	s10 =	sadd.s32 $0x30, s24;
	v10 =	vld [tilespmem:s15+$0x100];
	v5 =	vmul.f32 v1, v5  }
.Ltmp4:
0x70: {  	s11 =	sand.u32 $0x70, s11;
	s12 =	sand.u32 $0x70, s12;
	v2 =	vld [tilespmem:s2+$0x13C10];
	[tilespmem:s6+$0x9F00] =	vst v4;
	v4 =	vmul.f32 v3, v7;
	(pc) =	sbr.rel @p0 .LBB2_6-.Ltmp4, $4  }
0x71: {  	s13 =	sand.u32 $0x1FE00, s13;
	s9 =	sand.u32 $0x1FE00, s9;
	s10 =	sand.u32 $0x70, s10;
	v1 =	vld [tilespmem:s2+$0x13C20];
	v7 =	vmul.f32 v0, v8;
	[tilespmem:s16+$0x9F00] =	vst v5  }
0x72: {  	s17 =	sand.u32 $0xFE00, s7;
	s14 =	sand.u32 $0x70, s24;
	s6 =	sor.u32 s8, s11;
	v3 =	vld [tilespmem:s2+$0x13C30];
	[tilespmem:s1+$0x9F00] =	vst v4;
	v0 =	vmov v6  }
0x73: {  	s16 =	sor.u32 s9, s12;
	s1 =	sor.u32 s13, s10;
	v4 =	vld [tilespmem:s6+$0x100];
	[tilespmem:s0+$0x9F00] =	vst v7;
	s0 =	sor.u32 s17, s14  }
0x74: {  	s23 =	simm.s32 $0x0;
	s7 =	sadd.s32 $0x140, s7;
	v5 =	vld [tilespmem:s16+$0x100];
	v6 =	vmul.f32 v9, v10  }
0x75: {  	v7 =	vld [tilespmem:s1+$0x100]  }
0x76: {  	v8 =	vld [tilespmem:s0+$0x100];
	_ =	sdelay $0x1  }
0x77: {  	v2 =	vmul.f32 v2, v4  }
0x78: {  	[tilespmem:s15+$0x9F00] =	vst v6;
	v1 =	vmul.f32 v1, v5  }
0x79: {  	[tilespmem:s6+$0x9F00] =	vst v2;
	v2 =	vmul.f32 v3, v7  }
0x7a: {  	v0 =	vmul.f32 v0, v8;
	[tilespmem:s16+$0x9F00] =	vst v1  }
0x7b: {  	[tilespmem:s1+$0x9F00] =	vst v2  }
0x7c: {  	s2 =	simm.s32 $0x0;
	s5 =	simm.s32 $0x40;
	s26 =	simm.s32 $0x100;
	[tilespmem:s0+$0x9F00] =	vst v0  }
0x7d: {  	s28 =	sand.u32 $0x70, s5;
	s29 =	sand.u32 $0x1FE00, s26;
	v0 =	vld [tilespmem:s2+$0x13C00]  }
0x7e: {  	s7 =	simm.s32 $0x10;
	s30 =	simm.s32 $0x20;
	s1 =	sor.u32 s29, s28;
	v6 =	vld [tilespmem:s2+$0x13C40]  }
0x7f: {  	s8 =	simm.s32 $0x80;
	s9 =	simm.s32 $0x30;
	s10 =	simm.s32 $0xC0;
	v7 =	vld [tilespmem:s1+$0x180]  }
0x80: {  	s11 =	sand.u32 $0x70, s23;
	s13 =	sand.u32 $0xFE00, s23;
	s7 =	sand.u32 $0x70, s7;
	v1 =	vld [tilespmem:s2+$0x13C10]  }
0x81: {  	s5 =	sand.u32 $0x1FE00, s5;
	s12 =	sand.u32 $0x70, s30;
	s8 =	sand.u32 $0x1FE00, s8;
	v2 =	vld [tilespmem:s2+$0x13C20]  }
0x82: {  	s9 =	sand.u32 $0x70, s9;
	s31 =	sand.u32 $0x1FE00, s10;
	s6 =	sor.u32 s5, s7;
	v3 =	vld [tilespmem:s2+$0x13C30]  }
0x83: {  	s11 =	sor.u32 s13, s11;
	s7 =	sor.u32 s8, s12;
	s5 =	sor.u32 s31, s9;
	v4 =	vld [tilespmem:s6+$0x180]  }
0x84: {  	s8 =	simm.s32 $0x140;
	s9 =	simm.s32 $0x0;
	s0 =	simm.s32 $0x0;
	v5 =	vld [tilespmem:s7+$0x180];
	v6 =	vmul.f32 v6, v7  }
.LBB2_8:
0x85: {  	s2 =	sshra.s32 s8, $0x2  }
0x86: {  	s10 =	sadd.s32 $0x40, s8;
	v7 =	vld [tilespmem:s5+$0x180];
	s9 =	sadd.s32 $0x50, s9;
	s13 =	sadd.s32 $0x100, s8  }
0x87: {  	s0 =	sadd.s32 $0x5, s0;
	s16 =	sadd.s32 $0xC0, s8;
	s12 =	sadd.s32 $0x40, s9;
	v8 =	vld [tilespmem:s11+$0x180];
	[tilespmem:s1+$0x9F80] =	vst v6  }
0x88: {  	p0 =	slt.u32 s0, $0x26C;
	v6 =	vld [tilespmem:s2+$0x13C00];
	s1 =	sand.u32 $0x70, s12;
	s12 =	sand.u32 $0x1FE00, s13  }
0x89: {  	s14 =	sadd.s32 $0x20, s9;
	s13 =	sadd.s32 $0x10, s9;
	s1 =	sor.u32 s12, s1;
	v9 =	vld [tilespmem:s2+$0x13C40];
	v4 =	vmul.f32 v1, v4  }
0x8a: {  	s15 =	sadd.s32 $0x30, s9;
	s10 =	sand.u32 $0x1FE00, s10;
	s12 =	sadd.s32 $0x80, s8;
	v10 =	vld [tilespmem:s1+$0x180];
	v5 =	vmul.f32 v2, v5  }
.Ltmp5:
0x8b: {  	s14 =	sand.u32 $0x70, s14;
	s13 =	sand.u32 $0x70, s13;
	v1 =	vld [tilespmem:s2+$0x13C10];
	[tilespmem:s6+$0x9F80] =	vst v4;
	v4 =	vmul.f32 v3, v7;
	(pc) =	sbr.rel @p0 .LBB2_8-.Ltmp5, $4  }
0x8c: {  	s16 =	sand.u32 $0x1FE00, s16;
	s15 =	sand.u32 $0x70, s15;
	s12 =	sand.u32 $0x1FE00, s12;
	v2 =	vld [tilespmem:s2+$0x13C20];
	v7 =	vmul.f32 v0, v8;
	[tilespmem:s7+$0x9F80] =	vst v5  }
0x8d: {  	s18 =	sand.u32 $0xFE00, s8;
	s17 =	sand.u32 $0x70, s9;
	s6 =	sor.u32 s10, s13;
	v3 =	vld [tilespmem:s2+$0x13C30];
	[tilespmem:s5+$0x9F80] =	vst v4;
	v0 =	vmov v6  }
0x8e: {  	s7 =	sor.u32 s12, s14;
	s5 =	sor.u32 s16, s15;
	v4 =	vld [tilespmem:s6+$0x180];
	[tilespmem:s11+$0x9F80] =	vst v7;
	s11 =	sor.u32 s18, s17  }
0x8f: {  	s8 =	sadd.s32 $0x140, s8;
	v5 =	vld [tilespmem:s7+$0x180];
	v6 =	vmul.f32 v9, v10  }
0x90: {  	v7 =	vld [tilespmem:s5+$0x180]  }
0x91: {  	v8 =	vld [tilespmem:s11+$0x180];
	_ =	sdelay $0x1  }
0x92: {  	v1 =	vmul.f32 v1, v4  }
0x93: {  	[tilespmem:s1+$0x9F80] =	vst v6;
	v2 =	vmul.f32 v2, v5  }
0x94: {  	[tilespmem:s6+$0x9F80] =	vst v1;
	v63 =	vmul.f32 v3, v7  }
0x95: {  	v0 =	vmul.f32 v0, v8;
	[tilespmem:s7+$0x9F80] =	vst v2  }
0x96: {  	[tilespmem:s5+$0x9F80] =	vst v63  }
0x97: {  	s9 =	rddreg [dreg:$0x2];
	s8 =	simm.s32 $0x400;
	s10 =	simm.s32 $0x3;
	[tilespmem:s11+$0x9F80] =	vst v0  }
0x98: {  	s6 =	simm.s32 $0x17000;
	s7 =	simm.s32 $0x18900;
	s11 =	rddreg [dreg:$0xa]  }
.LBB2_10:
0x99: {  	_ =	swait.ge [sflag:s19], $0xC80  }
0x9a: {  	[sflag:s19] =	ssyncset.done $0x0  }
0x9b: {  	[sflag:s19] =	ssyncadd.s32 $0xFFFFF380  }
0x9c: {  	_ =	swait.ge [sflag:s19], $0xC80  }
0x9d: {  	[sflag:s19] =	ssyncset.done $0x0  }
0x9e: {  	s0 =	simm.s32 $0x163C0;
	[sflag:s19] =	ssyncadd.s32 $0xFFFFF380  }
0x9f: {  	v0 =	vld [tilespmem:s0+$0x30]  }
0xa0: {  	v4 =	vld [tilespmem:s0+$0xFFFFFFD0]  }
0xa1: {  	v15 =	vld [tilespmem:s0+$0xFFFFFFF0]  }
0xa2: {  	v16 =	vld [tilespmem:s0+$0x0]  }
0xa3: {  	v17 =	vld [tilespmem:s0+$0x10]  }
0xa4: {  	v19 =	vld [tilespmem:s0+$0x20]  }
0xa5: {  	v21 =	vld [tilespmem:s0+$0xFFFFFFC0]  }
0xa6: {  	v14 =	vld [tilespmem:s0+$0xFFFFFFE0];
	_ =	sdelay $0x1  }
0xa7: {  	v1 =	vshra.s32 v0, $0x10;
	v20 =	vshll.u32 v4, $0x2;
	v8 =	vshra.s32 v15, $0x10  }
0xa8: {  	v9 =	vshra.s32 v16, $0x10;
	v11 =	vshra.s32 v17, $0x10;
	v24 =	vshra.s32 v19, $0x10  }
0xa9: {  	v7 =	vshll.u32 v0, $0x2;
	v13 =	vshra.s32 v21, $0x10;
	v0 =	vand.u32 $0x7F, v0  }
0xaa: {  	v53 =	vshll.u32 v14, $0x2;
	v56 =	vshll.u32 v16, $0x2;
	v16 =	vand.u32 $0x7F, v16  }
0xab: {  	v2 =	vshll.u32 v1, $0x2;
	v1 =	vand.u32 $0x7F, v1;
	v6 =	vshll.u32 v8, $0x2  }
0xac: {  	v10 =	vshll.u32 v9, $0x2;
	v7 =	vand.u32 $0x3FE00, v7;
	v27 =	vshll.u32 v13, $0x2  }
0xad: {  	v13 =	vand.u32 $0x7F, v13;
	v29 =	vshll.u32 v24, $0x2;
	v47 =	vand.u32 $0x7F, v8  }
0xae: {  	v48 =	vand.u32 $0x7F, v9;
	v20 =	vand.u32 $0x3FE00, v20;
	v2 =	vand.u32 $0xFFFFFE00, v2  }
0xaf: {  	s24 =	simm.s32 $0x17CC0;
	v26 =	vand.u32 $0xFFFFFE00, v6;
	v28 =	vor.u32 v0, v7;
	v7 =	vand.u32 $0xFFFFFE00, v27  }
0xb0: {  	v25 =	vld [tilespmem:s24+$0x30];
	v10 =	vand.u32 $0xFFFFFE00, v10;
	v49 =	vand.u32 $0xFFFFFE00, v29;
	v29 =	vand.u32 $0x3FE00, v53  }
0xb1: {  	v6 =	vld [tilespmem:s24+$0xFFFFFFD0];
	v18 =	vor.u32 v1, v2;
	v1 =	vshra.s32 v4, $0x10;
	v2 =	vshra.s32 v14, $0x10  }
0xb2: {  	v0 =	vld [tilespmem:s24+$0xFFFFFFE0];
	v13 =	vor.u32 v13, v7;
	v9 =	vor.u32 v47, v26;
	v10 =	vor.u32 v48, v10  }
0xb3: {  	v4 =	vand.u32 $0x7F, v4;
	v3 =	vshll.u32 v1, $0x2;
	v30 =	vand.u32 $0x7F, v1;
	v1 =	vld [tilespmem:s24+$0xFFFFFFF0]  }
0xb4: {  	v14 =	vand.u32 $0x7F, v14;
	v5 =	vshll.u32 v2, $0x2;
	v31 =	vand.u32 $0x7F, v2;
	v2 =	vld [tilespmem:s24+$0x0]  }
0xb5: {  	v20 =	vor.u32 v4, v20;
	v4 =	vand.u32 $0x3FE00, v56;
	v12 =	vand.u32 $0xFFFFFE00, v5;
	v5 =	vld [tilespmem:s24+$0xFFFFFFC0]  }
0xb6: {  	v14 =	vor.u32 v14, v29;
	v3 =	vand.u32 $0xFFFFFE00, v3;
	v29 =	vor.u32 v16, v4;
	v4 =	vld [tilespmem:s24+$0x20]  }
0xb7: {  	v23 =	vshll.u32 v11, $0x2;
	v7 =	vor.u32 v30, v3;
	v3 =	vld [tilespmem:s24+$0x10]  }
0xb8: {  	v11 =	vand.u32 $0x7F, v11;
	v8 =	vor.u32 v31, v12;
	v12 =	vand.u32 $0xFFFFFE00, v23;
	v22 =	vld.idx.msk [tilespmem:v18+s3+$0x0], $0xffff  }
0xb9: {  	v11 =	vor.u32 v11, v12;
	v52 =	vld.idx.msk [tilespmem:v13+s3+$0x0], $0xffff  }
0xba: {  	v51 =	vshll.u32 v21, $0x2;
	v36 =	vshll.u32 v19, $0x2;
	v34 =	vld.idx.msk [tilespmem:v9+s3+$0x0], $0xffff  }
0xbb: {  	v21 =	vand.u32 $0x7F, v21;
	v24 =	vand.u32 $0x7F, v24;
	v46 =	vor.u32 $0x80, v18;
	v37 =	vld.idx.msk [tilespmem:v10+s3+$0x0], $0xffff  }
0xbc: {  	v19 =	vand.u32 $0x7F, v19;
	v26 =	vand.u32 $0x3FE00, v51;
	v12 =	vor.u32 v24, v49;
	v55 =	vld.idx.msk [tilespmem:v7+s3+$0x0], $0xffff  }
0xbd: {  	v21 =	vor.u32 v21, v26;
	v16 =	vand.u32 $0x3FE00, v36;
	v32 =	vld.idx.msk [tilespmem:v8+s3+$0x0], $0xffff;
	v22 =	vmul.f32 v22, v25  }
0xbe: {  	v19 =	vor.u32 v19, v16;
	v16 =	vor.u32 $0x80, v13;
	v38 =	vld.idx.msk [tilespmem:v11+s3+$0x0], $0xffff  }
0xbf: {  	[tilespmem:v28+s20+$0x0] =	vst.idx.add.f32.msk $0xffff, v22  }
0xc0: {  	v59 =	vmul.f32 v52, v5;
	v50 =	vld.idx.msk [tilespmem:v46+s3+$0x0], $0xffff  }
0xc1: {  	v54 =	vshll.u32 v15, $0x2;
	v57 =	vshll.u32 v17, $0x2;
	v58 =	vld.idx.msk [tilespmem:v12+s3+$0x0], $0xffff  }
0xc2: {  	v17 =	vand.u32 $0x7F, v17;
	v33 =	vor.u32 $0x80, v28;
	[tilespmem:v21+s20+$0x0] =	vst.idx.add.f32.msk $0xffff, v59;
	v24 =	vmul.f32 v55, v6  }
0xc3: {  	v60 =	vand.u32 $0x3FE00, v57;
	v35 =	vor.u32 $0x100, v18;
	v61 =	vmul.f32 v32, v0;
	v16 =	vld.idx.msk [tilespmem:v16+s3+$0x0], $0xffff  }
0xc4: {  	v15 =	vand.u32 $0x7F, v15;
	v17 =	vor.u32 v17, v60;
	v32 =	vmul.f32 v37, v2;
	[tilespmem:v20+s20+$0x0] =	vst.idx.add.f32.msk $0xffff, v24  }
0xc5: {  	v39 =	vor.u32 $0x80, v11;
	v22 =	vand.u32 $0x3FE00, v54;
	[tilespmem:v14+s20+$0x0] =	vst.idx.add.f32.msk $0xffff, v61;
	v23 =	vmul.f32 v50, v25  }
0xc6: {  	v22 =	vor.u32 v15, v22;
	[tilespmem:v29+s20+$0x0] =	vst.idx.add.f32.msk $0xffff, v32  }
0xc7: {  	v63 =	vmul.f32 v34, v1;
	v37 =	vor.u32 $0x80, v10;
	v34 =	vmul.f32 v38, v3;
	[tilespmem:v33+s20+$0x0] =	vst.idx.add.f32.msk $0xffff, v23  }
0xc8: {  	v41 =	vor.u32 $0x80, v21;
	v15 =	vld.idx.msk [tilespmem:v35+s3+$0x0], $0xffff  }
0xc9: {  	[tilespmem:v17+s20+$0x0] =	vst.idx.add.f32.msk $0xffff, v34;
	v33 =	vor.u32 $0x80, v7  }
0xca: {  	v62 =	vor.u32 $0x100, v28;
	v44 =	vld.idx.msk [tilespmem:v39+s3+$0x0], $0xffff  }
0xcb: {  	v18 =	vor.u32 $0x180, v18;
	[tilespmem:v22+s20+$0x0] =	vst.idx.add.f32.msk $0xffff, v63;
	v16 =	vmul.f32 v16, v5  }
0xcc: {  	v27 =	vld.idx.msk [tilespmem:v37+s3+$0x0], $0xffff  }
0xcd: {  	v40 =	vor.u32 $0x80, v12;
	[tilespmem:v41+s20+$0x0] =	vst.idx.add.f32.msk $0xffff, v16;
	v15 =	vmul.f32 v15, v25  }
0xce: {  	v46 =	vor.u32 $0x100, v13;
	v24 =	vld.idx.msk [tilespmem:v33+s3+$0x0], $0xffff  }
0xcf: {  	v35 =	vmul.f32 v58, v4;
	[tilespmem:v62+s20+$0x0] =	vst.idx.add.f32.msk $0xffff, v15;
	v15 =	vor.u32 $0x80, v8  }
0xd0: {  	v36 =	vor.u32 $0x80, v9;
	v18 =	vld.idx.msk [tilespmem:v18+s3+$0x0], $0xffff  }
0xd1: {  	v42 =	vor.u32 $0x80, v20;
	[tilespmem:v19+s20+$0x0] =	vst.idx.add.f32.msk $0xffff, v35  }
0xd2: {  	v38 =	vor.u32 $0x180, v28;
	v30 =	vld.idx.msk [tilespmem:v40+s3+$0x0], $0xffff  }
0xd3: {  	v49 =	vor.u32 $0x100, v7;
	v51 =	vld.idx.msk [tilespmem:v46+s3+$0x0], $0xffff  }
0xd4: {  	v48 =	vor.u32 $0x80, v19;
	v24 =	vmul.f32 v24, v6;
	v15 =	vld.idx.msk [tilespmem:v15+s3+$0x0], $0xffff  }
0xd5: {  	v55 =	vor.u32 $0x100, v21;
	v26 =	vld.idx.msk [tilespmem:v36+s3+$0x0], $0xffff;
	v18 =	vmul.f32 v18, v25  }
0xd6: {  	v43 =	vor.u32 $0x80, v14;
	[tilespmem:v42+s20+$0x0] =	vst.idx.add.f32.msk $0xffff, v24  }
0xd7: {  	v52 =	vmul.f32 v30, v4;
	[tilespmem:v38+s20+$0x0] =	vst.idx.add.f32.msk $0xffff, v18;
	v18 =	vor.u32 $0x80, v22  }
0xd8: {  	v13 =	vor.u32 $0x180, v13;
	v24 =	vmul.f32 v51, v5;
	v54 =	vld.idx.msk [tilespmem:v49+s3+$0x0], $0xffff  }
0xd9: {  	v45 =	vor.u32 $0x80, v29;
	[tilespmem:v48+s20+$0x0] =	vst.idx.add.f32.msk $0xffff, v52;
	v15 =	vmul.f32 v15, v0  }
0xda: {  	v56 =	vor.u32 $0x100, v20;
	v47 =	vmul.f32 v26, v1;
	[tilespmem:v55+s20+$0x0] =	vst.idx.add.f32.msk $0xffff, v24  }
0xdb: {  	v16 =	vor.u32 $0x80, v17;
	[tilespmem:v43+s20+$0x0] =	vst.idx.add.f32.msk $0xffff, v15  }
0xdc: {  	v15 =	vmul.f32 v27, v2;
	[tilespmem:v18+s20+$0x0] =	vst.idx.add.f32.msk $0xffff, v47;
	v18 =	vor.u32 $0x100, v8  }
0xdd: {  	v50 =	vor.u32 $0x100, v9;
	v26 =	vld.idx.msk [tilespmem:v13+s3+$0x0], $0xffff;
	v60 =	vmul.f32 v54, v6  }
0xde: {  	v53 =	vor.u32 $0x100, v10;
	[tilespmem:v45+s20+$0x0] =	vst.idx.add.f32.msk $0xffff, v15;
	v15 =	vmul.f32 v44, v3  }
0xdf: {  	v7 =	vor.u32 $0x180, v7;
	[tilespmem:v56+s20+$0x0] =	vst.idx.add.f32.msk $0xffff, v60  }
0xe0: {  	[tilespmem:v16+s20+$0x0] =	vst.idx.add.f32.msk $0xffff, v15;
	v16 =	vor.u32 $0x100, v12  }
0xe1: {  	v15 =	vor.u32 $0x100, v11;
	v18 =	vld.idx.msk [tilespmem:v18+s3+$0x0], $0xffff  }
0xe2: {  	v21 =	vor.u32 $0x180, v21;
	v23 =	vld.idx.msk [tilespmem:v50+s3+$0x0], $0xffff  }
0xe3: {  	v57 =	vor.u32 $0x100, v14;
	v28 =	vld.idx.msk [tilespmem:v53+s3+$0x0], $0xffff  }
0xe4: {  	v58 =	vor.u32 $0x100, v22;
	v62 =	vld.idx.msk [tilespmem:v7+s3+$0x0], $0xffff  }
0xe5: {  	v59 =	vor.u32 $0x100, v29;
	v63 =	vmul.f32 v26, v5;
	v16 =	vld.idx.msk [tilespmem:v16+s3+$0x0], $0xffff  }
0xe6: {  	v8 =	vor.u32 $0x180, v8;
	v15 =	vld.idx.msk [tilespmem:v15+s3+$0x0], $0xffff;
	v13 =	vmul.f32 v18, v0  }
0xe7: {  	[tilespmem:v21+s20+$0x0] =	vst.idx.add.f32.msk $0xffff, v63;
	v23 =	vmul.f32 v23, v1;
	v18 =	vor.u32 $0x100, v19  }
0xe8: {  	v61 =	vor.u32 $0x100, v17;
	[tilespmem:v57+s20+$0x0] =	vst.idx.add.f32.msk $0xffff, v13;
	v13 =	vmul.f32 v28, v2  }
0xe9: {  	v9 =	vor.u32 $0x180, v9;
	[tilespmem:v58+s20+$0x0] =	vst.idx.add.f32.msk $0xffff, v23  }
0xea: {  	v10 =	vor.u32 $0x180, v10;
	[tilespmem:v59+s20+$0x0] =	vst.idx.add.f32.msk $0xffff, v13;
	v13 =	vmul.f32 v16, v4  }
0xeb: {  	v11 =	vor.u32 $0x180, v11;
	v15 =	vmul.f32 v15, v3;
	v16 =	vld.idx.msk [tilespmem:v8+s3+$0x0], $0xffff  }
0xec: {  	[tilespmem:v18+s20+$0x0] =	vst.idx.add.f32.msk $0xffff, v13;
	v18 =	vor.u32 $0x180, v12  }
0xed: {  	[tilespmem:v61+s20+$0x0] =	vst.idx.add.f32.msk $0xffff, v15  }
0xee: {  	v15 =	vld.idx.msk [tilespmem:v9+s3+$0x0], $0xffff  }
0xef: {  	v5 =	vor.u32 $0x180, v19;
	v12 =	vld.idx.msk [tilespmem:v10+s3+$0x0], $0xffff  }
0xf0: {  	v6 =	vmul.f32 v62, v6;
	v8 =	vor.u32 $0x180, v17;
	v9 =	vor.u32 $0x180, v29;
	v7 =	vld.idx.msk [tilespmem:v11+s3+$0x0], $0xffff  }
0xf1: {  	s25 =	simm.s32 $0x0;
	s26 =	simm.s32 $0x16440;
	v13 =	vor.u32 $0x180, v20;
	v11 =	vor.u32 $0x180, v14;
	v10 =	vor.u32 $0x180, v22;
	v14 =	vld.idx.msk [tilespmem:v18+s3+$0x0], $0xffff  }
.LBB2_11:
0xf2: {  	v17 =	vld [tilespmem:s26+$0x30];
	s25 =	sadd.s32 $0x8, s25;
	v0 =	vmul.f32 v16, v0  }
0xf3: {  	v1 =	vmul.f32 v15, v1;
	v16 =	vld [tilespmem:s26+$0xFFFFFFD0];
	p0 =	slt.u32 s25, $0xC0  }
0xf4: {  	v2 =	vmul.f32 v12, v2;
	v15 =	vld [tilespmem:s26+$0xFFFFFFE0]  }
0xf5: {  	v3 =	vmul.f32 v7, v3;
	v18 =	vld [tilespmem:s26+$0xFFFFFFF0]  }
0xf6: {  	v12 =	vmul.f32 v14, v4;
	v19 =	vld [tilespmem:s26+$0x0]  }
0xf7: {  	v4 =	vld [tilespmem:s26+$0x10];
	v7 =	vshra.s32 v17, $0x10  }
0xf8: {  	v20 =	vshra.s32 v16, $0x10;
	v21 =	vshll.u32 v16, $0x2;
	v22 =	vld [tilespmem:s26+$0x20];
	v14 =	vshll.u32 v7, $0x2  }
0xf9: {  	v7 =	vand.u32 $0x7F, v7;
	v23 =	vld [tilespmem:s26+$0xFFFFFFC0];
	v24 =	vshra.s32 v15, $0x10;
	v14 =	vand.u32 $0xFFFFFE00, v14  }
0xfa: {  	v25 =	vshll.u32 v20, $0x2;
	v26 =	vshra.s32 v18, $0x10;
	v14 =	vor.u32 v7, v14;
	[tilespmem:v13+s20+$0x0] =	vst.idx.add.f32.msk $0xffff, v6  }
0xfb: {  	v6 =	vshll.u32 v24, $0x2;
	v7 =	vshll.u32 v26, $0x2;
	v13 =	vshra.s32 v19, $0x10;
	[tilespmem:v11+s20+$0x0] =	vst.idx.add.f32.msk $0xffff, v0  }
0xfc: {  	v11 =	vand.u32 $0xFFFFFE00, v25;
	v0 =	vshll.u32 v13, $0x2;
	v25 =	vshra.s32 v4, $0x10;
	[tilespmem:v10+s20+$0x0] =	vst.idx.add.f32.msk $0xffff, v1  }
0xfd: {  	v27 =	vand.u32 $0xFFFFFE00, v6;
	v1 =	vshll.u32 v25, $0x2;
	v28 =	vshra.s32 v22, $0x10;
	[tilespmem:v9+s20+$0x0] =	vst.idx.add.f32.msk $0xffff, v2  }
0xfe: {  	v29 =	vand.u32 $0xFFFFFE00, v7;
	v2 =	vshra.s32 v23, $0x10;
	v6 =	vshll.u32 v28, $0x2;
	[tilespmem:v8+s20+$0x0] =	vst.idx.add.f32.msk $0xffff, v3  }
0xff: {  	s24 =	sadd.s32 $0x80, s24;
	v30 =	vand.u32 $0xFFFFFE00, v0;
	v31 =	vand.u32 $0xFFFFFE00, v1;
	v3 =	vshll.u32 v2, $0x2;
	v32 =	vld.idx.msk [tilespmem:v14+s3+$0x0], $0xffff  }
0x100: {  	v0 =	vshll.u32 v17, $0x2;
	v33 =	vand.u32 $0xFFFFFE00, v6;
	v1 =	vand.u32 $0xFFFFFE00, v3;
	v8 =	vld [tilespmem:s24+$0x30]  }
0x101: {  	v0 =	vand.u32 $0x3FE00, v0;
	v2 =	vand.u32 $0x7F, v2;
	v3 =	vand.u32 $0x7F, v17;
	v7 =	vld [tilespmem:s24+$0xFFFFFFC0]  }
0x102: {  	v17 =	vand.u32 $0x7F, v20;
	v20 =	vand.u32 $0x7F, v24;
	v9 =	vor.u32 v3, v0;
	v6 =	vld [tilespmem:s24+$0xFFFFFFD0]  }
0x103: {  	v13 =	vand.u32 $0x7F, v13;
	v24 =	vor.u32 $0x80, v14;
	v3 =	vand.u32 $0x7F, v26;
	v0 =	vld [tilespmem:s24+$0xFFFFFFE0]  }
0x104: {  	v25 =	vand.u32 $0x7F, v25;
	v10 =	vor.u32 v2, v1;
	v26 =	vand.u32 $0x7F, v28;
	v1 =	vld [tilespmem:s24+$0xFFFFFFF0]  }
0x105: {  	v17 =	vor.u32 v17, v11;
	v11 =	vor.u32 v20, v27;
	v2 =	vld [tilespmem:s24+$0x0];
	v20 =	vmul.f32 v32, v8  }
0x106: {  	v13 =	vor.u32 v13, v30;
	v25 =	vor.u32 v25, v31;
	v27 =	vor.u32 v3, v29;
	v3 =	vld [tilespmem:s24+$0x10]  }
0x107: {  	v28 =	vshll.u32 v23, $0x2;
	v29 =	vshll.u32 v15, $0x2;
	v26 =	vor.u32 v26, v33;
	[tilespmem:v9+s20+$0x0] =	vst.idx.add.f32.msk $0xffff, v20  }
0x108: {  	v30 =	vshll.u32 v19, $0x2;
	v31 =	vshll.u32 v4, $0x2;
	v20 =	vshll.u32 v18, $0x2;
	v24 =	vld.idx.msk [tilespmem:v24+s3+$0x0], $0xffff  }
0x109: {  	v21 =	vand.u32 $0x3FE00, v21;
	v28 =	vand.u32 $0x3FE00, v28;
	v33 =	vshll.u32 v22, $0x2;
	v32 =	vld.idx.msk [tilespmem:v10+s3+$0x0], $0xffff  }
0x10a: {  	v30 =	vand.u32 $0x3FE00, v30;
	v29 =	vand.u32 $0x3FE00, v29;
	v20 =	vand.u32 $0x3FE00, v20;
	v34 =	vld.idx.msk [tilespmem:v17+s3+$0x0], $0xffff  }
0x10b: {  	v31 =	vand.u32 $0x3FE00, v31;
	v36 =	vor.u32 $0x80, v9;
	v33 =	vand.u32 $0x3FE00, v33;
	v35 =	vld.idx.msk [tilespmem:v11+s3+$0x0], $0xffff  }
0x10c: {  	v16 =	vand.u32 $0x7F, v16;
	v38 =	vor.u32 $0x100, v14;
	v23 =	vand.u32 $0x7F, v23;
	v37 =	vld.idx.msk [tilespmem:v27+s3+$0x0], $0xffff  }
0x10d: {  	v19 =	vand.u32 $0x7F, v19;
	v15 =	vand.u32 $0x7F, v15;
	v18 =	vand.u32 $0x7F, v18;
	v39 =	vld.idx.msk [tilespmem:v13+s3+$0x0], $0xffff  }
0x10e: {  	v4 =	vand.u32 $0x7F, v4;
	v22 =	vand.u32 $0x7F, v22;
	v24 =	vmul.f32 v24, v8;
	v40 =	vld.idx.msk [tilespmem:v25+s3+$0x0], $0xffff  }
0x10f: {  	v16 =	vor.u32 v16, v21;
	v23 =	vor.u32 v23, v28;
	v32 =	vmul.f32 v32, v7;
	v21 =	vld.idx.msk [tilespmem:v26+s3+$0x0], $0xffff  }
0x110: {  	v28 =	vor.u32 $0x80, v10;
	v15 =	vor.u32 v15, v29;
	v34 =	vmul.f32 v34, v6;
	[tilespmem:v36+s20+$0x0] =	vst.idx.add.f32.msk $0xffff, v24  }
0x111: {  	v19 =	vor.u32 v19, v30;
	v18 =	vor.u32 v18, v20;
	v24 =	vmul.f32 v35, v0;
	v20 =	vld.idx.msk [tilespmem:v38+s3+$0x0], $0xffff  }
0x112: {  	v30 =	vor.u32 v4, v31;
	v22 =	vor.u32 v22, v33;
	v29 =	vmul.f32 v37, v1;
	v4 =	vld [tilespmem:s24+$0x20]  }
0x113: {  	v31 =	vor.u32 $0x80, v17;
	v33 =	vor.u32 $0x80, v11;
	v35 =	vmul.f32 v39, v2;
	[tilespmem:v5+s20+$0x0] =	vst.idx.add.f32.msk $0xffff, v12  }
0x114: {  	v5 =	vor.u32 $0x80, v27;
	v12 =	vmul.f32 v40, v3;
	[tilespmem:v23+s20+$0x0] =	vst.idx.add.f32.msk $0xffff, v32;
	v32 =	vor.u32 $0x100, v9  }
0x115: {  	v14 =	vor.u32 $0x180, v14;
	v36 =	vor.u32 $0x80, v25;
	[tilespmem:v16+s20+$0x0] =	vst.idx.add.f32.msk $0xffff, v34;
	v34 =	vor.u32 $0x80, v13  }
0x116: {  	v37 =	vor.u32 $0x80, v23;
	v38 =	vor.u32 $0x80, v16;
	[tilespmem:v15+s20+$0x0] =	vst.idx.add.f32.msk $0xffff, v24;
	v24 =	vor.u32 $0x80, v26  }
0x117: {  	v39 =	vor.u32 $0x80, v15;
	v20 =	vmul.f32 v20, v8;
	[tilespmem:v18+s20+$0x0] =	vst.idx.add.f32.msk $0xffff, v29;
	v21 =	vmul.f32 v21, v4  }
0x118: {  	v40 =	vor.u32 $0x80, v30;
	v29 =	vor.u32 $0x80, v18;
	[tilespmem:v19+s20+$0x0] =	vst.idx.add.f32.msk $0xffff, v35;
	v35 =	vor.u32 $0x80, v19  }
0x119: {  	v41 =	vor.u32 $0x100, v10;
	v42 =	vor.u32 $0x100, v17;
	v43 =	vor.u32 $0x80, v22;
	[tilespmem:v32+s20+$0x0] =	vst.idx.add.f32.msk $0xffff, v20  }
0x11a: {  	v44 =	vor.u32 $0x100, v13;
	v20 =	vor.u32 $0x100, v11;
	v32 =	vor.u32 $0x100, v27;
	v14 =	vld.idx.msk [tilespmem:v14+s3+$0x0], $0xffff  }
0x11b: {  	v46 =	vor.u32 $0x100, v26;
	v45 =	vor.u32 $0x100, v23;
	[tilespmem:v30+s20+$0x0] =	vst.idx.add.f32.msk $0xffff, v12;
	v12 =	vor.u32 $0x100, v25  }
0x11c: {  	v47 =	vor.u32 $0x100, v16;
	v48 =	vor.u32 $0x100, v15;
	v49 =	vor.u32 $0x100, v18;
	[tilespmem:v22+s20+$0x0] =	vst.idx.add.f32.msk $0xffff, v21  }
0x11d: {  	v50 =	vor.u32 $0x100, v30;
	v51 =	vor.u32 $0x180, v9;
	v21 =	vld.idx.msk [tilespmem:v28+s3+$0x0], $0xffff;
	v28 =	vor.u32 $0x100, v19  }
0x11e: {  	v52 =	vor.u32 $0x180, v10;
	v53 =	vor.u32 $0x100, v22;
	v17 =	vor.u32 $0x180, v17;
	v31 =	vld.idx.msk [tilespmem:v31+s3+$0x0], $0xffff  }
0x11f: {  	v55 =	vor.u32 $0x180, v13;
	v54 =	vor.u32 $0x180, v11;
	v27 =	vor.u32 $0x180, v27;
	v33 =	vld.idx.msk [tilespmem:v33+s3+$0x0], $0xffff  }
0x120: {  	v26 =	vor.u32 $0x180, v26;
	v25 =	vor.u32 $0x180, v25;
	v56 =	vld.idx.msk [tilespmem:v5+s3+$0x0], $0xffff;
	v5 =	vmul.f32 v14, v8  }
0x121: {  	v23 =	vor.u32 $0x180, v23;
	v13 =	vor.u32 $0x180, v16;
	v11 =	vor.u32 $0x180, v15;
	v14 =	vld.idx.msk [tilespmem:v34+s3+$0x0], $0xffff  }
0x122: {  	v10 =	vor.u32 $0x180, v18;
	v9 =	vor.u32 $0x180, v19;
	v8 =	vor.u32 $0x180, v30;
	[tilespmem:v51+s20+$0x0] =	vst.idx.add.f32.msk $0xffff, v5  }
0x123: {  	v15 =	vmul.f32 v21, v7;
	v5 =	vor.u32 $0x180, v22;
	v16 =	vld.idx.msk [tilespmem:v36+s3+$0x0], $0xffff  }
0x124: {  	v18 =	vmul.f32 v31, v6;
	v19 =	vld.idx.msk [tilespmem:v24+s3+$0x0], $0xffff  }
0x125: {  	[tilespmem:v37+s20+$0x0] =	vst.idx.add.f32.msk $0xffff, v15;
	v15 =	vmul.f32 v33, v0  }
0x126: {  	[tilespmem:v38+s20+$0x0] =	vst.idx.add.f32.msk $0xffff, v18;
	v18 =	vmul.f32 v56, v1  }
0x127: {  	v14 =	vmul.f32 v14, v2;
	[tilespmem:v39+s20+$0x0] =	vst.idx.add.f32.msk $0xffff, v15  }
0x128: {  	[tilespmem:v29+s20+$0x0] =	vst.idx.add.f32.msk $0xffff, v18  }
0x129: {  	[tilespmem:v35+s20+$0x0] =	vst.idx.add.f32.msk $0xffff, v14;
	v14 =	vmul.f32 v16, v3  }
0x12a: {  	v16 =	vmul.f32 v19, v4;
	v15 =	vld.idx.msk [tilespmem:v41+s3+$0x0], $0xffff  }
0x12b: {  	[tilespmem:v40+s20+$0x0] =	vst.idx.add.f32.msk $0xffff, v14  }
0x12c: {  	[tilespmem:v43+s20+$0x0] =	vst.idx.add.f32.msk $0xffff, v16  }
0x12d: {  	v14 =	vld.idx.msk [tilespmem:v42+s3+$0x0], $0xffff  }
0x12e: {  	v16 =	vld.idx.msk [tilespmem:v20+s3+$0x0], $0xffff  }
0x12f: {  	v18 =	vld.idx.msk [tilespmem:v32+s3+$0x0], $0xffff  }
0x130: {  	v15 =	vmul.f32 v15, v7;
	v19 =	vld.idx.msk [tilespmem:v44+s3+$0x0], $0xffff  }
0x131: {  	v12 =	vld.idx.msk [tilespmem:v12+s3+$0x0], $0xffff  }
0x132: {  	v20 =	vld.idx.msk [tilespmem:v46+s3+$0x0], $0xffff  }
0x133: {  	v14 =	vmul.f32 v14, v6;
	[tilespmem:v45+s20+$0x0] =	vst.idx.add.f32.msk $0xffff, v15  }
0x134: {  	v16 =	vmul.f32 v16, v0;
	v15 =	vld.idx.msk [tilespmem:v52+s3+$0x0], $0xffff  }
0x135: {  	[tilespmem:v47+s20+$0x0] =	vst.idx.add.f32.msk $0xffff, v14;
	v14 =	vmul.f32 v18, v1  }
0x136: {  	[tilespmem:v48+s20+$0x0] =	vst.idx.add.f32.msk $0xffff, v16;
	v16 =	vmul.f32 v19, v2  }
0x137: {  	v12 =	vmul.f32 v12, v3;
	[tilespmem:v49+s20+$0x0] =	vst.idx.add.f32.msk $0xffff, v14  }
0x138: {  	v14 =	vmul.f32 v20, v4;
	[tilespmem:v28+s20+$0x0] =	vst.idx.add.f32.msk $0xffff, v16  }
0x139: {  	[tilespmem:v50+s20+$0x0] =	vst.idx.add.f32.msk $0xffff, v12  }
0x13a: {  	v18 =	vmul.f32 v15, v7;
	[tilespmem:v53+s20+$0x0] =	vst.idx.add.f32.msk $0xffff, v14  }
0x13b: {  	v17 =	vld.idx.msk [tilespmem:v17+s3+$0x0], $0xffff  }
0x13c: {  	v16 =	vld.idx.msk [tilespmem:v54+s3+$0x0], $0xffff  }
.Ltmp6:
0x13d: {  	v15 =	vld.idx.msk [tilespmem:v27+s3+$0x0], $0xffff;
	(pc) =	sbr.rel @p0 .LBB2_11-.Ltmp6, $4  }
0x13e: {  	v12 =	vld.idx.msk [tilespmem:v55+s3+$0x0], $0xffff  }
0x13f: {  	v7 =	vld.idx.msk [tilespmem:v25+s3+$0x0], $0xffff  }
0x140: {  	v14 =	vld.idx.msk [tilespmem:v26+s3+$0x0], $0xffff  }
0x141: {  	s26 =	sadd.s32 $0x80, s26;
	v6 =	vmul.f32 v17, v6;
	[tilespmem:v23+s20+$0x0] =	vst.idx.add.f32.msk $0xffff, v18  }
0x142: {  	_ =	sdelay $0x2  }
0x143: {  	v0 =	vmul.f32 v16, v0  }
0x144: {  	v1 =	vmul.f32 v15, v1;
	p0 =	seq.s32 s23, $0x31;
	[tilespmem:v13+s20+$0x0] =	vst.idx.add.f32.msk $0xffff, v6  }
0x145: {  	v2 =	vmul.f32 v12, v2;
	s0 =	smul.u32 @!p0 $0x1900, s23;
	[tilespmem:v11+s20+$0x0] =	vst.idx.add.f32.msk $0xffff, v0  }
0x146: {  	v0 =	vmul.f32 v7, v3;
	[tilespmem:v10+s20+$0x0] =	vst.idx.add.f32.msk $0xffff, v1  }
0x147: {  	v1 =	vmul.f32 v14, v4;
	[tilespmem:v9+s20+$0x0] =	vst.idx.add.f32.msk $0xffff, v2;
	s0 =	sshrl.u32 @!p0 s0, $0x3  }
0x148: {  	[tilespmem:v8+s20+$0x0] =	vst.idx.add.f32.msk $0xffff, v0;
	s0 =	sadd.s32 @!p0 $0x320, s0  }
0x149: {  	s2 =	simm.s32 @!p0 $0x0;
	s5 =	simm.s32 @!p0 $0x16380;
	[tilespmem:v5+s20+$0x0] =	vst.idx.add.f32.msk $0xffff, v1;
	s1 =	sadd.s32 @!p0 s4, s0  }
0x14a: {  	[tilespmem:s5], [sflag:$0x1] =	stream.linear.gather @!p0 [hbm4b:s1+s2], $0xC80, $0x38;
	[tilespmem:$0x19580] =	vst v63  }
0x14b: {  	s0 =	sadd.s32 @!p0 s9, s0;
	s1 =	simm.s32 @!p0 $0x17C80  }
0x14c: {  	[tilespmem:s1], [sflag:$0x1] =	stream.linear.gather @!p0 [hbm4b:s0+s2], $0xC80, $0x38;
	[tilespmem:$0x19580] =	vst v63  }
0x14d: {  	_ =	swait.ge [sflag:s21], $0xC80  }
0x14e: {  	[sflag:s21] =	ssyncset.done $0x0  }
0x14f: {  	[sflag:s21] =	ssyncadd.s32 $0xFFFFF380  }
0x150: {  	_ =	swait.ge [sflag:s21], $0xC80  }
0x151: {  	[sflag:s21] =	ssyncset.done $0x0  }
0x152: {  	s31 =	simm.s32 $0x17040;
	[sflag:s21] =	ssyncadd.s32 $0xFFFFF380  }
0x153: {  	v0 =	vld [tilespmem:s31+$0x30]  }
0x154: {  	v4 =	vld [tilespmem:s31+$0xFFFFFFD0]  }
0x155: {  	v15 =	vld [tilespmem:s31+$0xFFFFFFF0]  }
0x156: {  	v16 =	vld [tilespmem:s31+$0x0]  }
0x157: {  	v17 =	vld [tilespmem:s31+$0x10]  }
0x158: {  	v19 =	vld [tilespmem:s31+$0x20]  }
0x159: {  	v21 =	vld [tilespmem:s31+$0xFFFFFFC0]  }
0x15a: {  	v14 =	vld [tilespmem:s31+$0xFFFFFFE0];
	_ =	sdelay $0x1  }
0x15b: {  	v1 =	vshra.s32 v0, $0x10;
	v20 =	vshll.u32 v4, $0x2;
	v8 =	vshra.s32 v15, $0x10  }
0x15c: {  	v9 =	vshra.s32 v16, $0x10;
	v11 =	vshra.s32 v17, $0x10;
	v24 =	vshra.s32 v19, $0x10  }
0x15d: {  	v7 =	vshll.u32 v0, $0x2;
	v13 =	vshra.s32 v21, $0x10;
	v0 =	vand.u32 $0x7F, v0  }
0x15e: {  	v53 =	vshll.u32 v14, $0x2;
	v56 =	vshll.u32 v16, $0x2;
	v16 =	vand.u32 $0x7F, v16  }
0x15f: {  	v2 =	vshll.u32 v1, $0x2;
	v1 =	vand.u32 $0x7F, v1;
	v6 =	vshll.u32 v8, $0x2  }
0x160: {  	v10 =	vshll.u32 v9, $0x2;
	v7 =	vand.u32 $0x3FE00, v7;
	v27 =	vshll.u32 v13, $0x2  }
0x161: {  	v13 =	vand.u32 $0x7F, v13;
	v29 =	vshll.u32 v24, $0x2;
	v47 =	vand.u32 $0x7F, v8  }
0x162: {  	v48 =	vand.u32 $0x7F, v9;
	v20 =	vand.u32 $0x3FE00, v20;
	v2 =	vand.u32 $0xFFFFFE00, v2  }
0x163: {  	s24 =	simm.s32 $0x18940;
	v26 =	vand.u32 $0xFFFFFE00, v6;
	v28 =	vor.u32 v0, v7;
	v7 =	vand.u32 $0xFFFFFE00, v27  }
0x164: {  	v25 =	vld [tilespmem:s24+$0x30];
	v10 =	vand.u32 $0xFFFFFE00, v10;
	v49 =	vand.u32 $0xFFFFFE00, v29;
	v29 =	vand.u32 $0x3FE00, v53  }
0x165: {  	v6 =	vld [tilespmem:s24+$0xFFFFFFD0];
	v18 =	vor.u32 v1, v2;
	v1 =	vshra.s32 v4, $0x10;
	v2 =	vshra.s32 v14, $0x10  }
0x166: {  	v0 =	vld [tilespmem:s24+$0xFFFFFFE0];
	v13 =	vor.u32 v13, v7;
	v9 =	vor.u32 v47, v26;
	v10 =	vor.u32 v48, v10  }
0x167: {  	v4 =	vand.u32 $0x7F, v4;
	v3 =	vshll.u32 v1, $0x2;
	v30 =	vand.u32 $0x7F, v1;
	v1 =	vld [tilespmem:s24+$0xFFFFFFF0]  }
0x168: {  	v14 =	vand.u32 $0x7F, v14;
	v5 =	vshll.u32 v2, $0x2;
	v31 =	vand.u32 $0x7F, v2;
	v2 =	vld [tilespmem:s24+$0x0]  }
0x169: {  	v20 =	vor.u32 v4, v20;
	v4 =	vand.u32 $0x3FE00, v56;
	v12 =	vand.u32 $0xFFFFFE00, v5;
	v5 =	vld [tilespmem:s24+$0xFFFFFFC0]  }
0x16a: {  	v14 =	vor.u32 v14, v29;
	v3 =	vand.u32 $0xFFFFFE00, v3;
	v29 =	vor.u32 v16, v4;
	v4 =	vld [tilespmem:s24+$0x20]  }
0x16b: {  	v23 =	vshll.u32 v11, $0x2;
	v7 =	vor.u32 v30, v3;
	v3 =	vld [tilespmem:s24+$0x10]  }
0x16c: {  	v11 =	vand.u32 $0x7F, v11;
	v8 =	vor.u32 v31, v12;
	v12 =	vand.u32 $0xFFFFFE00, v23;
	v22 =	vld.idx.msk [tilespmem:v18+s3+$0x0], $0xffff  }
0x16d: {  	v11 =	vor.u32 v11, v12;
	v52 =	vld.idx.msk [tilespmem:v13+s3+$0x0], $0xffff  }
0x16e: {  	v51 =	vshll.u32 v21, $0x2;
	v36 =	vshll.u32 v19, $0x2;
	v34 =	vld.idx.msk [tilespmem:v9+s3+$0x0], $0xffff  }
0x16f: {  	v21 =	vand.u32 $0x7F, v21;
	v24 =	vand.u32 $0x7F, v24;
	v46 =	vor.u32 $0x80, v18;
	v37 =	vld.idx.msk [tilespmem:v10+s3+$0x0], $0xffff  }
0x170: {  	v19 =	vand.u32 $0x7F, v19;
	v26 =	vand.u32 $0x3FE00, v51;
	v12 =	vor.u32 v24, v49;
	v55 =	vld.idx.msk [tilespmem:v7+s3+$0x0], $0xffff  }
0x171: {  	v21 =	vor.u32 v21, v26;
	v16 =	vand.u32 $0x3FE00, v36;
	v32 =	vld.idx.msk [tilespmem:v8+s3+$0x0], $0xffff;
	v22 =	vmul.f32 v22, v25  }
0x172: {  	v19 =	vor.u32 v19, v16;
	v16 =	vor.u32 $0x80, v13;
	v38 =	vld.idx.msk [tilespmem:v11+s3+$0x0], $0xffff  }
0x173: {  	[tilespmem:v28+s20+$0x0] =	vst.idx.add.f32.msk $0xffff, v22  }
0x174: {  	v59 =	vmul.f32 v52, v5;
	v50 =	vld.idx.msk [tilespmem:v46+s3+$0x0], $0xffff  }
0x175: {  	v54 =	vshll.u32 v15, $0x2;
	v57 =	vshll.u32 v17, $0x2;
	v58 =	vld.idx.msk [tilespmem:v12+s3+$0x0], $0xffff  }
0x176: {  	v17 =	vand.u32 $0x7F, v17;
	v33 =	vor.u32 $0x80, v28;
	[tilespmem:v21+s20+$0x0] =	vst.idx.add.f32.msk $0xffff, v59;
	v24 =	vmul.f32 v55, v6  }
0x177: {  	v60 =	vand.u32 $0x3FE00, v57;
	v35 =	vor.u32 $0x100, v18;
	v61 =	vmul.f32 v32, v0;
	v16 =	vld.idx.msk [tilespmem:v16+s3+$0x0], $0xffff  }
0x178: {  	v15 =	vand.u32 $0x7F, v15;
	v17 =	vor.u32 v17, v60;
	v32 =	vmul.f32 v37, v2;
	[tilespmem:v20+s20+$0x0] =	vst.idx.add.f32.msk $0xffff, v24  }
0x179: {  	v39 =	vor.u32 $0x80, v11;
	v22 =	vand.u32 $0x3FE00, v54;
	[tilespmem:v14+s20+$0x0] =	vst.idx.add.f32.msk $0xffff, v61;
	v23 =	vmul.f32 v50, v25  }
0x17a: {  	v22 =	vor.u32 v15, v22;
	[tilespmem:v29+s20+$0x0] =	vst.idx.add.f32.msk $0xffff, v32  }
0x17b: {  	v63 =	vmul.f32 v34, v1;
	v37 =	vor.u32 $0x80, v10;
	v34 =	vmul.f32 v38, v3;
	[tilespmem:v33+s20+$0x0] =	vst.idx.add.f32.msk $0xffff, v23  }
0x17c: {  	v41 =	vor.u32 $0x80, v21;
	v15 =	vld.idx.msk [tilespmem:v35+s3+$0x0], $0xffff  }
0x17d: {  	[tilespmem:v17+s20+$0x0] =	vst.idx.add.f32.msk $0xffff, v34;
	v33 =	vor.u32 $0x80, v7  }
0x17e: {  	v62 =	vor.u32 $0x100, v28;
	v44 =	vld.idx.msk [tilespmem:v39+s3+$0x0], $0xffff  }
0x17f: {  	v18 =	vor.u32 $0x180, v18;
	[tilespmem:v22+s20+$0x0] =	vst.idx.add.f32.msk $0xffff, v63;
	v16 =	vmul.f32 v16, v5  }
0x180: {  	v27 =	vld.idx.msk [tilespmem:v37+s3+$0x0], $0xffff  }
0x181: {  	v40 =	vor.u32 $0x80, v12;
	[tilespmem:v41+s20+$0x0] =	vst.idx.add.f32.msk $0xffff, v16;
	v15 =	vmul.f32 v15, v25  }
0x182: {  	v46 =	vor.u32 $0x100, v13;
	v24 =	vld.idx.msk [tilespmem:v33+s3+$0x0], $0xffff  }
0x183: {  	v35 =	vmul.f32 v58, v4;
	[tilespmem:v62+s20+$0x0] =	vst.idx.add.f32.msk $0xffff, v15;
	v15 =	vor.u32 $0x80, v8  }
0x184: {  	v36 =	vor.u32 $0x80, v9;
	v18 =	vld.idx.msk [tilespmem:v18+s3+$0x0], $0xffff  }
0x185: {  	v42 =	vor.u32 $0x80, v20;
	[tilespmem:v19+s20+$0x0] =	vst.idx.add.f32.msk $0xffff, v35  }
0x186: {  	v38 =	vor.u32 $0x180, v28;
	v30 =	vld.idx.msk [tilespmem:v40+s3+$0x0], $0xffff  }
0x187: {  	v49 =	vor.u32 $0x100, v7;
	v51 =	vld.idx.msk [tilespmem:v46+s3+$0x0], $0xffff  }
0x188: {  	v48 =	vor.u32 $0x80, v19;
	v24 =	vmul.f32 v24, v6;
	v15 =	vld.idx.msk [tilespmem:v15+s3+$0x0], $0xffff  }
0x189: {  	v55 =	vor.u32 $0x100, v21;
	v26 =	vld.idx.msk [tilespmem:v36+s3+$0x0], $0xffff;
	v18 =	vmul.f32 v18, v25  }
0x18a: {  	v43 =	vor.u32 $0x80, v14;
	[tilespmem:v42+s20+$0x0] =	vst.idx.add.f32.msk $0xffff, v24  }
0x18b: {  	v52 =	vmul.f32 v30, v4;
	[tilespmem:v38+s20+$0x0] =	vst.idx.add.f32.msk $0xffff, v18;
	v18 =	vor.u32 $0x80, v22  }
0x18c: {  	v13 =	vor.u32 $0x180, v13;
	v24 =	vmul.f32 v51, v5;
	v54 =	vld.idx.msk [tilespmem:v49+s3+$0x0], $0xffff  }
0x18d: {  	v45 =	vor.u32 $0x80, v29;
	[tilespmem:v48+s20+$0x0] =	vst.idx.add.f32.msk $0xffff, v52;
	v15 =	vmul.f32 v15, v0  }
0x18e: {  	v56 =	vor.u32 $0x100, v20;
	v47 =	vmul.f32 v26, v1;
	[tilespmem:v55+s20+$0x0] =	vst.idx.add.f32.msk $0xffff, v24  }
0x18f: {  	v16 =	vor.u32 $0x80, v17;
	[tilespmem:v43+s20+$0x0] =	vst.idx.add.f32.msk $0xffff, v15  }
0x190: {  	v15 =	vmul.f32 v27, v2;
	[tilespmem:v18+s20+$0x0] =	vst.idx.add.f32.msk $0xffff, v47;
	v18 =	vor.u32 $0x100, v8  }
0x191: {  	v50 =	vor.u32 $0x100, v9;
	v26 =	vld.idx.msk [tilespmem:v13+s3+$0x0], $0xffff;
	v60 =	vmul.f32 v54, v6  }
0x192: {  	v53 =	vor.u32 $0x100, v10;
	[tilespmem:v45+s20+$0x0] =	vst.idx.add.f32.msk $0xffff, v15;
	v15 =	vmul.f32 v44, v3  }
0x193: {  	v7 =	vor.u32 $0x180, v7;
	[tilespmem:v56+s20+$0x0] =	vst.idx.add.f32.msk $0xffff, v60  }
0x194: {  	[tilespmem:v16+s20+$0x0] =	vst.idx.add.f32.msk $0xffff, v15;
	v16 =	vor.u32 $0x100, v12  }
0x195: {  	v15 =	vor.u32 $0x100, v11;
	v18 =	vld.idx.msk [tilespmem:v18+s3+$0x0], $0xffff  }
0x196: {  	v21 =	vor.u32 $0x180, v21;
	v23 =	vld.idx.msk [tilespmem:v50+s3+$0x0], $0xffff  }
0x197: {  	v57 =	vor.u32 $0x100, v14;
	v28 =	vld.idx.msk [tilespmem:v53+s3+$0x0], $0xffff  }
0x198: {  	v58 =	vor.u32 $0x100, v22;
	v62 =	vld.idx.msk [tilespmem:v7+s3+$0x0], $0xffff  }
0x199: {  	v59 =	vor.u32 $0x100, v29;
	v63 =	vmul.f32 v26, v5;
	v16 =	vld.idx.msk [tilespmem:v16+s3+$0x0], $0xffff  }
0x19a: {  	v8 =	vor.u32 $0x180, v8;
	v15 =	vld.idx.msk [tilespmem:v15+s3+$0x0], $0xffff;
	v13 =	vmul.f32 v18, v0  }
0x19b: {  	[tilespmem:v21+s20+$0x0] =	vst.idx.add.f32.msk $0xffff, v63;
	v23 =	vmul.f32 v23, v1;
	v18 =	vor.u32 $0x100, v19  }
0x19c: {  	v61 =	vor.u32 $0x100, v17;
	[tilespmem:v57+s20+$0x0] =	vst.idx.add.f32.msk $0xffff, v13;
	v13 =	vmul.f32 v28, v2  }
0x19d: {  	v9 =	vor.u32 $0x180, v9;
	[tilespmem:v58+s20+$0x0] =	vst.idx.add.f32.msk $0xffff, v23  }
0x19e: {  	v10 =	vor.u32 $0x180, v10;
	[tilespmem:v59+s20+$0x0] =	vst.idx.add.f32.msk $0xffff, v13;
	v13 =	vmul.f32 v16, v4  }
0x19f: {  	v11 =	vor.u32 $0x180, v11;
	v15 =	vmul.f32 v15, v3;
	v16 =	vld.idx.msk [tilespmem:v8+s3+$0x0], $0xffff  }
0x1a0: {  	[tilespmem:v18+s20+$0x0] =	vst.idx.add.f32.msk $0xffff, v13;
	v18 =	vor.u32 $0x180, v12  }
0x1a1: {  	[tilespmem:v61+s20+$0x0] =	vst.idx.add.f32.msk $0xffff, v15  }
0x1a2: {  	v15 =	vld.idx.msk [tilespmem:v9+s3+$0x0], $0xffff  }
0x1a3: {  	v5 =	vor.u32 $0x180, v19;
	v7 =	vld.idx.msk [tilespmem:v10+s3+$0x0], $0xffff  }
0x1a4: {  	v6 =	vmul.f32 v62, v6;
	v8 =	vor.u32 $0x180, v17;
	v10 =	vor.u32 $0x180, v22;
	v11 =	vld.idx.msk [tilespmem:v11+s3+$0x0], $0xffff  }
0x1a5: {  	s25 =	simm.s32 $0x0;
	s26 =	simm.s32 $0x170C0;
	v9 =	vor.u32 $0x180, v29;
	v13 =	vor.u32 $0x180, v20;
	v12 =	vor.u32 $0x180, v14;
	v14 =	vld.idx.msk [tilespmem:v18+s3+$0x0], $0xffff  }
.LBB2_13:
0x1a6: {  	v17 =	vld [tilespmem:s26+$0x30];
	s25 =	sadd.s32 $0x8, s25;
	v0 =	vmul.f32 v16, v0  }
0x1a7: {  	v1 =	vmul.f32 v15, v1;
	v16 =	vld [tilespmem:s26+$0xFFFFFFD0];
	p1 =	slt.u32 s25, $0xC0  }
0x1a8: {  	v2 =	vmul.f32 v7, v2;
	v15 =	vld [tilespmem:s26+$0xFFFFFFE0]  }
0x1a9: {  	v3 =	vmul.f32 v11, v3;
	v18 =	vld [tilespmem:s26+$0xFFFFFFF0]  }
0x1aa: {  	v11 =	vmul.f32 v14, v4;
	v19 =	vld [tilespmem:s26+$0x0]  }
0x1ab: {  	v4 =	vld [tilespmem:s26+$0x10];
	v7 =	vshra.s32 v17, $0x10  }
0x1ac: {  	v20 =	vshra.s32 v16, $0x10;
	v21 =	vshll.u32 v16, $0x2;
	v22 =	vld [tilespmem:s26+$0x20];
	v14 =	vshll.u32 v7, $0x2  }
0x1ad: {  	v7 =	vand.u32 $0x7F, v7;
	v23 =	vld [tilespmem:s26+$0xFFFFFFC0];
	v24 =	vshra.s32 v15, $0x10;
	v14 =	vand.u32 $0xFFFFFE00, v14  }
0x1ae: {  	v25 =	vshll.u32 v20, $0x2;
	v26 =	vshra.s32 v18, $0x10;
	v14 =	vor.u32 v7, v14;
	[tilespmem:v13+s20+$0x0] =	vst.idx.add.f32.msk $0xffff, v6  }
0x1af: {  	v6 =	vshll.u32 v24, $0x2;
	v7 =	vshll.u32 v26, $0x2;
	v13 =	vshra.s32 v19, $0x10;
	[tilespmem:v12+s20+$0x0] =	vst.idx.add.f32.msk $0xffff, v0  }
0x1b0: {  	v12 =	vand.u32 $0xFFFFFE00, v25;
	v0 =	vshll.u32 v13, $0x2;
	v25 =	vshra.s32 v4, $0x10;
	[tilespmem:v10+s20+$0x0] =	vst.idx.add.f32.msk $0xffff, v1  }
0x1b1: {  	v27 =	vand.u32 $0xFFFFFE00, v6;
	v1 =	vshll.u32 v25, $0x2;
	v28 =	vshra.s32 v22, $0x10;
	[tilespmem:v9+s20+$0x0] =	vst.idx.add.f32.msk $0xffff, v2  }
0x1b2: {  	v29 =	vand.u32 $0xFFFFFE00, v7;
	v2 =	vshra.s32 v23, $0x10;
	v6 =	vshll.u32 v28, $0x2;
	[tilespmem:v8+s20+$0x0] =	vst.idx.add.f32.msk $0xffff, v3  }
0x1b3: {  	s24 =	sadd.s32 $0x80, s24;
	v30 =	vand.u32 $0xFFFFFE00, v0;
	v31 =	vand.u32 $0xFFFFFE00, v1;
	v3 =	vshll.u32 v2, $0x2;
	v32 =	vld.idx.msk [tilespmem:v14+s3+$0x0], $0xffff  }
0x1b4: {  	v0 =	vshll.u32 v17, $0x2;
	v33 =	vand.u32 $0xFFFFFE00, v6;
	v1 =	vand.u32 $0xFFFFFE00, v3;
	v8 =	vld [tilespmem:s24+$0x30]  }
0x1b5: {  	v0 =	vand.u32 $0x3FE00, v0;
	v2 =	vand.u32 $0x7F, v2;
	v3 =	vand.u32 $0x7F, v17;
	v7 =	vld [tilespmem:s24+$0xFFFFFFC0]  }
0x1b6: {  	v17 =	vand.u32 $0x7F, v20;
	v20 =	vand.u32 $0x7F, v24;
	v9 =	vor.u32 v3, v0;
	v6 =	vld [tilespmem:s24+$0xFFFFFFD0]  }
0x1b7: {  	v13 =	vand.u32 $0x7F, v13;
	v24 =	vor.u32 $0x80, v14;
	v3 =	vand.u32 $0x7F, v26;
	v0 =	vld [tilespmem:s24+$0xFFFFFFE0]  }
0x1b8: {  	v25 =	vand.u32 $0x7F, v25;
	v10 =	vor.u32 v2, v1;
	v26 =	vand.u32 $0x7F, v28;
	v1 =	vld [tilespmem:s24+$0xFFFFFFF0]  }
0x1b9: {  	v17 =	vor.u32 v17, v12;
	v12 =	vor.u32 v20, v27;
	v2 =	vld [tilespmem:s24+$0x0];
	v20 =	vmul.f32 v32, v8  }
0x1ba: {  	v13 =	vor.u32 v13, v30;
	v25 =	vor.u32 v25, v31;
	v27 =	vor.u32 v3, v29;
	v3 =	vld [tilespmem:s24+$0x10]  }
0x1bb: {  	v28 =	vshll.u32 v23, $0x2;
	v29 =	vshll.u32 v15, $0x2;
	v26 =	vor.u32 v26, v33;
	[tilespmem:v9+s20+$0x0] =	vst.idx.add.f32.msk $0xffff, v20  }
0x1bc: {  	v30 =	vshll.u32 v19, $0x2;
	v31 =	vshll.u32 v4, $0x2;
	v20 =	vshll.u32 v18, $0x2;
	v24 =	vld.idx.msk [tilespmem:v24+s3+$0x0], $0xffff  }
0x1bd: {  	v21 =	vand.u32 $0x3FE00, v21;
	v28 =	vand.u32 $0x3FE00, v28;
	v33 =	vshll.u32 v22, $0x2;
	v32 =	vld.idx.msk [tilespmem:v10+s3+$0x0], $0xffff  }
0x1be: {  	v30 =	vand.u32 $0x3FE00, v30;
	v29 =	vand.u32 $0x3FE00, v29;
	v20 =	vand.u32 $0x3FE00, v20;
	v34 =	vld.idx.msk [tilespmem:v17+s3+$0x0], $0xffff  }
0x1bf: {  	v31 =	vand.u32 $0x3FE00, v31;
	v36 =	vor.u32 $0x80, v9;
	v33 =	vand.u32 $0x3FE00, v33;
	v35 =	vld.idx.msk [tilespmem:v12+s3+$0x0], $0xffff  }
0x1c0: {  	v16 =	vand.u32 $0x7F, v16;
	v38 =	vor.u32 $0x100, v14;
	v23 =	vand.u32 $0x7F, v23;
	v37 =	vld.idx.msk [tilespmem:v27+s3+$0x0], $0xffff  }
0x1c1: {  	v19 =	vand.u32 $0x7F, v19;
	v15 =	vand.u32 $0x7F, v15;
	v18 =	vand.u32 $0x7F, v18;
	v39 =	vld.idx.msk [tilespmem:v13+s3+$0x0], $0xffff  }
0x1c2: {  	v4 =	vand.u32 $0x7F, v4;
	v22 =	vand.u32 $0x7F, v22;
	v24 =	vmul.f32 v24, v8;
	v40 =	vld.idx.msk [tilespmem:v25+s3+$0x0], $0xffff  }
0x1c3: {  	v16 =	vor.u32 v16, v21;
	v23 =	vor.u32 v23, v28;
	v32 =	vmul.f32 v32, v7;
	v21 =	vld.idx.msk [tilespmem:v26+s3+$0x0], $0xffff  }
0x1c4: {  	v28 =	vor.u32 $0x80, v10;
	v15 =	vor.u32 v15, v29;
	v34 =	vmul.f32 v34, v6;
	[tilespmem:v36+s20+$0x0] =	vst.idx.add.f32.msk $0xffff, v24  }
0x1c5: {  	v19 =	vor.u32 v19, v30;
	v18 =	vor.u32 v18, v20;
	v24 =	vmul.f32 v35, v0;
	v20 =	vld.idx.msk [tilespmem:v38+s3+$0x0], $0xffff  }
0x1c6: {  	v30 =	vor.u32 v4, v31;
	v22 =	vor.u32 v22, v33;
	v29 =	vmul.f32 v37, v1;
	v4 =	vld [tilespmem:s24+$0x20]  }
0x1c7: {  	v31 =	vor.u32 $0x80, v17;
	v33 =	vor.u32 $0x80, v12;
	v35 =	vmul.f32 v39, v2;
	[tilespmem:v5+s20+$0x0] =	vst.idx.add.f32.msk $0xffff, v11  }
0x1c8: {  	v5 =	vor.u32 $0x80, v27;
	v11 =	vmul.f32 v40, v3;
	[tilespmem:v23+s20+$0x0] =	vst.idx.add.f32.msk $0xffff, v32;
	v32 =	vor.u32 $0x100, v9  }
0x1c9: {  	v14 =	vor.u32 $0x180, v14;
	v36 =	vor.u32 $0x80, v25;
	[tilespmem:v16+s20+$0x0] =	vst.idx.add.f32.msk $0xffff, v34;
	v34 =	vor.u32 $0x80, v13  }
0x1ca: {  	v37 =	vor.u32 $0x80, v23;
	v38 =	vor.u32 $0x80, v16;
	[tilespmem:v15+s20+$0x0] =	vst.idx.add.f32.msk $0xffff, v24;
	v24 =	vor.u32 $0x80, v26  }
0x1cb: {  	v39 =	vor.u32 $0x80, v15;
	v20 =	vmul.f32 v20, v8;
	[tilespmem:v18+s20+$0x0] =	vst.idx.add.f32.msk $0xffff, v29;
	v21 =	vmul.f32 v21, v4  }
0x1cc: {  	v40 =	vor.u32 $0x80, v30;
	v29 =	vor.u32 $0x80, v18;
	[tilespmem:v19+s20+$0x0] =	vst.idx.add.f32.msk $0xffff, v35;
	v35 =	vor.u32 $0x80, v19  }
0x1cd: {  	v41 =	vor.u32 $0x100, v10;
	v42 =	vor.u32 $0x100, v17;
	v43 =	vor.u32 $0x80, v22;
	[tilespmem:v32+s20+$0x0] =	vst.idx.add.f32.msk $0xffff, v20  }
0x1ce: {  	v44 =	vor.u32 $0x100, v13;
	v20 =	vor.u32 $0x100, v12;
	v32 =	vor.u32 $0x100, v27;
	v14 =	vld.idx.msk [tilespmem:v14+s3+$0x0], $0xffff  }
0x1cf: {  	v46 =	vor.u32 $0x100, v26;
	v45 =	vor.u32 $0x100, v23;
	[tilespmem:v30+s20+$0x0] =	vst.idx.add.f32.msk $0xffff, v11;
	v11 =	vor.u32 $0x100, v25  }
0x1d0: {  	v47 =	vor.u32 $0x100, v16;
	v48 =	vor.u32 $0x100, v15;
	v49 =	vor.u32 $0x100, v18;
	[tilespmem:v22+s20+$0x0] =	vst.idx.add.f32.msk $0xffff, v21  }
0x1d1: {  	v50 =	vor.u32 $0x100, v30;
	v51 =	vor.u32 $0x180, v9;
	v21 =	vld.idx.msk [tilespmem:v28+s3+$0x0], $0xffff;
	v28 =	vor.u32 $0x100, v19  }
0x1d2: {  	v52 =	vor.u32 $0x180, v10;
	v53 =	vor.u32 $0x100, v22;
	v17 =	vor.u32 $0x180, v17;
	v31 =	vld.idx.msk [tilespmem:v31+s3+$0x0], $0xffff  }
0x1d3: {  	v55 =	vor.u32 $0x180, v13;
	v54 =	vor.u32 $0x180, v12;
	v27 =	vor.u32 $0x180, v27;
	v33 =	vld.idx.msk [tilespmem:v33+s3+$0x0], $0xffff  }
0x1d4: {  	v26 =	vor.u32 $0x180, v26;
	v25 =	vor.u32 $0x180, v25;
	v56 =	vld.idx.msk [tilespmem:v5+s3+$0x0], $0xffff;
	v5 =	vmul.f32 v14, v8  }
0x1d5: {  	v23 =	vor.u32 $0x180, v23;
	v13 =	vor.u32 $0x180, v16;
	v12 =	vor.u32 $0x180, v15;
	v14 =	vld.idx.msk [tilespmem:v34+s3+$0x0], $0xffff  }
0x1d6: {  	v10 =	vor.u32 $0x180, v18;
	v9 =	vor.u32 $0x180, v19;
	v8 =	vor.u32 $0x180, v30;
	[tilespmem:v51+s20+$0x0] =	vst.idx.add.f32.msk $0xffff, v5  }
0x1d7: {  	v15 =	vmul.f32 v21, v7;
	v5 =	vor.u32 $0x180, v22;
	v16 =	vld.idx.msk [tilespmem:v36+s3+$0x0], $0xffff  }
0x1d8: {  	v18 =	vmul.f32 v31, v6;
	v19 =	vld.idx.msk [tilespmem:v24+s3+$0x0], $0xffff  }
0x1d9: {  	[tilespmem:v37+s20+$0x0] =	vst.idx.add.f32.msk $0xffff, v15;
	v15 =	vmul.f32 v33, v0  }
0x1da: {  	[tilespmem:v38+s20+$0x0] =	vst.idx.add.f32.msk $0xffff, v18;
	v18 =	vmul.f32 v56, v1  }
0x1db: {  	v14 =	vmul.f32 v14, v2;
	[tilespmem:v39+s20+$0x0] =	vst.idx.add.f32.msk $0xffff, v15  }
0x1dc: {  	[tilespmem:v29+s20+$0x0] =	vst.idx.add.f32.msk $0xffff, v18  }
0x1dd: {  	[tilespmem:v35+s20+$0x0] =	vst.idx.add.f32.msk $0xffff, v14;
	v14 =	vmul.f32 v16, v3  }
0x1de: {  	v16 =	vmul.f32 v19, v4;
	v15 =	vld.idx.msk [tilespmem:v41+s3+$0x0], $0xffff  }
0x1df: {  	[tilespmem:v40+s20+$0x0] =	vst.idx.add.f32.msk $0xffff, v14  }
0x1e0: {  	[tilespmem:v43+s20+$0x0] =	vst.idx.add.f32.msk $0xffff, v16  }
0x1e1: {  	v14 =	vld.idx.msk [tilespmem:v42+s3+$0x0], $0xffff  }
0x1e2: {  	v16 =	vld.idx.msk [tilespmem:v20+s3+$0x0], $0xffff  }
0x1e3: {  	v18 =	vld.idx.msk [tilespmem:v32+s3+$0x0], $0xffff  }
0x1e4: {  	v15 =	vmul.f32 v15, v7;
	v19 =	vld.idx.msk [tilespmem:v44+s3+$0x0], $0xffff  }
0x1e5: {  	v11 =	vld.idx.msk [tilespmem:v11+s3+$0x0], $0xffff  }
0x1e6: {  	v20 =	vld.idx.msk [tilespmem:v46+s3+$0x0], $0xffff  }
0x1e7: {  	v14 =	vmul.f32 v14, v6;
	[tilespmem:v45+s20+$0x0] =	vst.idx.add.f32.msk $0xffff, v15  }
0x1e8: {  	v16 =	vmul.f32 v16, v0;
	v15 =	vld.idx.msk [tilespmem:v52+s3+$0x0], $0xffff  }
0x1e9: {  	[tilespmem:v47+s20+$0x0] =	vst.idx.add.f32.msk $0xffff, v14;
	v14 =	vmul.f32 v18, v1  }
0x1ea: {  	[tilespmem:v48+s20+$0x0] =	vst.idx.add.f32.msk $0xffff, v16;
	v16 =	vmul.f32 v19, v2  }
0x1eb: {  	v11 =	vmul.f32 v11, v3;
	[tilespmem:v49+s20+$0x0] =	vst.idx.add.f32.msk $0xffff, v14  }
0x1ec: {  	v14 =	vmul.f32 v20, v4;
	[tilespmem:v28+s20+$0x0] =	vst.idx.add.f32.msk $0xffff, v16  }
0x1ed: {  	[tilespmem:v50+s20+$0x0] =	vst.idx.add.f32.msk $0xffff, v11  }
0x1ee: {  	v18 =	vmul.f32 v15, v7;
	[tilespmem:v53+s20+$0x0] =	vst.idx.add.f32.msk $0xffff, v14  }
0x1ef: {  	v17 =	vld.idx.msk [tilespmem:v17+s3+$0x0], $0xffff  }
0x1f0: {  	v16 =	vld.idx.msk [tilespmem:v54+s3+$0x0], $0xffff  }
.Ltmp7:
0x1f1: {  	v15 =	vld.idx.msk [tilespmem:v27+s3+$0x0], $0xffff;
	(pc) =	sbr.rel @p1 .LBB2_13-.Ltmp7, $4  }
0x1f2: {  	v7 =	vld.idx.msk [tilespmem:v55+s3+$0x0], $0xffff  }
0x1f3: {  	v11 =	vld.idx.msk [tilespmem:v25+s3+$0x0], $0xffff  }
0x1f4: {  	v14 =	vld.idx.msk [tilespmem:v26+s3+$0x0], $0xffff  }
0x1f5: {  	s26 =	sadd.s32 $0x80, s26;
	v6 =	vmul.f32 v17, v6;
	[tilespmem:v23+s20+$0x0] =	vst.idx.add.f32.msk $0xffff, v18  }
0x1f6: {  	_ =	sdelay $0x2  }
0x1f7: {  	v0 =	vmul.f32 v16, v0  }
0x1f8: {  	v1 =	vmul.f32 v15, v1;
	[tilespmem:v13+s20+$0x0] =	vst.idx.add.f32.msk $0xffff, v6  }
.Ltmp8:
0x1f9: {  	v2 =	vmul.f32 v7, v2;
	[tilespmem:v12+s20+$0x0] =	vst.idx.add.f32.msk $0xffff, v0;
	(pc) =	sbr.rel @p0 .LBB2_16-.Ltmp8, $4  }
0x1fa: {  	v62 =	vmul.f32 v11, v3;
	[tilespmem:v10+s20+$0x0] =	vst.idx.add.f32.msk $0xffff, v1  }
0x1fb: {  	v63 =	vmul.f32 v14, v4;
	[tilespmem:v9+s20+$0x0] =	vst.idx.add.f32.msk $0xffff, v2  }
0x1fc: {  	[tilespmem:v8+s20+$0x0] =	vst.idx.add.f32.msk $0xffff, v62  }
0x1fd: {  	[tilespmem:v5+s20+$0x0] =	vst.idx.add.f32.msk $0xffff, v63  }
0x1fe: {  	s0 =	smul.u32 $0x1900, s23;
	_ =	sdelay $0x1  }
0x1ff: {  	s0 =	sshrl.u32 s0, $0x3  }
.Ltmp9:
0x200: {  	s0 =	sadd.s32 $0x4B0, s0;
	(pc) =	sbr.rel .LBB2_10-.Ltmp9, $4  }
0x201: {  	s1 =	sadd.s32 s4, s0  }
0x202: {  	[tilespmem:s6], [sflag:$0x2] =	stream.linear.gather [hbm4b:s1+s3], $0xC80, $0x38;
	[tilespmem:$0x19580] =	vst v63  }
0x203: {  	s23 =	sadd.s32 $0x1, s23;
	s0 =	sadd.s32 s9, s0  }
0x204: {  	[tilespmem:s7], [sflag:$0x2] =	stream.linear.gather [hbm4b:s0+s3], $0xC80, $0x38;
	[tilespmem:$0x19580] =	vst v63  }
.LBB2_17:
0x205: {  	_ =	sfence.sel $0x180000  }
0x206: {  	[bflag:$0x0] =	sbarrier.arrive $0xFFFF  }
0x207: {  	_ =	strace $0x9000004D  }
0x208: {  	s0 =	stileid.u32;
	[bflag:$0x2] =	sbarrier.arrive $0xFFFF  }
0x209: {  	p0 =	sne.s32 s0, $0x0;
	s0 =	rddreg [dreg:$0x3]  }
0x20a: {  	s0 =	sadd.s32 @!p0 $0x100000, s0  }
0x20b: {  	[sflag:s0] =	ssyncadd.tile.s32 @!p0 $0x1;
	_ =	shalt  }
.Lfunc_end2:
_tile_overlayer_lowered:
.L_overlay_start_2:
0x20c: {  	(tag) =	ssettag $0x2  }
0x20d: {  	s0 =	rddreg [dreg:$0x0];
	s2 =	stileid.u32  }
0x20e: {  	s1 =	rddreg [dreg:$0x1];
	p0 =	sne.s32 s2, $0x0  }
0x20f: {  	s3 =	rddreg [dreg:$0x2];
	[bflag:$0x3] =	sbarrier.arrive $0xFFFF;
	s2 =	simm.s32 @!p0 $0x1C03  }
0x210: {  	[timem:s3], [sflag:s2] =	dma.local @!p0 [hbm:s0], s1  }
0x211: {  	s0 =	simm.s32 @!p0 $0x3  }
0x212: {  	_ =	swait.ge @!p0 [sflag:s0], s1  }
0x213: {  	s1 =	ssub.s32 @!p0 $0x0, s1;
	[sflag:s0] =	ssyncset.done @!p0 $0x0  }
0x214: {  	[sflag:s0] =	ssyncadd.s32 @!p0 s1  }
0x215: {  	[bflag:$0x3] =	sbarrier.arrive $0xFFFF  }
0x216: {  	_ =	shalt  }

// kernel: kernel.18.cloned.1.call-start
scs
__scs_entry_jumppad:
0x0: {  	(pc) =	sbr.rel $0x88, $3  }
0x1: {  	(tag) =	ssettag $0x0;
	lr =	simm.s32 $0x1  }
0x2: {  	[smem:$0x3F98] =	sst lr;
	_ =	strace $0xD0000000  }
0x3: {  	_ = 	snop  }
0x4: {  	_ = 	snop  }
0x5: {  	_ = 	snop  }
0x6: {  	_ = 	snop  }
0x7: {  	_ = 	snop  }
__scs_overlays_trampoline_lowered:
0x8: {  	[smem:$0x3FA7] =	sst s0  }
0x9: {  	[smem:$0x3FA8] =	sst s1  }
0xa: {  	[smem:$0x3FA9] =	sst s2  }
0xb: {  	[smem:$0x3FAA] =	sst s3  }
0xc: {  	[smem:$0x3FAB] =	sst s4  }
0xd: {  	[smem:$0x3FAC] =	sst s5  }
0xe: {  	[smem:$0x3FAD] =	sst s6  }
0xf: {  	[smem:$0x3FAE] =	sst s7  }
0x10: {  	[smem:$0x3FAF] =	sst s8  }
0x11: {  	[smem:$0x3FB0] =	sst s9;
	s0 =	simm.s32 @!p0 $0x0  }
0x12: {  	s1 =	sld [smem:$0x3F96];
	s0 =	simm.s32 @p0 $0x1  }
0x13: {  	[smem:$0x3FB1] =	sst s0;
	s0 =	simm.s32 @!p1 $0x0  }
0x14: {  	s2 =	sld [smem:$0x3F95];
	s0 =	simm.s32 @p1 $0x1  }
0x15: {  	[smem:$0x3FB2] =	sst s0;
	s0 =	simm.s32 @!p2 $0x0  }
0x16: {  	s3 =	sld [smem:$0x3FDB];
	s0 =	simm.s32 @p2 $0x1  }
0x17: {  	s4 =	simm.s32 $0x1BF5;
	[smem:$0x3FB4] =	sst s0  }
0x18: {  	s0 =	sld [smem:$0x3F97];
	_ =	swait.ge [sflag:s4], $0x0  }
0x19: {  	s7 =	sld [smem:$0x3F98]  }
0x1a: {  	s8 =	sadd.s32 $0xFFFFE003, lr  }
0x1b: {  	s9 =	sadd.s32 $0xFFFFFEF7, lr;
	s5 =	simm.s32 $0xFFFFFFFF;
	p2 =	slt.u32 s8, $0xFFFFF086  }
0x1c: {  	p1 =	slt.u32 s9, $0xF7A;
	s5 =	simm.s32 @!p2 $0x0  }
0x1d: {  	s5 =	simm.s32 @p1 $0x1;
	p0 =	seq.s32 s7, s2  }
0x1e: {  	s7 =	smul.u32 @!p0 $0xF7A, s2;
	p2 =	seq.s32 @!p0 s5, $0x0  }
0x1f: {  	s9 =	smul.u32 $0xF7A, s1;
	s8 =	simm.s32 @!p0 $0x1BF5;
	p2 =	por !p2, p0  }
0x20: {  	[sflag:s8] =	ssyncset.s32 @!p0 $0xFFFFF086;
	s6 =	sadd.s32 @!p0 s3, s7;
	s7 =	simm.s32 @!p0 $0x108  }
0x21: {  	s3 =	sadd.s32 s3, s9;
	s6 =	sadd.s32 @!p0 $0x88, s6;
	s7 =	simm.s32 @p2 $0x1082  }
0x22: {  	[simem:s7], [sflag:s8] =	dma.local @!p0 [hbm:s6], $0xF7A  }
0x23: {  	s9 =	sor.u32 $0xD0000000, s2;
	s6 =	simm.s32 $0x108;
	_ =	swait.ge @!p0 [sflag:s8], $0x0  }
0x24: {  	s3 =	sadd.s32 $0x88, s3;
	s6 =	simm.s32 @!p1 $0x1082;
	[sflag:s4] =	ssyncset.s32 $0xFFFFF086  }
0x25: {  	[simem:s6], [sflag:s4] =	dma.local [hbm:s3], $0xF7A  }
0x26: {  	[smem:$0x3F98] =	sst s1;
	(tag) =	ssettag s2;
	_ =	strace s9  }
0x27: {  	s1 =	sld [smem:$0x3FA8]  }
0x28: {  	s2 =	sld [smem:$0x3FA9]  }
0x29: {  	s4 =	sld [smem:$0x3FAB]  }
0x2a: {  	p0 =	seq.s32 s5, $0x0;
	s5 =	sld [smem:$0x3FAC]  }
0x2b: {  	s6 =	sld [smem:$0x3FAD]  }
0x2c: {  	s7 =	sld [smem:$0x3FAE]  }
0x2d: {  	s3 =	simm.s32 $0x108;
	s8 =	sld [smem:$0x3FAF]  }
0x2e: {  	s3 =	simm.s32 @!p0 $0x1082;
	s9 =	sld [smem:$0x3FB0]  }
0x2f: {  	lr =	sadd.s32 s0, s3;
	s0 =	sld [smem:$0x3FA7]  }
0x30: {  	s3 =	sld [smem:$0x3FAA]  }
0x31: {  	[smem:$0x3FB3] =	sst s10  }
0x32: {  	s10 =	sld [smem:$0x3FB1];
	_ =	sdelay $0x3  }
0x33: {  	p0 =	seq.s32 s10, $0x1;
	s10 =	sld [smem:$0x3FB3];
	_ =	sdelay $0x3  }
0x34: {  	[smem:$0x3FB3] =	sst s10  }
0x35: {  	s10 =	sld [smem:$0x3FB2];
	_ =	sdelay $0x3  }
0x36: {  	p1 =	seq.s32 s10, $0x1;
	s10 =	sld [smem:$0x3FB3];
	_ =	sdelay $0x3  }
0x37: {  	[smem:$0x3FB3] =	sst s10  }
0x38: {  	s10 =	sld [smem:$0x3FB4]  }
0x39: {  	_ = 	snop;
	(pc) =	sbr.ind lr, $3  }
0x3a: {  	_ = 	snop  }
0x3b: {  	_ = 	snop  }
0x3c: {  	p2 =	seq.s32 s10, $0x1;
	s10 =	sld [smem:$0x3FB3]  }
0x3d: {  	_ =	shalt  }
0x3e: {  	_ =	shalt  }
0x3f: {  	_ =	shalt  }
0x40: {  	_ =	shalt  }
0x41: {  	_ =	shalt  }
0x42: {  	_ =	shalt  }
0x43: {  	_ =	shalt  }
0x44: {  	_ =	shalt  }
0x45: {  	_ =	shalt  }
0x46: {  	_ =	shalt  }
0x47: {  	_ =	shalt  }
0x48: {  	_ =	shalt  }
0x49: {  	_ =	shalt  }
0x4a: {  	_ =	shalt  }
0x4b: {  	_ =	shalt  }
0x4c: {  	_ =	shalt  }
0x4d: {  	_ =	shalt  }
0x4e: {  	_ =	shalt  }
0x4f: {  	_ =	shalt  }
0x50: {  	_ =	shalt  }
0x51: {  	_ =	shalt  }
0x52: {  	_ =	shalt  }
0x53: {  	_ =	shalt  }
0x54: {  	_ =	shalt  }
0x55: {  	_ =	shalt  }
0x56: {  	_ =	shalt  }
0x57: {  	_ =	shalt  }
0x58: {  	_ =	shalt  }
0x59: {  	_ =	shalt  }
0x5a: {  	_ =	shalt  }
0x5b: {  	_ =	shalt  }
0x5c: {  	_ =	shalt  }
0x5d: {  	_ =	shalt  }
0x5e: {  	_ =	shalt  }
0x5f: {  	_ =	shalt  }
0x60: {  	_ =	shalt  }
0x61: {  	_ =	shalt  }
0x62: {  	_ =	shalt  }
0x63: {  	_ =	shalt  }
0x64: {  	_ =	shalt  }
0x65: {  	_ =	shalt  }
0x66: {  	_ =	shalt  }
0x67: {  	_ =	shalt  }
0x68: {  	_ =	shalt  }
0x69: {  	_ =	shalt  }
0x6a: {  	_ =	shalt  }
0x6b: {  	_ =	shalt  }
0x6c: {  	_ =	shalt  }
0x6d: {  	_ =	shalt  }
0x6e: {  	_ =	shalt  }
0x6f: {  	_ =	shalt  }
0x70: {  	_ =	shalt  }
0x71: {  	_ =	shalt  }
0x72: {  	_ =	shalt  }
0x73: {  	_ =	shalt  }
0x74: {  	_ =	shalt  }
0x75: {  	_ =	shalt  }
0x76: {  	_ =	shalt  }
0x77: {  	_ =	shalt  }
0x78: {  	_ =	shalt  }
0x79: {  	_ =	shalt  }
0x7a: {  	_ =	shalt  }
0x7b: {  	_ =	shalt  }
0x7c: {  	_ =	shalt  }
0x7d: {  	_ =	shalt  }
0x7e: {  	_ =	shalt  }
0x7f: {  	_ =	shalt  }
0x80: {  	_ =	shalt  }
0x81: {  	_ =	shalt  }
0x82: {  	_ =	shalt  }
0x83: {  	_ =	shalt  }
0x84: {  	_ =	shalt  }
0x85: {  	_ =	shalt  }
0x86: {  	_ =	shalt  }
0x87: {  	_ =	shalt  }
.Lfunc_end0:
.L_simem_size_0:
called_computation.3_lowered:
.L_overlay_start_0:
0x88: {  	s2 =	sld [smem:$0x3FD9]  }
0x89: {  	s3 =	sld [smem:$0x3FFE];
	_ =	sdelay $0x1  }
0x8a: {  	s1 =	srdreg.scid  }
0x8b: {  	s0 =	sand.u32 $0x1, s1  }
0x8c: {  	s14 =	sshll.u32 s0, $0xA;
	s2 =	sadd.s32 s3, s2  }
0x8d: {  	s2 =	sadd.s32 s2, s14  }
0x8e: {  	[smem:$0x3FBF] =	sst s2  }
0x8f: {  	_ = 	snop  }
0x90: {  	s2 =	sld [smem:$0x3FD0];
	_ =	sdelay $0x2  }
0x91: {  	s15 =	simm.s32 $0xA;
	s4 =	simm.s32 $0x10  }
0x92: {  	[smem:s4], [sflag:s15] =	dma.local [hbm:s2], $0x1  }
0x93: {  	_ =	swait.eq [sflag:s15], $0x1  }
0x94: {  	[sflag:s15] =	ssyncset.done $0x0  }
0x95: {  	[sflag:s15] =	ssyncadd.s32 $0xFFFFFFFF  }
0x96: {  	s16 =	sld [smem:$0x12];
	(tm) =	ssettm $0x1  }
0x97: {  	s17 =	sld [smem:$0x3FFB];
	_ =	sdelay $0x3  }
0x98: {  	_ =	strace s17  }
0x99: {  	s3 =	sld [smem:$0x3FFC];
	_ =	sdelay $0x3  }
0x9a: {  	_ =	strace s3  }
0x9b: {  	s3 =	sld [smem:$0x3FFD];
	_ =	sdelay $0x3  }
0x9c: {  	_ =	strace s3  }
0x9d: {  	_ =	strace $0x8FFFFFFF  }
0x9e: {  	s18 =	sld [smem:$0x3FDB];
	_ =	sdelay $0x1  }
0x9f: {  	s19 =	simm.s32 $_scs_section_size  }
0xa0: {  	s5 =	simm.s32 $_size__tile_overlayer_lowered;
	s6 =	simm.s32 $_tile_overlayer_lowered  }
0xa1: {  	s22 =	simm.s32 $0x1BFF;
	s21 =	sshll.u32 s6, $0x1;
	s3 =	sadd.s32 s19, s18  }
0xa2: {  	s7 =	simm.s32 $0x0;
	s20 =	sshll.u32 s5, $0x1;
	s5 =	sadd.s32 s21, s3  }
0xa3: {  	[timem:s7], [sflag:s22] =	dma.local [hbm:s5], s20  }
0xa4: {  	_ =	swait.ge [sflag:s22], s20  }
0xa5: {  	s4 =	ssub.s32 $0x0, s20;
	[sflag:s22] =	ssyncset.done $0x0  }
0xa6: {  	[sflag:s22] =	ssyncadd.s32 s4;
	_ =	sdelay $0x1  }
0xa7: {  	s23 =	simm.s32 $0x1B8B  }
0xa8: {  	_ =	swait.ge [sflag:s23], $0x1  }
0xa9: {  	[sflag:s23] =	ssyncset.done $0x0  }
0xaa: {  	s25 =	simm.s32 $0x1B8E;
	s24 =	sld [smem:$0x3FFE];
	[sflag:s23] =	ssyncadd.s32 $0xFFFFFFFF  }
0xab: {  	s26 =	simm.s32 $execute0_lowered;
	[smem:$0x3FD2] =	sst s25  }
0xac: {  	s5 =	sshll.u32 s26, $0x1;
	_ =	strace $0x8000004F;
	[dreg:$0x1] =	wrdreg $0xFFFFFFFF  }
0xad: {  	s28 =	simm.s32 $_size_execute0_lowered;
	s3 =	sadd.s32 s3, s5;
	[dreg:$0x0] =	wrdreg $0x0  }
0xae: {  	s5 =	sshll.u32 s28, $0x1;
	[dreg:$0x2] =	wrdreg s3  }
0xaf: {  	[dreg:$0x3] =	wrdreg s5  }
0xb0: {  	[dreg:$0x4] =	wrdreg $0xC0  }
0xb1: {  	_ =	task [dreg:s7], $0x5FFFF  }
0xb2: {  	[dreg:$0x1] =	wrdreg $0xFFFFFFFF  }
0xb3: {  	[dreg:$0x0] =	wrdreg $0x60  }
0xb4: {  	[dreg:$0x2] =	wrdreg s24  }
0xb5: {  	[dreg:$0x3] =	wrdreg s16  }
0xb6: {  	[dreg:$0x4] =	wrdreg $0x9  }
0xb7: {  	_ =	task.clear_ibuf [dreg:s7], $0x5FFFF;
	_ =	strace $0x9000004F  }
0xb8: {  	s29 =	simm.s32 $0x9;
	_ =	strace $0x80000051  }
0xb9: {  	_ =	swait.ge [sflag:s29], $0x1  }
0xba: {  	[sflag:s29] =	ssyncadd.s32 $0xFFFFFFFF  }
0xbb: {  	_ =	strace $0x90000051  }
0xbc: {  	_ =	sfence  }
0xbd: {  	s30 =	sld [smem:$0x0];
	_ =	sdelay $0x2  }
0xbe: {  	s31 =	sshll.u32 s1, $0xD;
	s1 =	sshrl.u32 s1, $0x2  }
0xbf: {  	s3 =	sand.u32 $0x4000, s31;
	s1 =	sadd.s32 s1, s30  }
0xc0: {  	s0 =	sor.u32 s3, s0;
	s1 =	sshll.u32 s1, $0x11  }
0xc1: {  	s0 =	sor.u32 s1, s0  }
0xc2: {  	s0 =	sadd.s32 $0x8F2B, s0  }
0xc3: {  	[sflag:s0] =	ssyncadd.remote.s32 $0x1  }
0xc4: {  	_ =	sfence.sel $0xFFFF  }
0xc5: {  	[dreg:$0x0] =	wrdreg $0xFFFFFFFF;
	(pc) =	sbr.abs _section_cstart, $3  }
0xc6: {  	[dreg:$0x1] =	wrdreg $0xFFFFFFFF  }
0xc7: {  	_ =	task.clear_ibuf [dreg:s7], $0x2FFFF;
	_ =	strace $0x9FFFFFFF  }
0xc8: {  	(tm) =	ssettm $0x7FFFFFFF  }
0xc9: {  	_ =	shalt  }
tec
execute0_lowered:
.L_overlay_start_1:
0x0: {  	(tag) =	ssettag $0x1  }
0x1: {  	s0 =	rddreg [dreg:$0x0]  }
0x2: {  	s7 =	rddreg [dreg:$0x1];
	s1 =	srdreg.scid  }
0x3: {  	s2 =	stileid.u32;
	s3 =	simm.s32 $0x0;
	s8 =	simm.s32 $0x18900  }
0x4: {  	s9 =	simm.s32 $0x400;
	s10 =	simm.s32 $0x3;
	s19 =	simm.s32 $0x1  }
0x5: {  	s1 =	sand.u32 $0x1, s1;
	s4 =	smul.u32 $0x13C00, s2;
	[smem:$0x7FF] =	sst s3  }
0x6: {  	s26 =	sadd.s32 $0x16600, s0;
	s28 =	sadd.s32 $0x190, s7;
	s5 =	sshll.u32 s1, $0x9  }
0x7: {  	_ =	strace $0x80000050;
	s1 =	ssub.s32 $0x2, s1;
	[dreg:$0x3] =	wrdreg s26  }
0x8: {  	[dreg:$0x5] =	wrdreg s28;
	s5 =	sor.u32 s5, s4;
	s6 =	sshrl.u32 s1, $0x1  }
0x9: {  	s4 =	sadd.s32 $0xC800, s0;
	s5 =	sshrl.u32 s5, $0x3;
	s1 =	ssub.s32 s1, s6  }
.Ltmp0:
0xa: {  	s5 =	sadd.s32 s5, s0;
	s0 =	sadd.s32 $0xC990, s0;
	(pc) =	sbr.rel .LBB2_1-.Ltmp0, $4  }
0xb: {  	s20 =	simm.s32 $0x9E00;
	s31 =	smax.u32 s1, $0x1;
	[dreg:$0x4] =	wrdreg s0  }
0xc: {  	s21 =	simm.s32 $0x2;
	s29 =	sadd.s32 $0x16C00, s5;
	[dreg:$0x8] =	wrdreg s31  }
0xd: {  	s11 =	simm.s32 $0x0;
	s30 =	sadd.s32 $0x3E400, s5;
	[dreg:$0x6] =	wrdreg s29  }
0xe: {  	s6 =	simm.s32 $0x17000;
	s1 =	simm.s32 $0x200;
	[dreg:$0x7] =	wrdreg s30  }
.LBB2_16:
0xf: {  	s0 =	rddreg [dreg:$0x7];
	s1 =	simm.s32 $0x200  }
0x10: {  	[hbm4b:s0+s1] =	stream.strided.scatter [tilespmem:s20], [sflag:$0x3], $0x9E00, s9, s1, $0x38;
	[tilespmem:$0x19580] =	vst v63  }
0x11: {  	_ =	swait.ge [sflag:s10], $0x9E00  }
0x12: {  	s11 =	sadd.s32 $0x1, s11;
	s31 =	rddreg [dreg:$0x8]  }
0x13: {  	p0 =	sne.s32 s11, s31  }
.Ltmp1:
0x14: {  	_ = 	snop;
	(pc) =	sbr.rel @!p0 .LBB2_17-.Ltmp1, $3  }
0x15: {  	_ =	sdelay $0x1  }
0x16: {  	[sflag:s10] =	ssyncset.done $0x0  }
0x17: {  	[sflag:s10] =	ssyncadd.s32 $0xFFFF6200  }
.LBB2_1:
0x18: {  	s0 =	simm.s32 $0x16380  }
0x19: {  	[tilespmem:s0], [sflag:$0x1] =	stream.linear.gather [hbm4b:s4+s3], $0xC80, $0x38;
	[tilespmem:$0x19580] =	vst v63  }
0x1a: {  	[dreg:$0x9] =	wrdreg s11;
	s12 =	simm.s32 $0x17C80  }
0x1b: {  	[tilespmem:s12], [sflag:$0x1] =	stream.linear.gather [hbm4b:s7+s3], $0xC80, $0x38;
	[tilespmem:$0x19580] =	vst v63  }
0x1c: {  	s13 =	rddreg [dreg:$0x4]  }
0x1d: {  	[tilespmem:s6], [sflag:$0x2] =	stream.linear.gather [hbm4b:s13+s3], $0xC80, $0x38;
	[tilespmem:$0x19580] =	vst v63  }
0x1e: {  	s14 =	rddreg [dreg:$0x5]  }
0x1f: {  	[tilespmem:s8], [sflag:$0x2] =	stream.linear.gather [hbm4b:s14+s3], $0xC80, $0x38;
	[tilespmem:$0x19580] =	vst v63  }
0x20: {  	s15 =	rddreg [dreg:$0x6]  }
0x21: {  	[tilespmem:s3], [sflag:$0x3] =	stream.strided.gather [hbm4b:s15+s1], $0x9E00, s9, s1, $0x38;
	[tilespmem:$0x19580] =	vst v63  }
0x22: {  	_ =	swait.ge [sflag:s10], $0x9E00  }
0x23: {  	[sflag:s10] =	ssyncset.done $0x0  }
0x24: {  	s17 =	simm.s32 $0x13C00;
	s16 =	rddreg [dreg:$0x3];
	[sflag:s10] =	ssyncadd.s32 $0xFFFF6200  }
0x25: {  	[tilespmem:s17], [sflag:$0x3] =	stream.linear.gather [hbm4b:s16+s3], $0x2780, $0x38;
	[tilespmem:$0x19580] =	vst v63  }
0x26: {  	_ =	swait.ge [sflag:s10], $0x2780  }
0x27: {  	s18 =	simm.s32 $0x0;
	[sflag:s10] =	ssyncset.done $0x0  }
0x28: {  	s5 =	simm.s32 $0x40;
	s22 =	simm.s32 $0x100;
	[sflag:s10] =	ssyncadd.s32 $0xFFFFD880  }
0x29: {  	s23 =	sand.u32 $0x70, s5;
	s24 =	sand.u32 $0x1FE00, s22;
	v0 =	vld [tilespmem:s18+$0x13C00]  }
0x2a: {  	s25 =	simm.s32 $0x10;
	s26 =	simm.s32 $0x20;
	s1 =	sor.u32 s23, s24;
	v6 =	vld [tilespmem:s18+$0x13C40]  }
0x2b: {  	s28 =	simm.s32 $0x80;
	s29 =	simm.s32 $0x30;
	s30 =	sand.u32 $0x70, s3;
	v7 =	vld [tilespmem:s1+$0x0]  }
0x2c: {  	s0 =	simm.s32 $0x0;
	s5 =	sand.u32 $0x1FE00, s5;
	s12 =	simm.s32 $0xC0;
	v1 =	vld [tilespmem:s18+$0x13C10]  }
0x2d: {  	s7 =	sand.u32 $0x70, s26;
	s31 =	sand.u32 $0x1FE00, s12;
	s8 =	sand.u32 $0x70, s25;
	v2 =	vld [tilespmem:s18+$0x13C20]  }
0x2e: {  	s5 =	sor.u32 s8, s5;
	s9 =	sand.u32 $0x1FE00, s28;
	s15 =	sand.u32 $0xFE00, s3;
	v3 =	vld [tilespmem:s18+$0x13C30]  }
0x2f: {  	s11 =	sor.u32 s30, s15;
	s15 =	sor.u32 s7, s9;
	s16 =	sand.u32 $0x70, s29;
	v4 =	vld [tilespmem:s5+$0x0]  }
0x30: {  	s6 =	simm.s32 $0x140;
	s7 =	simm.s32 $0x0;
	s12 =	sor.u32 s16, s31;
	v5 =	vld [tilespmem:s15+$0x0];
	v6 =	vmul.f32 v6, v7  }
.LBB2_2:
0x31: {  	s8 =	sshra.s32 s6, $0x2  }
0x32: {  	s9 =	sadd.s32 $0x40, s6;
	v7 =	vld [tilespmem:s12+$0x0];
	s7 =	sadd.s32 $0x50, s7;
	s18 =	sadd.s32 $0x100, s6  }
0x33: {  	s0 =	sadd.s32 $0x5, s0;
	s25 =	sadd.s32 $0xC0, s6;
	s16 =	sadd.s32 $0x40, s7;
	v8 =	vld [tilespmem:s11+$0x0];
	[tilespmem:s1+$0x9E00] =	vst v6  }
0x34: {  	p0 =	slt.u32 s0, $0x26C;
	v6 =	vld [tilespmem:s8+$0x13C00];
	s1 =	sand.u32 $0x70, s16;
	s16 =	sand.u32 $0x1FE00, s18  }
0x35: {  	s23 =	sadd.s32 $0x20, s7;
	s18 =	sadd.s32 $0x10, s7;
	s1 =	sor.u32 s1, s16;
	v9 =	vld [tilespmem:s8+$0x13C40];
	v4 =	vmul.f32 v1, v4  }
0x36: {  	s24 =	sadd.s32 $0x30, s7;
	s9 =	sand.u32 $0x1FE00, s9;
	s16 =	sadd.s32 $0x80, s6;
	v10 =	vld [tilespmem:s1+$0x0];
	v5 =	vmul.f32 v2, v5  }
.Ltmp2:
0x37: {  	s23 =	sand.u32 $0x70, s23;
	s18 =	sand.u32 $0x70, s18;
	v1 =	vld [tilespmem:s8+$0x13C10];
	[tilespmem:s5+$0x9E00] =	vst v4;
	v4 =	vmul.f32 v3, v7;
	(pc) =	sbr.rel @p0 .LBB2_2-.Ltmp2, $4  }
0x38: {  	s25 =	sand.u32 $0x1FE00, s25;
	s24 =	sand.u32 $0x70, s24;
	s16 =	sand.u32 $0x1FE00, s16;
	v2 =	vld [tilespmem:s8+$0x13C20];
	v7 =	vmul.f32 v0, v8;
	[tilespmem:s15+$0x9E00] =	vst v5  }
0x39: {  	s28 =	sand.u32 $0xFE00, s6;
	s26 =	sand.u32 $0x70, s7;
	s5 =	sor.u32 s18, s9;
	v3 =	vld [tilespmem:s8+$0x13C30];
	[tilespmem:s12+$0x9E00] =	vst v4;
	v0 =	vmov v6  }
0x3a: {  	s15 =	sor.u32 s23, s16;
	s12 =	sor.u32 s24, s25;
	v4 =	vld [tilespmem:s5+$0x0];
	[tilespmem:s11+$0x9E00] =	vst v7;
	s11 =	sor.u32 s26, s28  }
0x3b: {  	s6 =	sadd.s32 $0x140, s6;
	s24 =	simm.s32 $0x0;
	v5 =	vld [tilespmem:s15+$0x0];
	v6 =	vmul.f32 v9, v10  }
0x3c: {  	v7 =	vld [tilespmem:s12+$0x0]  }
0x3d: {  	v8 =	vld [tilespmem:s11+$0x0];
	_ =	sdelay $0x1  }
0x3e: {  	v1 =	vmul.f32 v1, v4  }
0x3f: {  	[tilespmem:s1+$0x9E00] =	vst v6;
	v2 =	vmul.f32 v2, v5  }
0x40: {  	[tilespmem:s5+$0x9E00] =	vst v1;
	v1 =	vmul.f32 v3, v7  }
0x41: {  	v0 =	vmul.f32 v0, v8;
	[tilespmem:s15+$0x9E00] =	vst v2  }
0x42: {  	s0 =	simm.s32 $0x40;
	[tilespmem:s12+$0x9E00] =	vst v1  }
0x43: {  	s23 =	simm.s32 $0x0;
	s18 =	simm.s32 $0x100;
	s2 =	sand.u32 $0x70, s0;
	[tilespmem:s11+$0x9E00] =	vst v0  }
0x44: {  	s22 =	sand.u32 $0x1FE00, s18;
	v0 =	vld [tilespmem:s23+$0x13C00];
	[dreg:$0xa] =	wrdreg s2  }
0x45: {  	s25 =	simm.s32 $0x10;
	[dreg:$0xb] =	wrdreg s22  }
0x46: {  	s26 =	simm.s32 $0x20;
	s6 =	simm.s32 $0x80;
	s15 =	sor.u32 s22, s2;
	v6 =	vld [tilespmem:s23+$0x13C40]  }
0x47: {  	s7 =	simm.s32 $0x30;
	s8 =	simm.s32 $0xC0;
	s9 =	simm.s32 $0x0;
	v7 =	vld [tilespmem:s15+$0x80]  }
0x48: {  	s18 =	simm.s32 $0x0;
	s29 =	sand.u32 $0x70, s25;
	s0 =	sand.u32 $0x1FE00, s0;
	v1 =	vld [tilespmem:s23+$0x13C10]  }
0x49: {  	s28 =	sand.u32 $0x70, s26;
	s30 =	sand.u32 $0x1FE00, s6;
	s31 =	sand.u32 $0x70, s7;
	v2 =	vld [tilespmem:s23+$0x13C20]  }
0x4a: {  	s1 =	sand.u32 $0x70, s24;
	s6 =	sor.u32 s0, s29;
	s7 =	sor.u32 s30, s28;
	v3 =	vld [tilespmem:s23+$0x13C30]  }
0x4b: {  	s11 =	sand.u32 $0xFE00, s24;
	s12 =	sand.u32 $0x1FE00, s8;
	v4 =	vld [tilespmem:s6+$0x80];
	[dreg:$0xc] =	wrdreg s28  }
0x4c: {  	s8 =	simm.s32 $0x140;
	s16 =	sor.u32 s11, s1;
	s5 =	sor.u32 s12, s31;
	v5 =	vld [tilespmem:s7+$0x80];
	v6 =	vmul.f32 v6, v7  }
.LBB2_4:
0x4d: {  	s10 =	sshra.s32 s8, $0x2  }
0x4e: {  	s17 =	sadd.s32 $0x40, s8;
	v7 =	vld [tilespmem:s5+$0x80];
	s9 =	sadd.s32 $0x50, s9;
	s13 =	sadd.s32 $0x100, s8  }
0x4f: {  	s18 =	sadd.s32 $0x5, s18;
	s25 =	sadd.s32 $0xC0, s8;
	s22 =	sadd.s32 $0x40, s9;
	v8 =	vld [tilespmem:s16+$0x80];
	[tilespmem:s15+$0x9E80] =	vst v6  }
0x50: {  	s13 =	sand.u32 $0x1FE00, s13;
	p0 =	slt.u32 s18, $0x26C;
	v6 =	vld [tilespmem:s10+$0x13C00];
	s15 =	sand.u32 $0x70, s22  }
0x51: {  	s14 =	sadd.s32 $0x20, s9;
	s22 =	sadd.s32 $0x10, s9;
	s15 =	sor.u32 s13, s15;
	v9 =	vld [tilespmem:s10+$0x13C40];
	v4 =	vmul.f32 v1, v4  }
0x52: {  	s2 =	sadd.s32 $0x30, s9;
	s17 =	sand.u32 $0x1FE00, s17;
	s13 =	sadd.s32 $0x80, s8;
	v10 =	vld [tilespmem:s15+$0x80];
	v5 =	vmul.f32 v2, v5  }
.Ltmp3:
0x53: {  	s14 =	sand.u32 $0x70, s14;
	s22 =	sand.u32 $0x70, s22;
	v1 =	vld [tilespmem:s10+$0x13C10];
	[tilespmem:s6+$0x9E80] =	vst v4;
	v4 =	vmul.f32 v3, v7;
	(pc) =	sbr.rel @p0 .LBB2_4-.Ltmp3, $4  }
0x54: {  	s25 =	sand.u32 $0x1FE00, s25;
	s2 =	sand.u32 $0x70, s2;
	s13 =	sand.u32 $0x1FE00, s13;
	v2 =	vld [tilespmem:s10+$0x13C20];
	v7 =	vmul.f32 v0, v8;
	[tilespmem:s7+$0x9E80] =	vst v5  }
0x55: {  	s28 =	sand.u32 $0xFE00, s8;
	s26 =	sand.u32 $0x70, s9;
	s6 =	sor.u32 s17, s22;
	v3 =	vld [tilespmem:s10+$0x13C30];
	[tilespmem:s5+$0x9E80] =	vst v4;
	v0 =	vmov v6  }
0x56: {  	s7 =	sor.u32 s13, s14;
	s5 =	sor.u32 s25, s2;
	v4 =	vld [tilespmem:s6+$0x80];
	[tilespmem:s16+$0x9E80] =	vst v7;
	s16 =	sor.u32 s28, s26  }
0x57: {  	s8 =	sadd.s32 $0x140, s8;
	v5 =	vld [tilespmem:s7+$0x80];
	v6 =	vmul.f32 v9, v10  }
0x58: {  	v7 =	vld [tilespmem:s5+$0x80]  }
0x59: {  	v8 =	vld [tilespmem:s16+$0x80];
	_ =	sdelay $0x1  }
0x5a: {  	v1 =	vmul.f32 v1, v4  }
0x5b: {  	[tilespmem:s15+$0x9E80] =	vst v6;
	v2 =	vmul.f32 v2, v5  }
0x5c: {  	[tilespmem:s6+$0x9E80] =	vst v1;
	v1 =	vmul.f32 v3, v7  }
0x5d: {  	v0 =	vmul.f32 v0, v8;
	[tilespmem:s7+$0x9E80] =	vst v2  }
0x5e: {  	[tilespmem:s5+$0x9E80] =	vst v1  }
0x5f: {  	[tilespmem:s16+$0x9E80] =	vst v0  }
0x60: {  	s2 =	rddreg [dreg:$0xa]  }
0x61: {  	v0 =	vld [tilespmem:s23+$0x13C00];
	s5 =	rddreg [dreg:$0xb]  }
0x62: {  	v6 =	vld [tilespmem:s23+$0x13C40];
	s15 =	sor.u32 s5, s2  }
0x63: {  	v7 =	vld [tilespmem:s15+$0x100]  }
0x64: {  	v2 =	vld [tilespmem:s23+$0x13C10]  }
0x65: {  	v1 =	vld [tilespmem:s23+$0x13C20]  }
0x66: {  	s6 =	sor.u32 s0, s29;
	v3 =	vld [tilespmem:s23+$0x13C30];
	s29 =	rddreg [dreg:$0xc]  }
0x67: {  	s0 =	sor.u32 s11, s1;
	v4 =	vld [tilespmem:s6+$0x100];
	s16 =	sor.u32 s30, s29  }
0x68: {  	s1 =	sor.u32 s12, s31;
	s7 =	simm.s32 $0x140;
	s5 =	simm.s32 $0x0;
	v5 =	vld [tilespmem:s16+$0x100];
	v6 =	vmul.f32 v6, v7  }
.LBB2_6:
0x69: {  	s2 =	sshra.s32 s7, $0x2  }
0x6a: {  	s8 =	sadd.s32 $0x40, s7;
	v7 =	vld [tilespmem:s1+$0x100];
	s24 =	sadd.s32 $0x50, s24;
	s10 =	sadd.s32 $0x100, s7  }
0x6b: {  	s5 =	sadd.s32 $0x5, s5;
	s13 =	sadd.s32 $0xC0, s7;
	s9 =	sadd.s32 $0x40, s24;
	v8 =	vld [tilespmem:s0+$0x100];
	[tilespmem:s15+$0x9F00] =	vst v6  }
0x6c: {  	s10 =	sand.u32 $0x1FE00, s10;
	p0 =	slt.u32 s5, $0x26C;
	v6 =	vld [tilespmem:s2+$0x13C00];
	s9 =	sand.u32 $0x70, s9  }
0x6d: {  	s11 =	sadd.s32 $0x10, s24;
	s12 =	sadd.s32 $0x20, s24;
	s15 =	sor.u32 s10, s9;
	v9 =	vld [tilespmem:s2+$0x13C40];
	v4 =	vmul.f32 v2, v4  }
0x6e: {  	s8 =	sand.u32 $0x1FE00, s8;
	s9 =	sadd.s32 $0x80, s7;
	s10 =	sadd.s32 $0x30, s24;
	v10 =	vld [tilespmem:s15+$0x100];
	v5 =	vmul.f32 v1, v5  }
.Ltmp4:
0x6f: {  	s11 =	sand.u32 $0x70, s11;
	s12 =	sand.u32 $0x70, s12;
	v2 =	vld [tilespmem:s2+$0x13C10];
	[tilespmem:s6+$0x9F00] =	vst v4;
	v4 =	vmul.f32 v3, v7;
	(pc) =	sbr.rel @p0 .LBB2_6-.Ltmp4, $4  }
0x70: {  	s13 =	sand.u32 $0x1FE00, s13;
	s9 =	sand.u32 $0x1FE00, s9;
	s10 =	sand.u32 $0x70, s10;
	v1 =	vld [tilespmem:s2+$0x13C20];
	v7 =	vmul.f32 v0, v8;
	[tilespmem:s16+$0x9F00] =	vst v5  }
0x71: {  	s17 =	sand.u32 $0xFE00, s7;
	s14 =	sand.u32 $0x70, s24;
	s6 =	sor.u32 s8, s11;
	v3 =	vld [tilespmem:s2+$0x13C30];
	[tilespmem:s1+$0x9F00] =	vst v4;
	v0 =	vmov v6  }
0x72: {  	s16 =	sor.u32 s9, s12;
	s1 =	sor.u32 s13, s10;
	v4 =	vld [tilespmem:s6+$0x100];
	[tilespmem:s0+$0x9F00] =	vst v7;
	s0 =	sor.u32 s17, s14  }
0x73: {  	s23 =	simm.s32 $0x0;
	s7 =	sadd.s32 $0x140, s7;
	v5 =	vld [tilespmem:s16+$0x100];
	v6 =	vmul.f32 v9, v10  }
0x74: {  	v7 =	vld [tilespmem:s1+$0x100]  }
0x75: {  	v8 =	vld [tilespmem:s0+$0x100];
	_ =	sdelay $0x1  }
0x76: {  	v2 =	vmul.f32 v2, v4  }
0x77: {  	[tilespmem:s15+$0x9F00] =	vst v6;
	v1 =	vmul.f32 v1, v5  }
0x78: {  	[tilespmem:s6+$0x9F00] =	vst v2;
	v2 =	vmul.f32 v3, v7  }
0x79: {  	v0 =	vmul.f32 v0, v8;
	[tilespmem:s16+$0x9F00] =	vst v1  }
0x7a: {  	[tilespmem:s1+$0x9F00] =	vst v2  }
0x7b: {  	s2 =	simm.s32 $0x0;
	s5 =	simm.s32 $0x40;
	s26 =	simm.s32 $0x100;
	[tilespmem:s0+$0x9F00] =	vst v0  }
0x7c: {  	s28 =	sand.u32 $0x70, s5;
	s29 =	sand.u32 $0x1FE00, s26;
	v0 =	vld [tilespmem:s2+$0x13C00]  }
0x7d: {  	s7 =	simm.s32 $0x10;
	s30 =	simm.s32 $0x20;
	s1 =	sor.u32 s29, s28;
	v6 =	vld [tilespmem:s2+$0x13C40]  }
0x7e: {  	s8 =	simm.s32 $0x80;
	s9 =	simm.s32 $0x30;
	s10 =	simm.s32 $0xC0;
	v7 =	vld [tilespmem:s1+$0x180]  }
0x7f: {  	s11 =	sand.u32 $0x70, s23;
	s13 =	sand.u32 $0xFE00, s23;
	s7 =	sand.u32 $0x70, s7;
	v1 =	vld [tilespmem:s2+$0x13C10]  }
0x80: {  	s5 =	sand.u32 $0x1FE00, s5;
	s12 =	sand.u32 $0x70, s30;
	s8 =	sand.u32 $0x1FE00, s8;
	v2 =	vld [tilespmem:s2+$0x13C20]  }
0x81: {  	s9 =	sand.u32 $0x70, s9;
	s31 =	sand.u32 $0x1FE00, s10;
	s6 =	sor.u32 s5, s7;
	v3 =	vld [tilespmem:s2+$0x13C30]  }
0x82: {  	s11 =	sor.u32 s13, s11;
	s7 =	sor.u32 s8, s12;
	s5 =	sor.u32 s31, s9;
	v4 =	vld [tilespmem:s6+$0x180]  }
0x83: {  	s8 =	simm.s32 $0x140;
	s9 =	simm.s32 $0x0;
	s0 =	simm.s32 $0x0;
	v5 =	vld [tilespmem:s7+$0x180];
	v6 =	vmul.f32 v6, v7  }
.LBB2_8:
0x84: {  	s2 =	sshra.s32 s8, $0x2  }
0x85: {  	s10 =	sadd.s32 $0x40, s8;
	v7 =	vld [tilespmem:s5+$0x180];
	s9 =	sadd.s32 $0x50, s9;
	s13 =	sadd.s32 $0x100, s8  }
0x86: {  	s0 =	sadd.s32 $0x5, s0;
	s16 =	sadd.s32 $0xC0, s8;
	s12 =	sadd.s32 $0x40, s9;
	v8 =	vld [tilespmem:s11+$0x180];
	[tilespmem:s1+$0x9F80] =	vst v6  }
0x87: {  	p0 =	slt.u32 s0, $0x26C;
	v6 =	vld [tilespmem:s2+$0x13C00];
	s1 =	sand.u32 $0x70, s12;
	s12 =	sand.u32 $0x1FE00, s13  }
0x88: {  	s14 =	sadd.s32 $0x20, s9;
	s13 =	sadd.s32 $0x10, s9;
	s1 =	sor.u32 s12, s1;
	v9 =	vld [tilespmem:s2+$0x13C40];
	v4 =	vmul.f32 v1, v4  }
0x89: {  	s15 =	sadd.s32 $0x30, s9;
	s10 =	sand.u32 $0x1FE00, s10;
	s12 =	sadd.s32 $0x80, s8;
	v10 =	vld [tilespmem:s1+$0x180];
	v5 =	vmul.f32 v2, v5  }
.Ltmp5:
0x8a: {  	s14 =	sand.u32 $0x70, s14;
	s13 =	sand.u32 $0x70, s13;
	v1 =	vld [tilespmem:s2+$0x13C10];
	[tilespmem:s6+$0x9F80] =	vst v4;
	v4 =	vmul.f32 v3, v7;
	(pc) =	sbr.rel @p0 .LBB2_8-.Ltmp5, $4  }
0x8b: {  	s16 =	sand.u32 $0x1FE00, s16;
	s15 =	sand.u32 $0x70, s15;
	s12 =	sand.u32 $0x1FE00, s12;
	v2 =	vld [tilespmem:s2+$0x13C20];
	v7 =	vmul.f32 v0, v8;
	[tilespmem:s7+$0x9F80] =	vst v5  }
0x8c: {  	s18 =	sand.u32 $0xFE00, s8;
	s17 =	sand.u32 $0x70, s9;
	s6 =	sor.u32 s10, s13;
	v3 =	vld [tilespmem:s2+$0x13C30];
	[tilespmem:s5+$0x9F80] =	vst v4;
	v0 =	vmov v6  }
0x8d: {  	s7 =	sor.u32 s12, s14;
	s5 =	sor.u32 s16, s15;
	v4 =	vld [tilespmem:s6+$0x180];
	[tilespmem:s11+$0x9F80] =	vst v7;
	s11 =	sor.u32 s18, s17  }
0x8e: {  	s8 =	sadd.s32 $0x140, s8;
	v5 =	vld [tilespmem:s7+$0x180];
	v6 =	vmul.f32 v9, v10  }
0x8f: {  	v7 =	vld [tilespmem:s5+$0x180]  }
0x90: {  	v8 =	vld [tilespmem:s11+$0x180];
	_ =	sdelay $0x1  }
0x91: {  	v1 =	vmul.f32 v1, v4  }
0x92: {  	[tilespmem:s1+$0x9F80] =	vst v6;
	v2 =	vmul.f32 v2, v5  }
0x93: {  	[tilespmem:s6+$0x9F80] =	vst v1;
	v63 =	vmul.f32 v3, v7  }
0x94: {  	v0 =	vmul.f32 v0, v8;
	[tilespmem:s7+$0x9F80] =	vst v2  }
0x95: {  	[tilespmem:s5+$0x9F80] =	vst v63  }
0x96: {  	s8 =	simm.s32 $0x18900;
	s9 =	simm.s32 $0x400;
	s7 =	rddreg [dreg:$0x1];
	[tilespmem:s11+$0x9F80] =	vst v0  }
0x97: {  	s10 =	simm.s32 $0x3;
	s6 =	simm.s32 $0x17000;
	s11 =	rddreg [dreg:$0x9]  }
.LBB2_10:
0x98: {  	_ =	swait.ge [sflag:s19], $0xC80  }
0x99: {  	[sflag:s19] =	ssyncset.done $0x0  }
0x9a: {  	[sflag:s19] =	ssyncadd.s32 $0xFFFFF380  }
0x9b: {  	_ =	swait.ge [sflag:s19], $0xC80  }
0x9c: {  	[sflag:s19] =	ssyncset.done $0x0  }
0x9d: {  	s0 =	simm.s32 $0x163C0;
	[sflag:s19] =	ssyncadd.s32 $0xFFFFF380  }
0x9e: {  	v0 =	vld [tilespmem:s0+$0x30]  }
0x9f: {  	v4 =	vld [tilespmem:s0+$0xFFFFFFD0]  }
0xa0: {  	v15 =	vld [tilespmem:s0+$0xFFFFFFF0]  }
0xa1: {  	v16 =	vld [tilespmem:s0+$0x0]  }
0xa2: {  	v17 =	vld [tilespmem:s0+$0x10]  }
0xa3: {  	v19 =	vld [tilespmem:s0+$0x20]  }
0xa4: {  	v21 =	vld [tilespmem:s0+$0xFFFFFFC0]  }
0xa5: {  	v14 =	vld [tilespmem:s0+$0xFFFFFFE0];
	_ =	sdelay $0x1  }
0xa6: {  	v1 =	vshra.s32 v0, $0x10;
	v20 =	vshll.u32 v4, $0x2;
	v8 =	vshra.s32 v15, $0x10  }
0xa7: {  	v9 =	vshra.s32 v16, $0x10;
	v11 =	vshra.s32 v17, $0x10;
	v24 =	vshra.s32 v19, $0x10  }
0xa8: {  	v7 =	vshll.u32 v0, $0x2;
	v13 =	vshra.s32 v21, $0x10;
	v0 =	vand.u32 $0x7F, v0  }
0xa9: {  	v53 =	vshll.u32 v14, $0x2;
	v56 =	vshll.u32 v16, $0x2;
	v16 =	vand.u32 $0x7F, v16  }
0xaa: {  	v2 =	vshll.u32 v1, $0x2;
	v1 =	vand.u32 $0x7F, v1;
	v6 =	vshll.u32 v8, $0x2  }
0xab: {  	v10 =	vshll.u32 v9, $0x2;
	v7 =	vand.u32 $0x3FE00, v7;
	v27 =	vshll.u32 v13, $0x2  }
0xac: {  	v13 =	vand.u32 $0x7F, v13;
	v29 =	vshll.u32 v24, $0x2;
	v47 =	vand.u32 $0x7F, v8  }
0xad: {  	v48 =	vand.u32 $0x7F, v9;
	v20 =	vand.u32 $0x3FE00, v20;
	v2 =	vand.u32 $0xFFFFFE00, v2  }
0xae: {  	s24 =	simm.s32 $0x17CC0;
	v26 =	vand.u32 $0xFFFFFE00, v6;
	v28 =	vor.u32 v0, v7;
	v7 =	vand.u32 $0xFFFFFE00, v27  }
0xaf: {  	v25 =	vld [tilespmem:s24+$0x30];
	v10 =	vand.u32 $0xFFFFFE00, v10;
	v49 =	vand.u32 $0xFFFFFE00, v29;
	v29 =	vand.u32 $0x3FE00, v53  }
0xb0: {  	v6 =	vld [tilespmem:s24+$0xFFFFFFD0];
	v18 =	vor.u32 v1, v2;
	v1 =	vshra.s32 v4, $0x10;
	v2 =	vshra.s32 v14, $0x10  }
0xb1: {  	v0 =	vld [tilespmem:s24+$0xFFFFFFE0];
	v13 =	vor.u32 v13, v7;
	v9 =	vor.u32 v47, v26;
	v10 =	vor.u32 v48, v10  }
0xb2: {  	v4 =	vand.u32 $0x7F, v4;
	v3 =	vshll.u32 v1, $0x2;
	v30 =	vand.u32 $0x7F, v1;
	v1 =	vld [tilespmem:s24+$0xFFFFFFF0]  }
0xb3: {  	v14 =	vand.u32 $0x7F, v14;
	v5 =	vshll.u32 v2, $0x2;
	v31 =	vand.u32 $0x7F, v2;
	v2 =	vld [tilespmem:s24+$0x0]  }
0xb4: {  	v20 =	vor.u32 v4, v20;
	v4 =	vand.u32 $0x3FE00, v56;
	v12 =	vand.u32 $0xFFFFFE00, v5;
	v5 =	vld [tilespmem:s24+$0xFFFFFFC0]  }
0xb5: {  	v14 =	vor.u32 v14, v29;
	v3 =	vand.u32 $0xFFFFFE00, v3;
	v29 =	vor.u32 v16, v4;
	v4 =	vld [tilespmem:s24+$0x20]  }
0xb6: {  	v23 =	vshll.u32 v11, $0x2;
	v7 =	vor.u32 v30, v3;
	v3 =	vld [tilespmem:s24+$0x10]  }
0xb7: {  	v11 =	vand.u32 $0x7F, v11;
	v8 =	vor.u32 v31, v12;
	v12 =	vand.u32 $0xFFFFFE00, v23;
	v22 =	vld.idx.msk [tilespmem:v18+s3+$0x0], $0xffff  }
0xb8: {  	v11 =	vor.u32 v11, v12;
	v52 =	vld.idx.msk [tilespmem:v13+s3+$0x0], $0xffff  }
0xb9: {  	v51 =	vshll.u32 v21, $0x2;
	v36 =	vshll.u32 v19, $0x2;
	v34 =	vld.idx.msk [tilespmem:v9+s3+$0x0], $0xffff  }
0xba: {  	v21 =	vand.u32 $0x7F, v21;
	v24 =	vand.u32 $0x7F, v24;
	v46 =	vor.u32 $0x80, v18;
	v37 =	vld.idx.msk [tilespmem:v10+s3+$0x0], $0xffff  }
0xbb: {  	v19 =	vand.u32 $0x7F, v19;
	v26 =	vand.u32 $0x3FE00, v51;
	v12 =	vor.u32 v24, v49;
	v55 =	vld.idx.msk [tilespmem:v7+s3+$0x0], $0xffff  }
0xbc: {  	v21 =	vor.u32 v21, v26;
	v16 =	vand.u32 $0x3FE00, v36;
	v32 =	vld.idx.msk [tilespmem:v8+s3+$0x0], $0xffff;
	v22 =	vmul.f32 v22, v25  }
0xbd: {  	v19 =	vor.u32 v19, v16;
	v16 =	vor.u32 $0x80, v13;
	v38 =	vld.idx.msk [tilespmem:v11+s3+$0x0], $0xffff  }
0xbe: {  	[tilespmem:v28+s20+$0x0] =	vst.idx.add.f32.msk $0xffff, v22  }
0xbf: {  	v59 =	vmul.f32 v52, v5;
	v50 =	vld.idx.msk [tilespmem:v46+s3+$0x0], $0xffff  }
0xc0: {  	v54 =	vshll.u32 v15, $0x2;
	v57 =	vshll.u32 v17, $0x2;
	v58 =	vld.idx.msk [tilespmem:v12+s3+$0x0], $0xffff  }
0xc1: {  	v17 =	vand.u32 $0x7F, v17;
	v33 =	vor.u32 $0x80, v28;
	[tilespmem:v21+s20+$0x0] =	vst.idx.add.f32.msk $0xffff, v59;
	v24 =	vmul.f32 v55, v6  }
0xc2: {  	v60 =	vand.u32 $0x3FE00, v57;
	v35 =	vor.u32 $0x100, v18;
	v61 =	vmul.f32 v32, v0;
	v16 =	vld.idx.msk [tilespmem:v16+s3+$0x0], $0xffff  }
0xc3: {  	v15 =	vand.u32 $0x7F, v15;
	v17 =	vor.u32 v17, v60;
	v32 =	vmul.f32 v37, v2;
	[tilespmem:v20+s20+$0x0] =	vst.idx.add.f32.msk $0xffff, v24  }
0xc4: {  	v39 =	vor.u32 $0x80, v11;
	v22 =	vand.u32 $0x3FE00, v54;
	[tilespmem:v14+s20+$0x0] =	vst.idx.add.f32.msk $0xffff, v61;
	v23 =	vmul.f32 v50, v25  }
0xc5: {  	v22 =	vor.u32 v15, v22;
	[tilespmem:v29+s20+$0x0] =	vst.idx.add.f32.msk $0xffff, v32  }
0xc6: {  	v63 =	vmul.f32 v34, v1;
	v37 =	vor.u32 $0x80, v10;
	v34 =	vmul.f32 v38, v3;
	[tilespmem:v33+s20+$0x0] =	vst.idx.add.f32.msk $0xffff, v23  }
0xc7: {  	v41 =	vor.u32 $0x80, v21;
	v15 =	vld.idx.msk [tilespmem:v35+s3+$0x0], $0xffff  }
0xc8: {  	[tilespmem:v17+s20+$0x0] =	vst.idx.add.f32.msk $0xffff, v34;
	v33 =	vor.u32 $0x80, v7  }
0xc9: {  	v62 =	vor.u32 $0x100, v28;
	v44 =	vld.idx.msk [tilespmem:v39+s3+$0x0], $0xffff  }
0xca: {  	v18 =	vor.u32 $0x180, v18;
	[tilespmem:v22+s20+$0x0] =	vst.idx.add.f32.msk $0xffff, v63;
	v16 =	vmul.f32 v16, v5  }
0xcb: {  	v27 =	vld.idx.msk [tilespmem:v37+s3+$0x0], $0xffff  }
0xcc: {  	v40 =	vor.u32 $0x80, v12;
	[tilespmem:v41+s20+$0x0] =	vst.idx.add.f32.msk $0xffff, v16;
	v15 =	vmul.f32 v15, v25  }
0xcd: {  	v46 =	vor.u32 $0x100, v13;
	v24 =	vld.idx.msk [tilespmem:v33+s3+$0x0], $0xffff  }
0xce: {  	v35 =	vmul.f32 v58, v4;
	[tilespmem:v62+s20+$0x0] =	vst.idx.add.f32.msk $0xffff, v15;
	v15 =	vor.u32 $0x80, v8  }
0xcf: {  	v36 =	vor.u32 $0x80, v9;
	v18 =	vld.idx.msk [tilespmem:v18+s3+$0x0], $0xffff  }
0xd0: {  	v42 =	vor.u32 $0x80, v20;
	[tilespmem:v19+s20+$0x0] =	vst.idx.add.f32.msk $0xffff, v35  }
0xd1: {  	v38 =	vor.u32 $0x180, v28;
	v30 =	vld.idx.msk [tilespmem:v40+s3+$0x0], $0xffff  }
0xd2: {  	v49 =	vor.u32 $0x100, v7;
	v51 =	vld.idx.msk [tilespmem:v46+s3+$0x0], $0xffff  }
0xd3: {  	v48 =	vor.u32 $0x80, v19;
	v24 =	vmul.f32 v24, v6;
	v15 =	vld.idx.msk [tilespmem:v15+s3+$0x0], $0xffff  }
0xd4: {  	v55 =	vor.u32 $0x100, v21;
	v26 =	vld.idx.msk [tilespmem:v36+s3+$0x0], $0xffff;
	v18 =	vmul.f32 v18, v25  }
0xd5: {  	v43 =	vor.u32 $0x80, v14;
	[tilespmem:v42+s20+$0x0] =	vst.idx.add.f32.msk $0xffff, v24  }
0xd6: {  	v52 =	vmul.f32 v30, v4;
	[tilespmem:v38+s20+$0x0] =	vst.idx.add.f32.msk $0xffff, v18;
	v18 =	vor.u32 $0x80, v22  }
0xd7: {  	v13 =	vor.u32 $0x180, v13;
	v24 =	vmul.f32 v51, v5;
	v54 =	vld.idx.msk [tilespmem:v49+s3+$0x0], $0xffff  }
0xd8: {  	v45 =	vor.u32 $0x80, v29;
	[tilespmem:v48+s20+$0x0] =	vst.idx.add.f32.msk $0xffff, v52;
	v15 =	vmul.f32 v15, v0  }
0xd9: {  	v56 =	vor.u32 $0x100, v20;
	v47 =	vmul.f32 v26, v1;
	[tilespmem:v55+s20+$0x0] =	vst.idx.add.f32.msk $0xffff, v24  }
0xda: {  	v16 =	vor.u32 $0x80, v17;
	[tilespmem:v43+s20+$0x0] =	vst.idx.add.f32.msk $0xffff, v15  }
0xdb: {  	v15 =	vmul.f32 v27, v2;
	[tilespmem:v18+s20+$0x0] =	vst.idx.add.f32.msk $0xffff, v47;
	v18 =	vor.u32 $0x100, v8  }
0xdc: {  	v50 =	vor.u32 $0x100, v9;
	v26 =	vld.idx.msk [tilespmem:v13+s3+$0x0], $0xffff;
	v60 =	vmul.f32 v54, v6  }
0xdd: {  	v53 =	vor.u32 $0x100, v10;
	[tilespmem:v45+s20+$0x0] =	vst.idx.add.f32.msk $0xffff, v15;
	v15 =	vmul.f32 v44, v3  }
0xde: {  	v7 =	vor.u32 $0x180, v7;
	[tilespmem:v56+s20+$0x0] =	vst.idx.add.f32.msk $0xffff, v60  }
0xdf: {  	[tilespmem:v16+s20+$0x0] =	vst.idx.add.f32.msk $0xffff, v15;
	v16 =	vor.u32 $0x100, v12  }
0xe0: {  	v15 =	vor.u32 $0x100, v11;
	v18 =	vld.idx.msk [tilespmem:v18+s3+$0x0], $0xffff  }
0xe1: {  	v21 =	vor.u32 $0x180, v21;
	v23 =	vld.idx.msk [tilespmem:v50+s3+$0x0], $0xffff  }
0xe2: {  	v57 =	vor.u32 $0x100, v14;
	v28 =	vld.idx.msk [tilespmem:v53+s3+$0x0], $0xffff  }
0xe3: {  	v58 =	vor.u32 $0x100, v22;
	v62 =	vld.idx.msk [tilespmem:v7+s3+$0x0], $0xffff  }
0xe4: {  	v59 =	vor.u32 $0x100, v29;
	v63 =	vmul.f32 v26, v5;
	v16 =	vld.idx.msk [tilespmem:v16+s3+$0x0], $0xffff  }
0xe5: {  	v8 =	vor.u32 $0x180, v8;
	v15 =	vld.idx.msk [tilespmem:v15+s3+$0x0], $0xffff;
	v13 =	vmul.f32 v18, v0  }
0xe6: {  	[tilespmem:v21+s20+$0x0] =	vst.idx.add.f32.msk $0xffff, v63;
	v23 =	vmul.f32 v23, v1;
	v18 =	vor.u32 $0x100, v19  }
0xe7: {  	v61 =	vor.u32 $0x100, v17;
	[tilespmem:v57+s20+$0x0] =	vst.idx.add.f32.msk $0xffff, v13;
	v13 =	vmul.f32 v28, v2  }
0xe8: {  	v9 =	vor.u32 $0x180, v9;
	[tilespmem:v58+s20+$0x0] =	vst.idx.add.f32.msk $0xffff, v23  }
0xe9: {  	v10 =	vor.u32 $0x180, v10;
	[tilespmem:v59+s20+$0x0] =	vst.idx.add.f32.msk $0xffff, v13;
	v13 =	vmul.f32 v16, v4  }
0xea: {  	v11 =	vor.u32 $0x180, v11;
	v15 =	vmul.f32 v15, v3;
	v16 =	vld.idx.msk [tilespmem:v8+s3+$0x0], $0xffff  }
0xeb: {  	[tilespmem:v18+s20+$0x0] =	vst.idx.add.f32.msk $0xffff, v13;
	v18 =	vor.u32 $0x180, v12  }
0xec: {  	[tilespmem:v61+s20+$0x0] =	vst.idx.add.f32.msk $0xffff, v15  }
0xed: {  	v15 =	vld.idx.msk [tilespmem:v9+s3+$0x0], $0xffff  }
0xee: {  	v5 =	vor.u32 $0x180, v19;
	v12 =	vld.idx.msk [tilespmem:v10+s3+$0x0], $0xffff  }
0xef: {  	v6 =	vmul.f32 v62, v6;
	v8 =	vor.u32 $0x180, v17;
	v9 =	vor.u32 $0x180, v29;
	v7 =	vld.idx.msk [tilespmem:v11+s3+$0x0], $0xffff  }
0xf0: {  	s25 =	simm.s32 $0x0;
	s26 =	simm.s32 $0x16440;
	v13 =	vor.u32 $0x180, v20;
	v11 =	vor.u32 $0x180, v14;
	v10 =	vor.u32 $0x180, v22;
	v14 =	vld.idx.msk [tilespmem:v18+s3+$0x0], $0xffff  }
.LBB2_11:
0xf1: {  	v17 =	vld [tilespmem:s26+$0x30];
	s25 =	sadd.s32 $0x8, s25;
	v0 =	vmul.f32 v16, v0  }
0xf2: {  	v1 =	vmul.f32 v15, v1;
	v16 =	vld [tilespmem:s26+$0xFFFFFFD0];
	p0 =	slt.u32 s25, $0xC0  }
0xf3: {  	v2 =	vmul.f32 v12, v2;
	v15 =	vld [tilespmem:s26+$0xFFFFFFE0]  }
0xf4: {  	v3 =	vmul.f32 v7, v3;
	v18 =	vld [tilespmem:s26+$0xFFFFFFF0]  }
0xf5: {  	v12 =	vmul.f32 v14, v4;
	v19 =	vld [tilespmem:s26+$0x0]  }
0xf6: {  	v4 =	vld [tilespmem:s26+$0x10];
	v7 =	vshra.s32 v17, $0x10  }
0xf7: {  	v20 =	vshra.s32 v16, $0x10;
	v21 =	vshll.u32 v16, $0x2;
	v22 =	vld [tilespmem:s26+$0x20];
	v14 =	vshll.u32 v7, $0x2  }
0xf8: {  	v7 =	vand.u32 $0x7F, v7;
	v23 =	vld [tilespmem:s26+$0xFFFFFFC0];
	v24 =	vshra.s32 v15, $0x10;
	v14 =	vand.u32 $0xFFFFFE00, v14  }
0xf9: {  	v25 =	vshll.u32 v20, $0x2;
	v26 =	vshra.s32 v18, $0x10;
	v14 =	vor.u32 v7, v14;
	[tilespmem:v13+s20+$0x0] =	vst.idx.add.f32.msk $0xffff, v6  }
0xfa: {  	v6 =	vshll.u32 v24, $0x2;
	v7 =	vshll.u32 v26, $0x2;
	v13 =	vshra.s32 v19, $0x10;
	[tilespmem:v11+s20+$0x0] =	vst.idx.add.f32.msk $0xffff, v0  }
0xfb: {  	v11 =	vand.u32 $0xFFFFFE00, v25;
	v0 =	vshll.u32 v13, $0x2;
	v25 =	vshra.s32 v4, $0x10;
	[tilespmem:v10+s20+$0x0] =	vst.idx.add.f32.msk $0xffff, v1  }
0xfc: {  	v27 =	vand.u32 $0xFFFFFE00, v6;
	v1 =	vshll.u32 v25, $0x2;
	v28 =	vshra.s32 v22, $0x10;
	[tilespmem:v9+s20+$0x0] =	vst.idx.add.f32.msk $0xffff, v2  }
0xfd: {  	v29 =	vand.u32 $0xFFFFFE00, v7;
	v2 =	vshra.s32 v23, $0x10;
	v6 =	vshll.u32 v28, $0x2;
	[tilespmem:v8+s20+$0x0] =	vst.idx.add.f32.msk $0xffff, v3  }
0xfe: {  	s24 =	sadd.s32 $0x80, s24;
	v30 =	vand.u32 $0xFFFFFE00, v0;
	v31 =	vand.u32 $0xFFFFFE00, v1;
	v3 =	vshll.u32 v2, $0x2;
	v32 =	vld.idx.msk [tilespmem:v14+s3+$0x0], $0xffff  }
0xff: {  	v0 =	vshll.u32 v17, $0x2;
	v33 =	vand.u32 $0xFFFFFE00, v6;
	v1 =	vand.u32 $0xFFFFFE00, v3;
	v8 =	vld [tilespmem:s24+$0x30]  }
0x100: {  	v0 =	vand.u32 $0x3FE00, v0;
	v2 =	vand.u32 $0x7F, v2;
	v3 =	vand.u32 $0x7F, v17;
	v7 =	vld [tilespmem:s24+$0xFFFFFFC0]  }
0x101: {  	v17 =	vand.u32 $0x7F, v20;
	v20 =	vand.u32 $0x7F, v24;
	v9 =	vor.u32 v3, v0;
	v6 =	vld [tilespmem:s24+$0xFFFFFFD0]  }
0x102: {  	v13 =	vand.u32 $0x7F, v13;
	v24 =	vor.u32 $0x80, v14;
	v3 =	vand.u32 $0x7F, v26;
	v0 =	vld [tilespmem:s24+$0xFFFFFFE0]  }
0x103: {  	v25 =	vand.u32 $0x7F, v25;
	v10 =	vor.u32 v2, v1;
	v26 =	vand.u32 $0x7F, v28;
	v1 =	vld [tilespmem:s24+$0xFFFFFFF0]  }
0x104: {  	v17 =	vor.u32 v17, v11;
	v11 =	vor.u32 v20, v27;
	v2 =	vld [tilespmem:s24+$0x0];
	v20 =	vmul.f32 v32, v8  }
0x105: {  	v13 =	vor.u32 v13, v30;
	v25 =	vor.u32 v25, v31;
	v27 =	vor.u32 v3, v29;
	v3 =	vld [tilespmem:s24+$0x10]  }
0x106: {  	v28 =	vshll.u32 v23, $0x2;
	v29 =	vshll.u32 v15, $0x2;
	v26 =	vor.u32 v26, v33;
	[tilespmem:v9+s20+$0x0] =	vst.idx.add.f32.msk $0xffff, v20  }
0x107: {  	v30 =	vshll.u32 v19, $0x2;
	v31 =	vshll.u32 v4, $0x2;
	v20 =	vshll.u32 v18, $0x2;
	v24 =	vld.idx.msk [tilespmem:v24+s3+$0x0], $0xffff  }
0x108: {  	v21 =	vand.u32 $0x3FE00, v21;
	v28 =	vand.u32 $0x3FE00, v28;
	v33 =	vshll.u32 v22, $0x2;
	v32 =	vld.idx.msk [tilespmem:v10+s3+$0x0], $0xffff  }
0x109: {  	v30 =	vand.u32 $0x3FE00, v30;
	v29 =	vand.u32 $0x3FE00, v29;
	v20 =	vand.u32 $0x3FE00, v20;
	v34 =	vld.idx.msk [tilespmem:v17+s3+$0x0], $0xffff  }
0x10a: {  	v31 =	vand.u32 $0x3FE00, v31;
	v36 =	vor.u32 $0x80, v9;
	v33 =	vand.u32 $0x3FE00, v33;
	v35 =	vld.idx.msk [tilespmem:v11+s3+$0x0], $0xffff  }
0x10b: {  	v16 =	vand.u32 $0x7F, v16;
	v38 =	vor.u32 $0x100, v14;
	v23 =	vand.u32 $0x7F, v23;
	v37 =	vld.idx.msk [tilespmem:v27+s3+$0x0], $0xffff  }
0x10c: {  	v19 =	vand.u32 $0x7F, v19;
	v15 =	vand.u32 $0x7F, v15;
	v18 =	vand.u32 $0x7F, v18;
	v39 =	vld.idx.msk [tilespmem:v13+s3+$0x0], $0xffff  }
0x10d: {  	v4 =	vand.u32 $0x7F, v4;
	v22 =	vand.u32 $0x7F, v22;
	v24 =	vmul.f32 v24, v8;
	v40 =	vld.idx.msk [tilespmem:v25+s3+$0x0], $0xffff  }
0x10e: {  	v16 =	vor.u32 v16, v21;
	v23 =	vor.u32 v23, v28;
	v32 =	vmul.f32 v32, v7;
	v21 =	vld.idx.msk [tilespmem:v26+s3+$0x0], $0xffff  }
0x10f: {  	v28 =	vor.u32 $0x80, v10;
	v15 =	vor.u32 v15, v29;
	v34 =	vmul.f32 v34, v6;
	[tilespmem:v36+s20+$0x0] =	vst.idx.add.f32.msk $0xffff, v24  }
0x110: {  	v19 =	vor.u32 v19, v30;
	v18 =	vor.u32 v18, v20;
	v24 =	vmul.f32 v35, v0;
	v20 =	vld.idx.msk [tilespmem:v38+s3+$0x0], $0xffff  }
0x111: {  	v30 =	vor.u32 v4, v31;
	v22 =	vor.u32 v22, v33;
	v29 =	vmul.f32 v37, v1;
	v4 =	vld [tilespmem:s24+$0x20]  }
0x112: {  	v31 =	vor.u32 $0x80, v17;
	v33 =	vor.u32 $0x80, v11;
	v35 =	vmul.f32 v39, v2;
	[tilespmem:v5+s20+$0x0] =	vst.idx.add.f32.msk $0xffff, v12  }
0x113: {  	v5 =	vor.u32 $0x80, v27;
	v12 =	vmul.f32 v40, v3;
	[tilespmem:v23+s20+$0x0] =	vst.idx.add.f32.msk $0xffff, v32;
	v32 =	vor.u32 $0x100, v9  }
0x114: {  	v14 =	vor.u32 $0x180, v14;
	v36 =	vor.u32 $0x80, v25;
	[tilespmem:v16+s20+$0x0] =	vst.idx.add.f32.msk $0xffff, v34;
	v34 =	vor.u32 $0x80, v13  }
0x115: {  	v37 =	vor.u32 $0x80, v23;
	v38 =	vor.u32 $0x80, v16;
	[tilespmem:v15+s20+$0x0] =	vst.idx.add.f32.msk $0xffff, v24;
	v24 =	vor.u32 $0x80, v26  }
0x116: {  	v39 =	vor.u32 $0x80, v15;
	v20 =	vmul.f32 v20, v8;
	[tilespmem:v18+s20+$0x0] =	vst.idx.add.f32.msk $0xffff, v29;
	v21 =	vmul.f32 v21, v4  }
0x117: {  	v40 =	vor.u32 $0x80, v30;
	v29 =	vor.u32 $0x80, v18;
	[tilespmem:v19+s20+$0x0] =	vst.idx.add.f32.msk $0xffff, v35;
	v35 =	vor.u32 $0x80, v19  }
0x118: {  	v41 =	vor.u32 $0x100, v10;
	v42 =	vor.u32 $0x100, v17;
	v43 =	vor.u32 $0x80, v22;
	[tilespmem:v32+s20+$0x0] =	vst.idx.add.f32.msk $0xffff, v20  }
0x119: {  	v44 =	vor.u32 $0x100, v13;
	v20 =	vor.u32 $0x100, v11;
	v32 =	vor.u32 $0x100, v27;
	v14 =	vld.idx.msk [tilespmem:v14+s3+$0x0], $0xffff  }
0x11a: {  	v46 =	vor.u32 $0x100, v26;
	v45 =	vor.u32 $0x100, v23;
	[tilespmem:v30+s20+$0x0] =	vst.idx.add.f32.msk $0xffff, v12;
	v12 =	vor.u32 $0x100, v25  }
0x11b: {  	v47 =	vor.u32 $0x100, v16;
	v48 =	vor.u32 $0x100, v15;
	v49 =	vor.u32 $0x100, v18;
	[tilespmem:v22+s20+$0x0] =	vst.idx.add.f32.msk $0xffff, v21  }
0x11c: {  	v50 =	vor.u32 $0x100, v30;
	v51 =	vor.u32 $0x180, v9;
	v21 =	vld.idx.msk [tilespmem:v28+s3+$0x0], $0xffff;
	v28 =	vor.u32 $0x100, v19  }
0x11d: {  	v52 =	vor.u32 $0x180, v10;
	v53 =	vor.u32 $0x100, v22;
	v17 =	vor.u32 $0x180, v17;
	v31 =	vld.idx.msk [tilespmem:v31+s3+$0x0], $0xffff  }
0x11e: {  	v55 =	vor.u32 $0x180, v13;
	v54 =	vor.u32 $0x180, v11;
	v27 =	vor.u32 $0x180, v27;
	v33 =	vld.idx.msk [tilespmem:v33+s3+$0x0], $0xffff  }
0x11f: {  	v26 =	vor.u32 $0x180, v26;
	v25 =	vor.u32 $0x180, v25;
	v56 =	vld.idx.msk [tilespmem:v5+s3+$0x0], $0xffff;
	v5 =	vmul.f32 v14, v8  }
0x120: {  	v23 =	vor.u32 $0x180, v23;
	v13 =	vor.u32 $0x180, v16;
	v11 =	vor.u32 $0x180, v15;
	v14 =	vld.idx.msk [tilespmem:v34+s3+$0x0], $0xffff  }
0x121: {  	v10 =	vor.u32 $0x180, v18;
	v9 =	vor.u32 $0x180, v19;
	v8 =	vor.u32 $0x180, v30;
	[tilespmem:v51+s20+$0x0] =	vst.idx.add.f32.msk $0xffff, v5  }
0x122: {  	v15 =	vmul.f32 v21, v7;
	v5 =	vor.u32 $0x180, v22;
	v16 =	vld.idx.msk [tilespmem:v36+s3+$0x0], $0xffff  }
0x123: {  	v18 =	vmul.f32 v31, v6;
	v19 =	vld.idx.msk [tilespmem:v24+s3+$0x0], $0xffff  }
0x124: {  	[tilespmem:v37+s20+$0x0] =	vst.idx.add.f32.msk $0xffff, v15;
	v15 =	vmul.f32 v33, v0  }
0x125: {  	[tilespmem:v38+s20+$0x0] =	vst.idx.add.f32.msk $0xffff, v18;
	v18 =	vmul.f32 v56, v1  }
0x126: {  	v14 =	vmul.f32 v14, v2;
	[tilespmem:v39+s20+$0x0] =	vst.idx.add.f32.msk $0xffff, v15  }
0x127: {  	[tilespmem:v29+s20+$0x0] =	vst.idx.add.f32.msk $0xffff, v18  }
0x128: {  	[tilespmem:v35+s20+$0x0] =	vst.idx.add.f32.msk $0xffff, v14;
	v14 =	vmul.f32 v16, v3  }
0x129: {  	v16 =	vmul.f32 v19, v4;
	v15 =	vld.idx.msk [tilespmem:v41+s3+$0x0], $0xffff  }
0x12a: {  	[tilespmem:v40+s20+$0x0] =	vst.idx.add.f32.msk $0xffff, v14  }
0x12b: {  	[tilespmem:v43+s20+$0x0] =	vst.idx.add.f32.msk $0xffff, v16  }
0x12c: {  	v14 =	vld.idx.msk [tilespmem:v42+s3+$0x0], $0xffff  }
0x12d: {  	v16 =	vld.idx.msk [tilespmem:v20+s3+$0x0], $0xffff  }
0x12e: {  	v18 =	vld.idx.msk [tilespmem:v32+s3+$0x0], $0xffff  }
0x12f: {  	v15 =	vmul.f32 v15, v7;
	v19 =	vld.idx.msk [tilespmem:v44+s3+$0x0], $0xffff  }
0x130: {  	v12 =	vld.idx.msk [tilespmem:v12+s3+$0x0], $0xffff  }
0x131: {  	v20 =	vld.idx.msk [tilespmem:v46+s3+$0x0], $0xffff  }
0x132: {  	v14 =	vmul.f32 v14, v6;
	[tilespmem:v45+s20+$0x0] =	vst.idx.add.f32.msk $0xffff, v15  }
0x133: {  	v16 =	vmul.f32 v16, v0;
	v15 =	vld.idx.msk [tilespmem:v52+s3+$0x0], $0xffff  }
0x134: {  	[tilespmem:v47+s20+$0x0] =	vst.idx.add.f32.msk $0xffff, v14;
	v14 =	vmul.f32 v18, v1  }
0x135: {  	[tilespmem:v48+s20+$0x0] =	vst.idx.add.f32.msk $0xffff, v16;
	v16 =	vmul.f32 v19, v2  }
0x136: {  	v12 =	vmul.f32 v12, v3;
	[tilespmem:v49+s20+$0x0] =	vst.idx.add.f32.msk $0xffff, v14  }
0x137: {  	v14 =	vmul.f32 v20, v4;
	[tilespmem:v28+s20+$0x0] =	vst.idx.add.f32.msk $0xffff, v16  }
0x138: {  	[tilespmem:v50+s20+$0x0] =	vst.idx.add.f32.msk $0xffff, v12  }
0x139: {  	v18 =	vmul.f32 v15, v7;
	[tilespmem:v53+s20+$0x0] =	vst.idx.add.f32.msk $0xffff, v14  }
0x13a: {  	v17 =	vld.idx.msk [tilespmem:v17+s3+$0x0], $0xffff  }
0x13b: {  	v16 =	vld.idx.msk [tilespmem:v54+s3+$0x0], $0xffff  }
.Ltmp6:
0x13c: {  	v15 =	vld.idx.msk [tilespmem:v27+s3+$0x0], $0xffff;
	(pc) =	sbr.rel @p0 .LBB2_11-.Ltmp6, $4  }
0x13d: {  	v12 =	vld.idx.msk [tilespmem:v55+s3+$0x0], $0xffff  }
0x13e: {  	v7 =	vld.idx.msk [tilespmem:v25+s3+$0x0], $0xffff  }
0x13f: {  	v14 =	vld.idx.msk [tilespmem:v26+s3+$0x0], $0xffff  }
0x140: {  	s26 =	sadd.s32 $0x80, s26;
	v6 =	vmul.f32 v17, v6;
	[tilespmem:v23+s20+$0x0] =	vst.idx.add.f32.msk $0xffff, v18  }
0x141: {  	_ =	sdelay $0x2  }
0x142: {  	v0 =	vmul.f32 v16, v0  }
0x143: {  	v1 =	vmul.f32 v15, v1;
	p0 =	seq.s32 s23, $0x31;
	[tilespmem:v13+s20+$0x0] =	vst.idx.add.f32.msk $0xffff, v6  }
0x144: {  	v2 =	vmul.f32 v12, v2;
	s0 =	smul.u32 @!p0 $0x1900, s23;
	[tilespmem:v11+s20+$0x0] =	vst.idx.add.f32.msk $0xffff, v0  }
0x145: {  	v0 =	vmul.f32 v7, v3;
	[tilespmem:v10+s20+$0x0] =	vst.idx.add.f32.msk $0xffff, v1  }
0x146: {  	v1 =	vmul.f32 v14, v4;
	[tilespmem:v9+s20+$0x0] =	vst.idx.add.f32.msk $0xffff, v2;
	s0 =	sshrl.u32 @!p0 s0, $0x3  }
0x147: {  	[tilespmem:v8+s20+$0x0] =	vst.idx.add.f32.msk $0xffff, v0;
	s0 =	sadd.s32 @!p0 $0x320, s0  }
0x148: {  	s2 =	simm.s32 @!p0 $0x0;
	s5 =	simm.s32 @!p0 $0x16380;
	[tilespmem:v5+s20+$0x0] =	vst.idx.add.f32.msk $0xffff, v1;
	s1 =	sadd.s32 @!p0 s4, s0  }
0x149: {  	[tilespmem:s5], [sflag:$0x1] =	stream.linear.gather @!p0 [hbm4b:s1+s2], $0xC80, $0x38;
	[tilespmem:$0x19580] =	vst v63  }
0x14a: {  	s0 =	sadd.s32 @!p0 s7, s0;
	s1 =	simm.s32 @!p0 $0x17C80  }
0x14b: {  	[tilespmem:s1], [sflag:$0x1] =	stream.linear.gather @!p0 [hbm4b:s0+s2], $0xC80, $0x38;
	[tilespmem:$0x19580] =	vst v63  }
0x14c: {  	_ =	swait.ge [sflag:s21], $0xC80  }
0x14d: {  	[sflag:s21] =	ssyncset.done $0x0  }
0x14e: {  	[sflag:s21] =	ssyncadd.s32 $0xFFFFF380  }
0x14f: {  	_ =	swait.ge [sflag:s21], $0xC80  }
0x150: {  	[sflag:s21] =	ssyncset.done $0x0  }
0x151: {  	s31 =	simm.s32 $0x17040;
	[sflag:s21] =	ssyncadd.s32 $0xFFFFF380  }
0x152: {  	v0 =	vld [tilespmem:s31+$0x30]  }
0x153: {  	v4 =	vld [tilespmem:s31+$0xFFFFFFD0]  }
0x154: {  	v15 =	vld [tilespmem:s31+$0xFFFFFFF0]  }
0x155: {  	v16 =	vld [tilespmem:s31+$0x0]  }
0x156: {  	v17 =	vld [tilespmem:s31+$0x10]  }
0x157: {  	v19 =	vld [tilespmem:s31+$0x20]  }
0x158: {  	v21 =	vld [tilespmem:s31+$0xFFFFFFC0]  }
0x159: {  	v14 =	vld [tilespmem:s31+$0xFFFFFFE0];
	_ =	sdelay $0x1  }
0x15a: {  	v1 =	vshra.s32 v0, $0x10;
	v20 =	vshll.u32 v4, $0x2;
	v8 =	vshra.s32 v15, $0x10  }
0x15b: {  	v9 =	vshra.s32 v16, $0x10;
	v11 =	vshra.s32 v17, $0x10;
	v24 =	vshra.s32 v19, $0x10  }
0x15c: {  	v7 =	vshll.u32 v0, $0x2;
	v13 =	vshra.s32 v21, $0x10;
	v0 =	vand.u32 $0x7F, v0  }
0x15d: {  	v53 =	vshll.u32 v14, $0x2;
	v56 =	vshll.u32 v16, $0x2;
	v16 =	vand.u32 $0x7F, v16  }
0x15e: {  	v2 =	vshll.u32 v1, $0x2;
	v1 =	vand.u32 $0x7F, v1;
	v6 =	vshll.u32 v8, $0x2  }
0x15f: {  	v10 =	vshll.u32 v9, $0x2;
	v7 =	vand.u32 $0x3FE00, v7;
	v27 =	vshll.u32 v13, $0x2  }
0x160: {  	v13 =	vand.u32 $0x7F, v13;
	v29 =	vshll.u32 v24, $0x2;
	v47 =	vand.u32 $0x7F, v8  }
0x161: {  	v48 =	vand.u32 $0x7F, v9;
	v20 =	vand.u32 $0x3FE00, v20;
	v2 =	vand.u32 $0xFFFFFE00, v2  }
0x162: {  	s24 =	simm.s32 $0x18940;
	v26 =	vand.u32 $0xFFFFFE00, v6;
	v28 =	vor.u32 v0, v7;
	v7 =	vand.u32 $0xFFFFFE00, v27  }
0x163: {  	v25 =	vld [tilespmem:s24+$0x30];
	v10 =	vand.u32 $0xFFFFFE00, v10;
	v49 =	vand.u32 $0xFFFFFE00, v29;
	v29 =	vand.u32 $0x3FE00, v53  }
0x164: {  	v6 =	vld [tilespmem:s24+$0xFFFFFFD0];
	v18 =	vor.u32 v1, v2;
	v1 =	vshra.s32 v4, $0x10;
	v2 =	vshra.s32 v14, $0x10  }
0x165: {  	v0 =	vld [tilespmem:s24+$0xFFFFFFE0];
	v13 =	vor.u32 v13, v7;
	v9 =	vor.u32 v47, v26;
	v10 =	vor.u32 v48, v10  }
0x166: {  	v4 =	vand.u32 $0x7F, v4;
	v3 =	vshll.u32 v1, $0x2;
	v30 =	vand.u32 $0x7F, v1;
	v1 =	vld [tilespmem:s24+$0xFFFFFFF0]  }
0x167: {  	v14 =	vand.u32 $0x7F, v14;
	v5 =	vshll.u32 v2, $0x2;
	v31 =	vand.u32 $0x7F, v2;
	v2 =	vld [tilespmem:s24+$0x0]  }
0x168: {  	v20 =	vor.u32 v4, v20;
	v4 =	vand.u32 $0x3FE00, v56;
	v12 =	vand.u32 $0xFFFFFE00, v5;
	v5 =	vld [tilespmem:s24+$0xFFFFFFC0]  }
0x169: {  	v14 =	vor.u32 v14, v29;
	v3 =	vand.u32 $0xFFFFFE00, v3;
	v29 =	vor.u32 v16, v4;
	v4 =	vld [tilespmem:s24+$0x20]  }
0x16a: {  	v23 =	vshll.u32 v11, $0x2;
	v7 =	vor.u32 v30, v3;
	v3 =	vld [tilespmem:s24+$0x10]  }
0x16b: {  	v11 =	vand.u32 $0x7F, v11;
	v8 =	vor.u32 v31, v12;
	v12 =	vand.u32 $0xFFFFFE00, v23;
	v22 =	vld.idx.msk [tilespmem:v18+s3+$0x0], $0xffff  }
0x16c: {  	v11 =	vor.u32 v11, v12;
	v52 =	vld.idx.msk [tilespmem:v13+s3+$0x0], $0xffff  }
0x16d: {  	v51 =	vshll.u32 v21, $0x2;
	v36 =	vshll.u32 v19, $0x2;
	v34 =	vld.idx.msk [tilespmem:v9+s3+$0x0], $0xffff  }
0x16e: {  	v21 =	vand.u32 $0x7F, v21;
	v24 =	vand.u32 $0x7F, v24;
	v46 =	vor.u32 $0x80, v18;
	v37 =	vld.idx.msk [tilespmem:v10+s3+$0x0], $0xffff  }
0x16f: {  	v19 =	vand.u32 $0x7F, v19;
	v26 =	vand.u32 $0x3FE00, v51;
	v12 =	vor.u32 v24, v49;
	v55 =	vld.idx.msk [tilespmem:v7+s3+$0x0], $0xffff  }
0x170: {  	v21 =	vor.u32 v21, v26;
	v16 =	vand.u32 $0x3FE00, v36;
	v32 =	vld.idx.msk [tilespmem:v8+s3+$0x0], $0xffff;
	v22 =	vmul.f32 v22, v25  }
0x171: {  	v19 =	vor.u32 v19, v16;
	v16 =	vor.u32 $0x80, v13;
	v38 =	vld.idx.msk [tilespmem:v11+s3+$0x0], $0xffff  }
0x172: {  	[tilespmem:v28+s20+$0x0] =	vst.idx.add.f32.msk $0xffff, v22  }
0x173: {  	v59 =	vmul.f32 v52, v5;
	v50 =	vld.idx.msk [tilespmem:v46+s3+$0x0], $0xffff  }
0x174: {  	v54 =	vshll.u32 v15, $0x2;
	v57 =	vshll.u32 v17, $0x2;
	v58 =	vld.idx.msk [tilespmem:v12+s3+$0x0], $0xffff  }
0x175: {  	v17 =	vand.u32 $0x7F, v17;
	v33 =	vor.u32 $0x80, v28;
	[tilespmem:v21+s20+$0x0] =	vst.idx.add.f32.msk $0xffff, v59;
	v24 =	vmul.f32 v55, v6  }
0x176: {  	v60 =	vand.u32 $0x3FE00, v57;
	v35 =	vor.u32 $0x100, v18;
	v61 =	vmul.f32 v32, v0;
	v16 =	vld.idx.msk [tilespmem:v16+s3+$0x0], $0xffff  }
0x177: {  	v15 =	vand.u32 $0x7F, v15;
	v17 =	vor.u32 v17, v60;
	v32 =	vmul.f32 v37, v2;
	[tilespmem:v20+s20+$0x0] =	vst.idx.add.f32.msk $0xffff, v24  }
0x178: {  	v39 =	vor.u32 $0x80, v11;
	v22 =	vand.u32 $0x3FE00, v54;
	[tilespmem:v14+s20+$0x0] =	vst.idx.add.f32.msk $0xffff, v61;
	v23 =	vmul.f32 v50, v25  }
0x179: {  	v22 =	vor.u32 v15, v22;
	[tilespmem:v29+s20+$0x0] =	vst.idx.add.f32.msk $0xffff, v32  }
0x17a: {  	v63 =	vmul.f32 v34, v1;
	v37 =	vor.u32 $0x80, v10;
	v34 =	vmul.f32 v38, v3;
	[tilespmem:v33+s20+$0x0] =	vst.idx.add.f32.msk $0xffff, v23  }
0x17b: {  	v41 =	vor.u32 $0x80, v21;
	v15 =	vld.idx.msk [tilespmem:v35+s3+$0x0], $0xffff  }
0x17c: {  	[tilespmem:v17+s20+$0x0] =	vst.idx.add.f32.msk $0xffff, v34;
	v33 =	vor.u32 $0x80, v7  }
0x17d: {  	v62 =	vor.u32 $0x100, v28;
	v44 =	vld.idx.msk [tilespmem:v39+s3+$0x0], $0xffff  }
0x17e: {  	v18 =	vor.u32 $0x180, v18;
	[tilespmem:v22+s20+$0x0] =	vst.idx.add.f32.msk $0xffff, v63;
	v16 =	vmul.f32 v16, v5  }
0x17f: {  	v27 =	vld.idx.msk [tilespmem:v37+s3+$0x0], $0xffff  }
0x180: {  	v40 =	vor.u32 $0x80, v12;
	[tilespmem:v41+s20+$0x0] =	vst.idx.add.f32.msk $0xffff, v16;
	v15 =	vmul.f32 v15, v25  }
0x181: {  	v46 =	vor.u32 $0x100, v13;
	v24 =	vld.idx.msk [tilespmem:v33+s3+$0x0], $0xffff  }
0x182: {  	v35 =	vmul.f32 v58, v4;
	[tilespmem:v62+s20+$0x0] =	vst.idx.add.f32.msk $0xffff, v15;
	v15 =	vor.u32 $0x80, v8  }
0x183: {  	v36 =	vor.u32 $0x80, v9;
	v18 =	vld.idx.msk [tilespmem:v18+s3+$0x0], $0xffff  }
0x184: {  	v42 =	vor.u32 $0x80, v20;
	[tilespmem:v19+s20+$0x0] =	vst.idx.add.f32.msk $0xffff, v35  }
0x185: {  	v38 =	vor.u32 $0x180, v28;
	v30 =	vld.idx.msk [tilespmem:v40+s3+$0x0], $0xffff  }
0x186: {  	v49 =	vor.u32 $0x100, v7;
	v51 =	vld.idx.msk [tilespmem:v46+s3+$0x0], $0xffff  }
0x187: {  	v48 =	vor.u32 $0x80, v19;
	v24 =	vmul.f32 v24, v6;
	v15 =	vld.idx.msk [tilespmem:v15+s3+$0x0], $0xffff  }
0x188: {  	v55 =	vor.u32 $0x100, v21;
	v26 =	vld.idx.msk [tilespmem:v36+s3+$0x0], $0xffff;
	v18 =	vmul.f32 v18, v25  }
0x189: {  	v43 =	vor.u32 $0x80, v14;
	[tilespmem:v42+s20+$0x0] =	vst.idx.add.f32.msk $0xffff, v24  }
0x18a: {  	v52 =	vmul.f32 v30, v4;
	[tilespmem:v38+s20+$0x0] =	vst.idx.add.f32.msk $0xffff, v18;
	v18 =	vor.u32 $0x80, v22  }
0x18b: {  	v13 =	vor.u32 $0x180, v13;
	v24 =	vmul.f32 v51, v5;
	v54 =	vld.idx.msk [tilespmem:v49+s3+$0x0], $0xffff  }
0x18c: {  	v45 =	vor.u32 $0x80, v29;
	[tilespmem:v48+s20+$0x0] =	vst.idx.add.f32.msk $0xffff, v52;
	v15 =	vmul.f32 v15, v0  }
0x18d: {  	v56 =	vor.u32 $0x100, v20;
	v47 =	vmul.f32 v26, v1;
	[tilespmem:v55+s20+$0x0] =	vst.idx.add.f32.msk $0xffff, v24  }
0x18e: {  	v16 =	vor.u32 $0x80, v17;
	[tilespmem:v43+s20+$0x0] =	vst.idx.add.f32.msk $0xffff, v15  }
0x18f: {  	v15 =	vmul.f32 v27, v2;
	[tilespmem:v18+s20+$0x0] =	vst.idx.add.f32.msk $0xffff, v47;
	v18 =	vor.u32 $0x100, v8  }
0x190: {  	v50 =	vor.u32 $0x100, v9;
	v26 =	vld.idx.msk [tilespmem:v13+s3+$0x0], $0xffff;
	v60 =	vmul.f32 v54, v6  }
0x191: {  	v53 =	vor.u32 $0x100, v10;
	[tilespmem:v45+s20+$0x0] =	vst.idx.add.f32.msk $0xffff, v15;
	v15 =	vmul.f32 v44, v3  }
0x192: {  	v7 =	vor.u32 $0x180, v7;
	[tilespmem:v56+s20+$0x0] =	vst.idx.add.f32.msk $0xffff, v60  }
0x193: {  	[tilespmem:v16+s20+$0x0] =	vst.idx.add.f32.msk $0xffff, v15;
	v16 =	vor.u32 $0x100, v12  }
0x194: {  	v15 =	vor.u32 $0x100, v11;
	v18 =	vld.idx.msk [tilespmem:v18+s3+$0x0], $0xffff  }
0x195: {  	v21 =	vor.u32 $0x180, v21;
	v23 =	vld.idx.msk [tilespmem:v50+s3+$0x0], $0xffff  }
0x196: {  	v57 =	vor.u32 $0x100, v14;
	v28 =	vld.idx.msk [tilespmem:v53+s3+$0x0], $0xffff  }
0x197: {  	v58 =	vor.u32 $0x100, v22;
	v62 =	vld.idx.msk [tilespmem:v7+s3+$0x0], $0xffff  }
0x198: {  	v59 =	vor.u32 $0x100, v29;
	v63 =	vmul.f32 v26, v5;
	v16 =	vld.idx.msk [tilespmem:v16+s3+$0x0], $0xffff  }
0x199: {  	v8 =	vor.u32 $0x180, v8;
	v15 =	vld.idx.msk [tilespmem:v15+s3+$0x0], $0xffff;
	v13 =	vmul.f32 v18, v0  }
0x19a: {  	[tilespmem:v21+s20+$0x0] =	vst.idx.add.f32.msk $0xffff, v63;
	v23 =	vmul.f32 v23, v1;
	v18 =	vor.u32 $0x100, v19  }
0x19b: {  	v61 =	vor.u32 $0x100, v17;
	[tilespmem:v57+s20+$0x0] =	vst.idx.add.f32.msk $0xffff, v13;
	v13 =	vmul.f32 v28, v2  }
0x19c: {  	v9 =	vor.u32 $0x180, v9;
	[tilespmem:v58+s20+$0x0] =	vst.idx.add.f32.msk $0xffff, v23  }
0x19d: {  	v10 =	vor.u32 $0x180, v10;
	[tilespmem:v59+s20+$0x0] =	vst.idx.add.f32.msk $0xffff, v13;
	v13 =	vmul.f32 v16, v4  }
0x19e: {  	v11 =	vor.u32 $0x180, v11;
	v15 =	vmul.f32 v15, v3;
	v16 =	vld.idx.msk [tilespmem:v8+s3+$0x0], $0xffff  }
0x19f: {  	[tilespmem:v18+s20+$0x0] =	vst.idx.add.f32.msk $0xffff, v13;
	v18 =	vor.u32 $0x180, v12  }
0x1a0: {  	[tilespmem:v61+s20+$0x0] =	vst.idx.add.f32.msk $0xffff, v15  }
0x1a1: {  	v15 =	vld.idx.msk [tilespmem:v9+s3+$0x0], $0xffff  }
0x1a2: {  	v5 =	vor.u32 $0x180, v19;
	v7 =	vld.idx.msk [tilespmem:v10+s3+$0x0], $0xffff  }
0x1a3: {  	v6 =	vmul.f32 v62, v6;
	v8 =	vor.u32 $0x180, v17;
	v10 =	vor.u32 $0x180, v22;
	v11 =	vld.idx.msk [tilespmem:v11+s3+$0x0], $0xffff  }
0x1a4: {  	s25 =	simm.s32 $0x0;
	s26 =	simm.s32 $0x170C0;
	v9 =	vor.u32 $0x180, v29;
	v13 =	vor.u32 $0x180, v20;
	v12 =	vor.u32 $0x180, v14;
	v14 =	vld.idx.msk [tilespmem:v18+s3+$0x0], $0xffff  }
.LBB2_13:
0x1a5: {  	v17 =	vld [tilespmem:s26+$0x30];
	s25 =	sadd.s32 $0x8, s25;
	v0 =	vmul.f32 v16, v0  }
0x1a6: {  	v1 =	vmul.f32 v15, v1;
	v16 =	vld [tilespmem:s26+$0xFFFFFFD0];
	p1 =	slt.u32 s25, $0xC0  }
0x1a7: {  	v2 =	vmul.f32 v7, v2;
	v15 =	vld [tilespmem:s26+$0xFFFFFFE0]  }
0x1a8: {  	v3 =	vmul.f32 v11, v3;
	v18 =	vld [tilespmem:s26+$0xFFFFFFF0]  }
0x1a9: {  	v11 =	vmul.f32 v14, v4;
	v19 =	vld [tilespmem:s26+$0x0]  }
0x1aa: {  	v4 =	vld [tilespmem:s26+$0x10];
	v7 =	vshra.s32 v17, $0x10  }
0x1ab: {  	v20 =	vshra.s32 v16, $0x10;
	v21 =	vshll.u32 v16, $0x2;
	v22 =	vld [tilespmem:s26+$0x20];
	v14 =	vshll.u32 v7, $0x2  }
0x1ac: {  	v7 =	vand.u32 $0x7F, v7;
	v23 =	vld [tilespmem:s26+$0xFFFFFFC0];
	v24 =	vshra.s32 v15, $0x10;
	v14 =	vand.u32 $0xFFFFFE00, v14  }
0x1ad: {  	v25 =	vshll.u32 v20, $0x2;
	v26 =	vshra.s32 v18, $0x10;
	v14 =	vor.u32 v7, v14;
	[tilespmem:v13+s20+$0x0] =	vst.idx.add.f32.msk $0xffff, v6  }
0x1ae: {  	v6 =	vshll.u32 v24, $0x2;
	v7 =	vshll.u32 v26, $0x2;
	v13 =	vshra.s32 v19, $0x10;
	[tilespmem:v12+s20+$0x0] =	vst.idx.add.f32.msk $0xffff, v0  }
0x1af: {  	v12 =	vand.u32 $0xFFFFFE00, v25;
	v0 =	vshll.u32 v13, $0x2;
	v25 =	vshra.s32 v4, $0x10;
	[tilespmem:v10+s20+$0x0] =	vst.idx.add.f32.msk $0xffff, v1  }
0x1b0: {  	v27 =	vand.u32 $0xFFFFFE00, v6;
	v1 =	vshll.u32 v25, $0x2;
	v28 =	vshra.s32 v22, $0x10;
	[tilespmem:v9+s20+$0x0] =	vst.idx.add.f32.msk $0xffff, v2  }
0x1b1: {  	v29 =	vand.u32 $0xFFFFFE00, v7;
	v2 =	vshra.s32 v23, $0x10;
	v6 =	vshll.u32 v28, $0x2;
	[tilespmem:v8+s20+$0x0] =	vst.idx.add.f32.msk $0xffff, v3  }
0x1b2: {  	s24 =	sadd.s32 $0x80, s24;
	v30 =	vand.u32 $0xFFFFFE00, v0;
	v31 =	vand.u32 $0xFFFFFE00, v1;
	v3 =	vshll.u32 v2, $0x2;
	v32 =	vld.idx.msk [tilespmem:v14+s3+$0x0], $0xffff  }
0x1b3: {  	v0 =	vshll.u32 v17, $0x2;
	v33 =	vand.u32 $0xFFFFFE00, v6;
	v1 =	vand.u32 $0xFFFFFE00, v3;
	v8 =	vld [tilespmem:s24+$0x30]  }
0x1b4: {  	v0 =	vand.u32 $0x3FE00, v0;
	v2 =	vand.u32 $0x7F, v2;
	v3 =	vand.u32 $0x7F, v17;
	v7 =	vld [tilespmem:s24+$0xFFFFFFC0]  }
0x1b5: {  	v17 =	vand.u32 $0x7F, v20;
	v20 =	vand.u32 $0x7F, v24;
	v9 =	vor.u32 v3, v0;
	v6 =	vld [tilespmem:s24+$0xFFFFFFD0]  }
0x1b6: {  	v13 =	vand.u32 $0x7F, v13;
	v24 =	vor.u32 $0x80, v14;
	v3 =	vand.u32 $0x7F, v26;
	v0 =	vld [tilespmem:s24+$0xFFFFFFE0]  }
0x1b7: {  	v25 =	vand.u32 $0x7F, v25;
	v10 =	vor.u32 v2, v1;
	v26 =	vand.u32 $0x7F, v28;
	v1 =	vld [tilespmem:s24+$0xFFFFFFF0]  }
0x1b8: {  	v17 =	vor.u32 v17, v12;
	v12 =	vor.u32 v20, v27;
	v2 =	vld [tilespmem:s24+$0x0];
	v20 =	vmul.f32 v32, v8  }
0x1b9: {  	v13 =	vor.u32 v13, v30;
	v25 =	vor.u32 v25, v31;
	v27 =	vor.u32 v3, v29;
	v3 =	vld [tilespmem:s24+$0x10]  }
0x1ba: {  	v28 =	vshll.u32 v23, $0x2;
	v29 =	vshll.u32 v15, $0x2;
	v26 =	vor.u32 v26, v33;
	[tilespmem:v9+s20+$0x0] =	vst.idx.add.f32.msk $0xffff, v20  }
0x1bb: {  	v30 =	vshll.u32 v19, $0x2;
	v31 =	vshll.u32 v4, $0x2;
	v20 =	vshll.u32 v18, $0x2;
	v24 =	vld.idx.msk [tilespmem:v24+s3+$0x0], $0xffff  }
0x1bc: {  	v21 =	vand.u32 $0x3FE00, v21;
	v28 =	vand.u32 $0x3FE00, v28;
	v33 =	vshll.u32 v22, $0x2;
	v32 =	vld.idx.msk [tilespmem:v10+s3+$0x0], $0xffff  }
0x1bd: {  	v30 =	vand.u32 $0x3FE00, v30;
	v29 =	vand.u32 $0x3FE00, v29;
	v20 =	vand.u32 $0x3FE00, v20;
	v34 =	vld.idx.msk [tilespmem:v17+s3+$0x0], $0xffff  }
0x1be: {  	v31 =	vand.u32 $0x3FE00, v31;
	v36 =	vor.u32 $0x80, v9;
	v33 =	vand.u32 $0x3FE00, v33;
	v35 =	vld.idx.msk [tilespmem:v12+s3+$0x0], $0xffff  }
0x1bf: {  	v16 =	vand.u32 $0x7F, v16;
	v38 =	vor.u32 $0x100, v14;
	v23 =	vand.u32 $0x7F, v23;
	v37 =	vld.idx.msk [tilespmem:v27+s3+$0x0], $0xffff  }
0x1c0: {  	v19 =	vand.u32 $0x7F, v19;
	v15 =	vand.u32 $0x7F, v15;
	v18 =	vand.u32 $0x7F, v18;
	v39 =	vld.idx.msk [tilespmem:v13+s3+$0x0], $0xffff  }
0x1c1: {  	v4 =	vand.u32 $0x7F, v4;
	v22 =	vand.u32 $0x7F, v22;
	v24 =	vmul.f32 v24, v8;
	v40 =	vld.idx.msk [tilespmem:v25+s3+$0x0], $0xffff  }
0x1c2: {  	v16 =	vor.u32 v16, v21;
	v23 =	vor.u32 v23, v28;
	v32 =	vmul.f32 v32, v7;
	v21 =	vld.idx.msk [tilespmem:v26+s3+$0x0], $0xffff  }
0x1c3: {  	v28 =	vor.u32 $0x80, v10;
	v15 =	vor.u32 v15, v29;
	v34 =	vmul.f32 v34, v6;
	[tilespmem:v36+s20+$0x0] =	vst.idx.add.f32.msk $0xffff, v24  }
0x1c4: {  	v19 =	vor.u32 v19, v30;
	v18 =	vor.u32 v18, v20;
	v24 =	vmul.f32 v35, v0;
	v20 =	vld.idx.msk [tilespmem:v38+s3+$0x0], $0xffff  }
0x1c5: {  	v30 =	vor.u32 v4, v31;
	v22 =	vor.u32 v22, v33;
	v29 =	vmul.f32 v37, v1;
	v4 =	vld [tilespmem:s24+$0x20]  }
0x1c6: {  	v31 =	vor.u32 $0x80, v17;
	v33 =	vor.u32 $0x80, v12;
	v35 =	vmul.f32 v39, v2;
	[tilespmem:v5+s20+$0x0] =	vst.idx.add.f32.msk $0xffff, v11  }
0x1c7: {  	v5 =	vor.u32 $0x80, v27;
	v11 =	vmul.f32 v40, v3;
	[tilespmem:v23+s20+$0x0] =	vst.idx.add.f32.msk $0xffff, v32;
	v32 =	vor.u32 $0x100, v9  }
0x1c8: {  	v14 =	vor.u32 $0x180, v14;
	v36 =	vor.u32 $0x80, v25;
	[tilespmem:v16+s20+$0x0] =	vst.idx.add.f32.msk $0xffff, v34;
	v34 =	vor.u32 $0x80, v13  }
0x1c9: {  	v37 =	vor.u32 $0x80, v23;
	v38 =	vor.u32 $0x80, v16;
	[tilespmem:v15+s20+$0x0] =	vst.idx.add.f32.msk $0xffff, v24;
	v24 =	vor.u32 $0x80, v26  }
0x1ca: {  	v39 =	vor.u32 $0x80, v15;
	v20 =	vmul.f32 v20, v8;
	[tilespmem:v18+s20+$0x0] =	vst.idx.add.f32.msk $0xffff, v29;
	v21 =	vmul.f32 v21, v4  }
0x1cb: {  	v40 =	vor.u32 $0x80, v30;
	v29 =	vor.u32 $0x80, v18;
	[tilespmem:v19+s20+$0x0] =	vst.idx.add.f32.msk $0xffff, v35;
	v35 =	vor.u32 $0x80, v19  }
0x1cc: {  	v41 =	vor.u32 $0x100, v10;
	v42 =	vor.u32 $0x100, v17;
	v43 =	vor.u32 $0x80, v22;
	[tilespmem:v32+s20+$0x0] =	vst.idx.add.f32.msk $0xffff, v20  }
0x1cd: {  	v44 =	vor.u32 $0x100, v13;
	v20 =	vor.u32 $0x100, v12;
	v32 =	vor.u32 $0x100, v27;
	v14 =	vld.idx.msk [tilespmem:v14+s3+$0x0], $0xffff  }
0x1ce: {  	v46 =	vor.u32 $0x100, v26;
	v45 =	vor.u32 $0x100, v23;
	[tilespmem:v30+s20+$0x0] =	vst.idx.add.f32.msk $0xffff, v11;
	v11 =	vor.u32 $0x100, v25  }
0x1cf: {  	v47 =	vor.u32 $0x100, v16;
	v48 =	vor.u32 $0x100, v15;
	v49 =	vor.u32 $0x100, v18;
	[tilespmem:v22+s20+$0x0] =	vst.idx.add.f32.msk $0xffff, v21  }
0x1d0: {  	v50 =	vor.u32 $0x100, v30;
	v51 =	vor.u32 $0x180, v9;
	v21 =	vld.idx.msk [tilespmem:v28+s3+$0x0], $0xffff;
	v28 =	vor.u32 $0x100, v19  }
0x1d1: {  	v52 =	vor.u32 $0x180, v10;
	v53 =	vor.u32 $0x100, v22;
	v17 =	vor.u32 $0x180, v17;
	v31 =	vld.idx.msk [tilespmem:v31+s3+$0x0], $0xffff  }
0x1d2: {  	v55 =	vor.u32 $0x180, v13;
	v54 =	vor.u32 $0x180, v12;
	v27 =	vor.u32 $0x180, v27;
	v33 =	vld.idx.msk [tilespmem:v33+s3+$0x0], $0xffff  }
0x1d3: {  	v26 =	vor.u32 $0x180, v26;
	v25 =	vor.u32 $0x180, v25;
	v56 =	vld.idx.msk [tilespmem:v5+s3+$0x0], $0xffff;
	v5 =	vmul.f32 v14, v8  }
0x1d4: {  	v23 =	vor.u32 $0x180, v23;
	v13 =	vor.u32 $0x180, v16;
	v12 =	vor.u32 $0x180, v15;
	v14 =	vld.idx.msk [tilespmem:v34+s3+$0x0], $0xffff  }
0x1d5: {  	v10 =	vor.u32 $0x180, v18;
	v9 =	vor.u32 $0x180, v19;
	v8 =	vor.u32 $0x180, v30;
	[tilespmem:v51+s20+$0x0] =	vst.idx.add.f32.msk $0xffff, v5  }
0x1d6: {  	v15 =	vmul.f32 v21, v7;
	v5 =	vor.u32 $0x180, v22;
	v16 =	vld.idx.msk [tilespmem:v36+s3+$0x0], $0xffff  }
0x1d7: {  	v18 =	vmul.f32 v31, v6;
	v19 =	vld.idx.msk [tilespmem:v24+s3+$0x0], $0xffff  }
0x1d8: {  	[tilespmem:v37+s20+$0x0] =	vst.idx.add.f32.msk $0xffff, v15;
	v15 =	vmul.f32 v33, v0  }
0x1d9: {  	[tilespmem:v38+s20+$0x0] =	vst.idx.add.f32.msk $0xffff, v18;
	v18 =	vmul.f32 v56, v1  }
0x1da: {  	v14 =	vmul.f32 v14, v2;
	[tilespmem:v39+s20+$0x0] =	vst.idx.add.f32.msk $0xffff, v15  }
0x1db: {  	[tilespmem:v29+s20+$0x0] =	vst.idx.add.f32.msk $0xffff, v18  }
0x1dc: {  	[tilespmem:v35+s20+$0x0] =	vst.idx.add.f32.msk $0xffff, v14;
	v14 =	vmul.f32 v16, v3  }
0x1dd: {  	v16 =	vmul.f32 v19, v4;
	v15 =	vld.idx.msk [tilespmem:v41+s3+$0x0], $0xffff  }
0x1de: {  	[tilespmem:v40+s20+$0x0] =	vst.idx.add.f32.msk $0xffff, v14  }
0x1df: {  	[tilespmem:v43+s20+$0x0] =	vst.idx.add.f32.msk $0xffff, v16  }
0x1e0: {  	v14 =	vld.idx.msk [tilespmem:v42+s3+$0x0], $0xffff  }
0x1e1: {  	v16 =	vld.idx.msk [tilespmem:v20+s3+$0x0], $0xffff  }
0x1e2: {  	v18 =	vld.idx.msk [tilespmem:v32+s3+$0x0], $0xffff  }
0x1e3: {  	v15 =	vmul.f32 v15, v7;
	v19 =	vld.idx.msk [tilespmem:v44+s3+$0x0], $0xffff  }
0x1e4: {  	v11 =	vld.idx.msk [tilespmem:v11+s3+$0x0], $0xffff  }
0x1e5: {  	v20 =	vld.idx.msk [tilespmem:v46+s3+$0x0], $0xffff  }
0x1e6: {  	v14 =	vmul.f32 v14, v6;
	[tilespmem:v45+s20+$0x0] =	vst.idx.add.f32.msk $0xffff, v15  }
0x1e7: {  	v16 =	vmul.f32 v16, v0;
	v15 =	vld.idx.msk [tilespmem:v52+s3+$0x0], $0xffff  }
0x1e8: {  	[tilespmem:v47+s20+$0x0] =	vst.idx.add.f32.msk $0xffff, v14;
	v14 =	vmul.f32 v18, v1  }
0x1e9: {  	[tilespmem:v48+s20+$0x0] =	vst.idx.add.f32.msk $0xffff, v16;
	v16 =	vmul.f32 v19, v2  }
0x1ea: {  	v11 =	vmul.f32 v11, v3;
	[tilespmem:v49+s20+$0x0] =	vst.idx.add.f32.msk $0xffff, v14  }
0x1eb: {  	v14 =	vmul.f32 v20, v4;
	[tilespmem:v28+s20+$0x0] =	vst.idx.add.f32.msk $0xffff, v16  }
0x1ec: {  	[tilespmem:v50+s20+$0x0] =	vst.idx.add.f32.msk $0xffff, v11  }
0x1ed: {  	v18 =	vmul.f32 v15, v7;
	[tilespmem:v53+s20+$0x0] =	vst.idx.add.f32.msk $0xffff, v14  }
0x1ee: {  	v17 =	vld.idx.msk [tilespmem:v17+s3+$0x0], $0xffff  }
0x1ef: {  	v16 =	vld.idx.msk [tilespmem:v54+s3+$0x0], $0xffff  }
.Ltmp7:
0x1f0: {  	v15 =	vld.idx.msk [tilespmem:v27+s3+$0x0], $0xffff;
	(pc) =	sbr.rel @p1 .LBB2_13-.Ltmp7, $4  }
0x1f1: {  	v7 =	vld.idx.msk [tilespmem:v55+s3+$0x0], $0xffff  }
0x1f2: {  	v11 =	vld.idx.msk [tilespmem:v25+s3+$0x0], $0xffff  }
0x1f3: {  	v14 =	vld.idx.msk [tilespmem:v26+s3+$0x0], $0xffff  }
0x1f4: {  	s26 =	sadd.s32 $0x80, s26;
	v6 =	vmul.f32 v17, v6;
	[tilespmem:v23+s20+$0x0] =	vst.idx.add.f32.msk $0xffff, v18  }
0x1f5: {  	_ =	sdelay $0x2  }
0x1f6: {  	v0 =	vmul.f32 v16, v0  }
0x1f7: {  	v1 =	vmul.f32 v15, v1;
	[tilespmem:v13+s20+$0x0] =	vst.idx.add.f32.msk $0xffff, v6  }
.Ltmp8:
0x1f8: {  	v2 =	vmul.f32 v7, v2;
	[tilespmem:v12+s20+$0x0] =	vst.idx.add.f32.msk $0xffff, v0;
	(pc) =	sbr.rel @p0 .LBB2_16-.Ltmp8, $4  }
0x1f9: {  	v62 =	vmul.f32 v11, v3;
	[tilespmem:v10+s20+$0x0] =	vst.idx.add.f32.msk $0xffff, v1  }
0x1fa: {  	v63 =	vmul.f32 v14, v4;
	[tilespmem:v9+s20+$0x0] =	vst.idx.add.f32.msk $0xffff, v2  }
0x1fb: {  	[tilespmem:v8+s20+$0x0] =	vst.idx.add.f32.msk $0xffff, v62  }
0x1fc: {  	[tilespmem:v5+s20+$0x0] =	vst.idx.add.f32.msk $0xffff, v63  }
0x1fd: {  	s0 =	smul.u32 $0x1900, s23;
	_ =	sdelay $0x1  }
0x1fe: {  	s0 =	sshrl.u32 s0, $0x3  }
.Ltmp9:
0x1ff: {  	s0 =	sadd.s32 $0x4B0, s0;
	(pc) =	sbr.rel .LBB2_10-.Ltmp9, $4  }
0x200: {  	s1 =	sadd.s32 s4, s0  }
0x201: {  	[tilespmem:s6], [sflag:$0x2] =	stream.linear.gather [hbm4b:s1+s3], $0xC80, $0x38;
	[tilespmem:$0x19580] =	vst v63  }
0x202: {  	s23 =	sadd.s32 $0x1, s23;
	s0 =	sadd.s32 s7, s0  }
0x203: {  	[tilespmem:s8], [sflag:$0x2] =	stream.linear.gather [hbm4b:s0+s3], $0xC80, $0x38;
	[tilespmem:$0x19580] =	vst v63  }
.LBB2_17:
0x204: {  	_ =	sfence.sel $0x180000  }
0x205: {  	[bflag:$0x0] =	sbarrier.arrive $0xFFFF  }
0x206: {  	_ =	strace $0x90000050  }
0x207: {  	s0 =	stileid.u32;
	[bflag:$0x2] =	sbarrier.arrive $0xFFFF  }
0x208: {  	p0 =	sne.s32 s0, $0x0;
	s0 =	rddreg [dreg:$0x2]  }
0x209: {  	s0 =	sadd.s32 @!p0 $0x100000, s0  }
0x20a: {  	[sflag:s0] =	ssyncadd.tile.s32 @!p0 $0x1;
	_ =	shalt  }
.Lfunc_end2:
_tile_overlayer_lowered:
.L_overlay_start_2:
0x20b: {  	(tag) =	ssettag $0x2  }
0x20c: {  	s0 =	rddreg [dreg:$0x0];
	s2 =	stileid.u32  }
0x20d: {  	s1 =	rddreg [dreg:$0x1];
	p0 =	sne.s32 s2, $0x0  }
0x20e: {  	s3 =	rddreg [dreg:$0x2];
	[bflag:$0x3] =	sbarrier.arrive $0xFFFF;
	s2 =	simm.s32 @!p0 $0x1C03  }
0x20f: {  	[timem:s3], [sflag:s2] =	dma.local @!p0 [hbm:s0], s1  }
0x210: {  	s0 =	simm.s32 @!p0 $0x3  }
0x211: {  	_ =	swait.ge @!p0 [sflag:s0], s1  }
0x212: {  	s1 =	ssub.s32 @!p0 $0x0, s1;
	[sflag:s0] =	ssyncset.done @!p0 $0x0  }
0x213: {  	[sflag:s0] =	ssyncadd.s32 @!p0 s1  }
0x214: {  	[bflag:$0x3] =	sbarrier.arrive $0xFFFF  }
0x215: {  	_ =	shalt  }

// kernel: kernel.9.cloned.1.call-start
scs
__scs_entry_jumppad:
0x0: {  	(pc) =	sbr.rel $0x88, $3  }
0x1: {  	(tag) =	ssettag $0x0;
	lr =	simm.s32 $0x1  }
0x2: {  	[smem:$0x3F98] =	sst lr;
	_ =	strace $0xD0000000  }
0x3: {  	_ = 	snop  }
0x4: {  	_ = 	snop  }
0x5: {  	_ = 	snop  }
0x6: {  	_ = 	snop  }
0x7: {  	_ = 	snop  }
__scs_overlays_trampoline_lowered:
0x8: {  	[smem:$0x3FA7] =	sst s0  }
0x9: {  	[smem:$0x3FA8] =	sst s1  }
0xa: {  	[smem:$0x3FA9] =	sst s2  }
0xb: {  	[smem:$0x3FAA] =	sst s3  }
0xc: {  	[smem:$0x3FAB] =	sst s4  }
0xd: {  	[smem:$0x3FAC] =	sst s5  }
0xe: {  	[smem:$0x3FAD] =	sst s6  }
0xf: {  	[smem:$0x3FAE] =	sst s7  }
0x10: {  	[smem:$0x3FAF] =	sst s8  }
0x11: {  	[smem:$0x3FB0] =	sst s9;
	s0 =	simm.s32 @!p0 $0x0  }
0x12: {  	s1 =	sld [smem:$0x3F96];
	s0 =	simm.s32 @p0 $0x1  }
0x13: {  	[smem:$0x3FB1] =	sst s0;
	s0 =	simm.s32 @!p1 $0x0  }
0x14: {  	s2 =	sld [smem:$0x3F95];
	s0 =	simm.s32 @p1 $0x1  }
0x15: {  	[smem:$0x3FB2] =	sst s0;
	s0 =	simm.s32 @!p2 $0x0  }
0x16: {  	s3 =	sld [smem:$0x3FDB];
	s0 =	simm.s32 @p2 $0x1  }
0x17: {  	s4 =	simm.s32 $0x1BF5;
	[smem:$0x3FB4] =	sst s0  }
0x18: {  	s0 =	sld [smem:$0x3F97];
	_ =	swait.ge [sflag:s4], $0x0  }
0x19: {  	s7 =	sld [smem:$0x3F98]  }
0x1a: {  	s8 =	sadd.s32 $0xFFFFE003, lr  }
0x1b: {  	s9 =	sadd.s32 $0xFFFFFEF7, lr;
	s5 =	simm.s32 $0xFFFFFFFF;
	p2 =	slt.u32 s8, $0xFFFFF086  }
0x1c: {  	p1 =	slt.u32 s9, $0xF7A;
	s5 =	simm.s32 @!p2 $0x0  }
0x1d: {  	s5 =	simm.s32 @p1 $0x1;
	p0 =	seq.s32 s7, s2  }
0x1e: {  	s7 =	smul.u32 @!p0 $0xF7A, s2;
	p2 =	seq.s32 @!p0 s5, $0x0  }
0x1f: {  	s9 =	smul.u32 $0xF7A, s1;
	s8 =	simm.s32 @!p0 $0x1BF5;
	p2 =	por !p2, p0  }
0x20: {  	[sflag:s8] =	ssyncset.s32 @!p0 $0xFFFFF086;
	s6 =	sadd.s32 @!p0 s3, s7;
	s7 =	simm.s32 @!p0 $0x108  }
0x21: {  	s3 =	sadd.s32 s3, s9;
	s6 =	sadd.s32 @!p0 $0x88, s6;
	s7 =	simm.s32 @p2 $0x1082  }
0x22: {  	[simem:s7], [sflag:s8] =	dma.local @!p0 [hbm:s6], $0xF7A  }
0x23: {  	s9 =	sor.u32 $0xD0000000, s2;
	s6 =	simm.s32 $0x108;
	_ =	swait.ge @!p0 [sflag:s8], $0x0  }
0x24: {  	s3 =	sadd.s32 $0x88, s3;
	s6 =	simm.s32 @!p1 $0x1082;
	[sflag:s4] =	ssyncset.s32 $0xFFFFF086  }
0x25: {  	[simem:s6], [sflag:s4] =	dma.local [hbm:s3], $0xF7A  }
0x26: {  	[smem:$0x3F98] =	sst s1;
	(tag) =	ssettag s2;
	_ =	strace s9  }
0x27: {  	s1 =	sld [smem:$0x3FA8]  }
0x28: {  	s2 =	sld [smem:$0x3FA9]  }
0x29: {  	s4 =	sld [smem:$0x3FAB]  }
0x2a: {  	p0 =	seq.s32 s5, $0x0;
	s5 =	sld [smem:$0x3FAC]  }
0x2b: {  	s6 =	sld [smem:$0x3FAD]  }
0x2c: {  	s7 =	sld [smem:$0x3FAE]  }
0x2d: {  	s3 =	simm.s32 $0x108;
	s8 =	sld [smem:$0x3FAF]  }
0x2e: {  	s3 =	simm.s32 @!p0 $0x1082;
	s9 =	sld [smem:$0x3FB0]  }
0x2f: {  	lr =	sadd.s32 s0, s3;
	s0 =	sld [smem:$0x3FA7]  }
0x30: {  	s3 =	sld [smem:$0x3FAA]  }
0x31: {  	[smem:$0x3FB3] =	sst s10  }
0x32: {  	s10 =	sld [smem:$0x3FB1];
	_ =	sdelay $0x3  }
0x33: {  	p0 =	seq.s32 s10, $0x1;
	s10 =	sld [smem:$0x3FB3];
	_ =	sdelay $0x3  }
0x34: {  	[smem:$0x3FB3] =	sst s10  }
0x35: {  	s10 =	sld [smem:$0x3FB2];
	_ =	sdelay $0x3  }
0x36: {  	p1 =	seq.s32 s10, $0x1;
	s10 =	sld [smem:$0x3FB3];
	_ =	sdelay $0x3  }
0x37: {  	[smem:$0x3FB3] =	sst s10  }
0x38: {  	s10 =	sld [smem:$0x3FB4]  }
0x39: {  	_ = 	snop;
	(pc) =	sbr.ind lr, $3  }
0x3a: {  	_ = 	snop  }
0x3b: {  	_ = 	snop  }
0x3c: {  	p2 =	seq.s32 s10, $0x1;
	s10 =	sld [smem:$0x3FB3]  }
0x3d: {  	_ =	shalt  }
0x3e: {  	_ =	shalt  }
0x3f: {  	_ =	shalt  }
0x40: {  	_ =	shalt  }
0x41: {  	_ =	shalt  }
0x42: {  	_ =	shalt  }
0x43: {  	_ =	shalt  }
0x44: {  	_ =	shalt  }
0x45: {  	_ =	shalt  }
0x46: {  	_ =	shalt  }
0x47: {  	_ =	shalt  }
0x48: {  	_ =	shalt  }
0x49: {  	_ =	shalt  }
0x4a: {  	_ =	shalt  }
0x4b: {  	_ =	shalt  }
0x4c: {  	_ =	shalt  }
0x4d: {  	_ =	shalt  }
0x4e: {  	_ =	shalt  }
0x4f: {  	_ =	shalt  }
0x50: {  	_ =	shalt  }
0x51: {  	_ =	shalt  }
0x52: {  	_ =	shalt  }
0x53: {  	_ =	shalt  }
0x54: {  	_ =	shalt  }
0x55: {  	_ =	shalt  }
0x56: {  	_ =	shalt  }
0x57: {  	_ =	shalt  }
0x58: {  	_ =	shalt  }
0x59: {  	_ =	shalt  }
0x5a: {  	_ =	shalt  }
0x5b: {  	_ =	shalt  }
0x5c: {  	_ =	shalt  }
0x5d: {  	_ =	shalt  }
0x5e: {  	_ =	shalt  }
0x5f: {  	_ =	shalt  }
0x60: {  	_ =	shalt  }
0x61: {  	_ =	shalt  }
0x62: {  	_ =	shalt  }
0x63: {  	_ =	shalt  }
0x64: {  	_ =	shalt  }
0x65: {  	_ =	shalt  }
0x66: {  	_ =	shalt  }
0x67: {  	_ =	shalt  }
0x68: {  	_ =	shalt  }
0x69: {  	_ =	shalt  }
0x6a: {  	_ =	shalt  }
0x6b: {  	_ =	shalt  }
0x6c: {  	_ =	shalt  }
0x6d: {  	_ =	shalt  }
0x6e: {  	_ =	shalt  }
0x6f: {  	_ =	shalt  }
0x70: {  	_ =	shalt  }
0x71: {  	_ =	shalt  }
0x72: {  	_ =	shalt  }
0x73: {  	_ =	shalt  }
0x74: {  	_ =	shalt  }
0x75: {  	_ =	shalt  }
0x76: {  	_ =	shalt  }
0x77: {  	_ =	shalt  }
0x78: {  	_ =	shalt  }
0x79: {  	_ =	shalt  }
0x7a: {  	_ =	shalt  }
0x7b: {  	_ =	shalt  }
0x7c: {  	_ =	shalt  }
0x7d: {  	_ =	shalt  }
0x7e: {  	_ =	shalt  }
0x7f: {  	_ =	shalt  }
0x80: {  	_ =	shalt  }
0x81: {  	_ =	shalt  }
0x82: {  	_ =	shalt  }
0x83: {  	_ =	shalt  }
0x84: {  	_ =	shalt  }
0x85: {  	_ =	shalt  }
0x86: {  	_ =	shalt  }
0x87: {  	_ =	shalt  }
.Lfunc_end0:
.L_simem_size_0:
called_computation_lowered:
.L_overlay_start_0:
0x88: {  	s2 =	sld [smem:$0x3FD9]  }
0x89: {  	s3 =	sld [smem:$0x3FFE];
	_ =	sdelay $0x1  }
0x8a: {  	s1 =	srdreg.scid  }
0x8b: {  	s0 =	sand.u32 $0x1, s1  }
0x8c: {  	s14 =	sshll.u32 s0, $0xA;
	s2 =	sadd.s32 s3, s2  }
0x8d: {  	s2 =	sadd.s32 s2, s14  }
0x8e: {  	[smem:$0x3FBF] =	sst s2  }
0x8f: {  	_ = 	snop  }
0x90: {  	s2 =	sld [smem:$0x3FD0];
	_ =	sdelay $0x2  }
0x91: {  	s4 =	simm.s32 $0xA;
	s5 =	simm.s32 $0x10;
	s15 =	sld [smem:$0x3FC7]  }
0x92: {  	[smem:s5], [sflag:s4] =	dma.local [hbm:s2], $0x1  }
0x93: {  	_ =	swait.eq [sflag:s4], $0x1  }
0x94: {  	[sflag:s4] =	ssyncset.done $0x0  }
0x95: {  	[sflag:s4] =	ssyncadd.s32 $0xFFFFFFFF  }
0x96: {  	s16 =	sld [smem:$0x12];
	(tm) =	ssettm $0x1  }
0x97: {  	s17 =	sld [smem:$0x3FFB];
	_ =	sdelay $0x3  }
0x98: {  	_ =	strace s17  }
0x99: {  	s4 =	sld [smem:$0x3FFC];
	_ =	sdelay $0x3  }
0x9a: {  	_ =	strace s4  }
0x9b: {  	s4 =	sld [smem:$0x3FFD];
	_ =	sdelay $0x3  }
0x9c: {  	_ =	strace s4  }
0x9d: {  	_ =	strace $0x8FFFFFFF  }
0x9e: {  	s18 =	sld [smem:$0x3FDB];
	_ =	sdelay $0x1  }
0x9f: {  	s19 =	simm.s32 $_scs_section_size  }
0xa0: {  	s6 =	simm.s32 $_size__tile_overlayer_lowered;
	s7 =	simm.s32 $_tile_overlayer_lowered  }
0xa1: {  	s22 =	simm.s32 $0x1BFF;
	s21 =	sshll.u32 s7, $0x1;
	s4 =	sadd.s32 s19, s18  }
0xa2: {  	s8 =	simm.s32 $0x0;
	s20 =	sshll.u32 s6, $0x1;
	s6 =	sadd.s32 s21, s4  }
0xa3: {  	[timem:s8], [sflag:s22] =	dma.local [hbm:s6], s20  }
0xa4: {  	_ =	swait.ge [sflag:s22], s20  }
0xa5: {  	s5 =	ssub.s32 $0x0, s20;
	[sflag:s22] =	ssyncset.done $0x0  }
0xa6: {  	[sflag:s22] =	ssyncadd.s32 s5;
	_ =	sdelay $0x1  }
0xa7: {  	s23 =	simm.s32 $0x1B8B  }
0xa8: {  	_ =	swait.ge [sflag:s23], $0x1  }
0xa9: {  	[sflag:s23] =	ssyncset.done $0x0  }
0xaa: {  	s25 =	simm.s32 $0x1B8E;
	s24 =	sld [smem:$0x3FFE];
	[sflag:s23] =	ssyncadd.s32 $0xFFFFFFFF  }
0xab: {  	s26 =	simm.s32 $execute0_lowered;
	[smem:$0x3FD2] =	sst s25  }
0xac: {  	s6 =	sshll.u32 s26, $0x1;
	_ =	strace $0x80000046;
	[dreg:$0x1] =	wrdreg $0xFFFFFFFF  }
0xad: {  	s28 =	simm.s32 $_size_execute0_lowered;
	s4 =	sadd.s32 s4, s6;
	[dreg:$0x0] =	wrdreg $0x0  }
0xae: {  	s6 =	sshll.u32 s28, $0x1;
	[dreg:$0x2] =	wrdreg s4  }
0xaf: {  	[dreg:$0x3] =	wrdreg s6  }
0xb0: {  	[dreg:$0x4] =	wrdreg $0xC0  }
0xb1: {  	_ =	task [dreg:s8], $0x5FFFF  }
0xb2: {  	[dreg:$0x1] =	wrdreg $0xFFFFFFFF  }
0xb3: {  	[dreg:$0x0] =	wrdreg $0x60  }
0xb4: {  	[dreg:$0x2] =	wrdreg s24  }
0xb5: {  	[dreg:$0x3] =	wrdreg s15  }
0xb6: {  	[dreg:$0x4] =	wrdreg s16  }
0xb7: {  	[dreg:$0x5] =	wrdreg $0x9  }
0xb8: {  	_ =	task.clear_ibuf [dreg:s8], $0x6FFFF;
	_ =	strace $0x90000046  }
0xb9: {  	s29 =	simm.s32 $0x9;
	_ =	strace $0x80000048  }
0xba: {  	_ =	swait.ge [sflag:s29], $0x1  }
0xbb: {  	[sflag:s29] =	ssyncadd.s32 $0xFFFFFFFF  }
0xbc: {  	_ =	strace $0x90000048  }
0xbd: {  	_ =	sfence  }
0xbe: {  	s30 =	sld [smem:$0x0];
	_ =	sdelay $0x2  }
0xbf: {  	s31 =	sshll.u32 s1, $0xD;
	s1 =	sshrl.u32 s1, $0x2  }
0xc0: {  	s3 =	sand.u32 $0x4000, s31;
	s1 =	sadd.s32 s1, s30  }
0xc1: {  	s0 =	sor.u32 s3, s0;
	s1 =	sshll.u32 s1, $0x11  }
0xc2: {  	s0 =	sor.u32 s1, s0  }
0xc3: {  	s0 =	sadd.s32 $0x8F2B, s0  }
0xc4: {  	[sflag:s0] =	ssyncadd.remote.s32 $0x1  }
0xc5: {  	_ =	sfence.sel $0xFFFF  }
0xc6: {  	[dreg:$0x0] =	wrdreg $0xFFFFFFFF;
	(pc) =	sbr.abs _section_cstart, $3  }
0xc7: {  	[dreg:$0x1] =	wrdreg $0xFFFFFFFF  }
0xc8: {  	_ =	task.clear_ibuf [dreg:s8], $0x2FFFF;
	_ =	strace $0x9FFFFFFF  }
0xc9: {  	(tm) =	ssettm $0x7FFFFFFF  }
tec
execute0_lowered:
.L_overlay_start_1:
0x0: {  	(tag) =	ssettag $0x1  }
0x1: {  	s3 =	rddreg [dreg:$0x0]  }
0x2: {  	s4 =	rddreg [dreg:$0x1]  }
0x3: {  	s1 =	srdreg.scid;
	s0 =	stileid.u32  }
0x4: {  	s5 =	rddreg [dreg:$0x2];
	s2 =	simm.s32 $0x0;
	s11 =	simm.s32 $0x400  }
0x5: {  	s12 =	simm.s32 $0x2;
	s13 =	simm.s32 $0x0;
	s6 =	sand.u32 $0x1, s1  }
0x6: {  	s7 =	sshll.u32 s0, $0x1;
	s1 =	rddreg [dreg:$0x3];
	s9 =	sshrl.u32 s0, $0x2  }
0x7: {  	[smem:$0x7FF] =	sst s2;
	s7 =	sor.u32 s6, s7;
	s9 =	smul.u32 $0x13C00, s9  }
0x8: {  	s6 =	ssub.s32 $0x2, s6;
	s8 =	smul.u32 $0x4E2, s7;
	s7 =	sshll.u32 s7, $0x7  }
0x9: {  	_ =	strace $0x80000047;
	s10 =	sshrl.u32 s6, $0x1;
	s7 =	sand.u32 $0x380, s7  }
0xa: {  	s6 =	ssub.s32 s6, s10;
	s10 =	simm.s32 $0x80;
	s3 =	sadd.s32 s8, s3  }
0xb: {  	s7 =	sor.u32 s9, s7;
	s4 =	sadd.s32 s4, s8;
	s6 =	smax.u32 s6, $0x1  }
0xc: {  	s8 =	simm.s32 $0x4F00;
	s9 =	simm.s32 $0x1;
	s7 =	sshrl.u32 s7, $0x3  }
0xd: {  	v0 =	vimm.f32 $0.0e+00;
	s3 =	sadd.s32 $0x2400, s3;
	s5 =	sadd.s32 s5, s7;
	s7 =	simm.s32 $0x2780  }
.LBB2_1:
0xe: {  	[tilespmem:s7], [sflag:$0x1] =	stream.linear.gather [hbm4b:s3+s2], $0x2710, $0x38;
	[tilespmem:$0x7680] =	vst v63  }
0xf: {  	s14 =	simm.s32 $0x20  }
0x10: {  	[tilespmem:s8], [sflag:$0x1] =	stream.linear.gather [hbm4b:s4+s2], $0x2710, $0x38;
	[tilespmem:$0x7680] =	vst v63  }
0x11: {  	[tilespmem:s14+$0xFFFFFFE0] =	vst v0  }
0x12: {  	[tilespmem:s14+$0x20] =	vst v0  }
0x13: {  	[tilespmem:s14+$0x10] =	vst v0  }
0x14: {  	s15 =	simm.s32 $0x0;
	[tilespmem:s14+$0x0] =	vst v0  }
.LBB2_2:
0x15: {  	s15 =	sadd.s32 $0x5, s15  }
0x16: {  	[tilespmem:s14+$0xFFFFFFF0] =	vst v0;
	s14 =	sadd.s32 $0x50, s14;
	p0 =	slt.u32 s15, $0x26C  }
.Ltmp0:
0x17: {  	[tilespmem:s14+$0xFFFFFFE0] =	vst v0;
	(pc) =	sbr.rel @p0 .LBB2_2-.Ltmp0, $4  }
0x18: {  	_ = 	snop  }
0x19: {  	[tilespmem:s14+$0x20] =	vst v0  }
0x1a: {  	[tilespmem:s14+$0x10] =	vst v0  }
0x1b: {  	[tilespmem:s14+$0x0] =	vst v0  }
0x1c: {  	[tilespmem:s14+$0xFFFFFFF0] =	vst v0  }
0x1d: {  	_ =	swait.ge [sflag:s9], $0x2710  }
0x1e: {  	[sflag:s9] =	ssyncset.done $0x0  }
0x1f: {  	[sflag:s9] =	ssyncadd.s32 $0xFFFFD8F0  }
0x20: {  	_ =	swait.ge [sflag:s9], $0x2710  }
0x21: {  	[sflag:s9] =	ssyncset.done $0x0  }
0x22: {  	s15 =	simm.s32 $0x27A0;
	[sflag:s9] =	ssyncadd.s32 $0xFFFFD8F0  }
0x23: {  	v1 =	vld [tilespmem:s15+$0x20]  }
0x24: {  	s14 =	simm.s32 $0x4F20;
	v3 =	vld [tilespmem:s15+$0xFFFFFFF0]  }
0x25: {  	v2 =	vld [tilespmem:s14+$0x20]  }
0x26: {  	v4 =	vld [tilespmem:s15+$0x0]  }
0x27: {  	v5 =	vld [tilespmem:s15+$0xFFFFFFE0]  }
0x28: {  	v6 =	vld [tilespmem:s14+$0xFFFFFFE0]  }
0x29: {  	v7 =	vld [tilespmem:s14+$0xFFFFFFF0]  }
0x2a: {  	v8 =	vld [tilespmem:s14+$0x0]  }
0x2b: {  	[tilespmem:v1+s2+$0x0] =	vst.idx.add.f32.msk $0xffff, v2  }
0x2c: {  	v2 =	vld [tilespmem:s14+$0x10]  }
0x2d: {  	v1 =	vld [tilespmem:s15+$0x10]  }
0x2e: {  	[tilespmem:v3+s2+$0x0] =	vst.idx.add.f32.msk $0xffff, v7  }
0x2f: {  	[tilespmem:v5+s2+$0x0] =	vst.idx.add.f32.msk $0xffff, v6  }
0x30: {  	s16 =	simm.s32 $0x27F0;
	s15 =	simm.s32 $0x0;
	[tilespmem:v4+s2+$0x0] =	vst.idx.add.f32.msk $0xffff, v8  }
.LBB2_4:
0x31: {  	v3 =	vld [tilespmem:s16+$0x20];
	s15 =	sadd.s32 $0x5, s15;
	v4 =	vmov v2  }
0x32: {  	v5 =	vld [tilespmem:s16+$0xFFFFFFF0];
	p0 =	slt.u32 s15, $0x26C  }
0x33: {  	s14 =	sadd.s32 $0x50, s14;
	v6 =	vld [tilespmem:s16+$0x0]  }
0x34: {  	v2 =	vld [tilespmem:s14+$0x20]  }
0x35: {  	v7 =	vld [tilespmem:s16+$0x10]  }
0x36: {  	v8 =	vld [tilespmem:s16+$0xFFFFFFE0]  }
0x37: {  	v9 =	vld [tilespmem:s14+$0xFFFFFFE0]  }
0x38: {  	v10 =	vld [tilespmem:s14+$0xFFFFFFF0]  }
0x39: {  	[tilespmem:v3+s2+$0x0] =	vst.idx.add.f32.msk $0xffff, v2  }
0x3a: {  	v3 =	vld [tilespmem:s14+$0x0]  }
.Ltmp1:
0x3b: {  	v2 =	vld [tilespmem:s14+$0x10];
	(pc) =	sbr.rel @p0 .LBB2_4-.Ltmp1, $4  }
0x3c: {  	[tilespmem:v1+s2+$0x0] =	vst.idx.add.f32.msk $0xffff, v4;
	v1 =	vmov v7  }
0x3d: {  	[tilespmem:v5+s2+$0x0] =	vst.idx.add.f32.msk $0xffff, v10  }
0x3e: {  	[tilespmem:v8+s2+$0x0] =	vst.idx.add.f32.msk $0xffff, v9  }
0x3f: {  	s16 =	sadd.s32 $0x50, s16;
	[tilespmem:v6+s2+$0x0] =	vst.idx.add.f32.msk $0xffff, v3  }
0x40: {  	_ =	sdelay $0x1  }
0x41: {  	s13 =	sadd.s32 $0x1, s13  }
0x42: {  	p0 =	sne.s32 s13, s6  }
.Ltmp2:
0x43: {  	[tilespmem:v1+s2+$0x0] =	vst.idx.add.f32.msk $0xffff, v2;
	(pc) =	sbr.rel @p0 .LBB2_1-.Ltmp2, $4  }
0x44: {  	[hbm4b:s5+s10] =	stream.strided.scatter [tilespmem:s2], [sflag:$0x2], $0x2780, s11, s10, $0x38;
	[tilespmem:$0x7680] =	vst v63  }
0x45: {  	_ =	swait.ge [sflag:s12], $0x2780  }
0x46: {  	[sflag:s12] =	ssyncset.done $0x0  }
0x47: {  	[sflag:s12] =	ssyncadd.s32 $0xFFFFD880  }
0x48: {  	_ =	sfence.sel $0x180000  }
0x49: {  	[bflag:$0x0] =	sbarrier.arrive $0xFFFF  }
0x4a: {  	p0 =	sne.s32 s0, $0x0;
	_ =	strace $0x90000047  }
0x4b: {  	s0 =	sadd.s32 @!p0 $0x100000, s1;
	[bflag:$0x2] =	sbarrier.arrive $0xFFFF  }
0x4c: {  	[sflag:s0] =	ssyncadd.tile.s32 @!p0 $0x1;
	_ =	shalt  }
.Lfunc_end2:
_tile_overlayer_lowered:
.L_overlay_start_2:
0x4d: {  	(tag) =	ssettag $0x2  }
0x4e: {  	s0 =	rddreg [dreg:$0x0];
	s2 =	stileid.u32  }
0x4f: {  	s1 =	rddreg [dreg:$0x1];
	p0 =	sne.s32 s2, $0x0  }
0x50: {  	s3 =	rddreg [dreg:$0x2];
	[bflag:$0x3] =	sbarrier.arrive $0xFFFF;
	s2 =	simm.s32 @!p0 $0x1C02  }
0x51: {  	[timem:s3], [sflag:s2] =	dma.local @!p0 [hbm:s0], s1  }
0x52: {  	s0 =	simm.s32 @!p0 $0x2  }
0x53: {  	_ =	swait.ge @!p0 [sflag:s0], s1  }
0x54: {  	s1 =	ssub.s32 @!p0 $0x0, s1;
	[sflag:s0] =	ssyncset.done @!p0 $0x0  }
0x55: {  	[sflag:s0] =	ssyncadd.s32 @!p0 s1  }
0x56: {  	[bflag:$0x3] =	sbarrier.arrive $0xFFFF  }
0x57: {  	_ =	shalt  }

</sc_bundles>
